<compile_context>
chip_gen: v7x
topology: tpu7x:2x2x1
jax: 0.10.2.dev20260603
libtpu: 0.0.44.dev20260713+nightly
codegen_flags: <defaults>
</compile_context>

<pallas_src>
import functools
import math

import jax
import jax.numpy as jnp
import numpy as np
from jax import lax
from jax.experimental import pallas as pl
from jax.experimental.pallas import tpu as pltpu
from jax.experimental.pallas import tpu_sc as plsc

D_MODEL = 64
SEQ = 200
BATCH = 4096
VOCAB = 1000000

NUM_CORES = 2
NUM_SUBCORES = 16
NW = NUM_CORES * NUM_SUBCORES
ROWS = BATCH * SEQ
ROWS_PER_W = ROWS // NW
CHUNK = 2 * SEQ
CHUNKS_PER_W = ROWS_PER_W // CHUNK
NCHUNKS = ROWS // CHUNK
GSIZES = (128, 128, 128, 16)
NBUF = 4
ROUNDS = CHUNKS_PER_W // NBUF
LANES = 16


def _pe2_table() -> jnp.ndarray:
    pe = np.zeros((SEQ, D_MODEL), dtype=np.float32)
    pos = np.arange(0, SEQ, dtype=np.float32)[:, None]
    k = np.exp(-math.log(10000.0) * np.arange(0, D_MODEL, 2, dtype=np.float32) / D_MODEL)
    pe[:, 0::2] = np.sin(pos * k)
    pe[:, 1::2] = np.cos(pos * k)
    return jnp.asarray(np.concatenate([pe, pe], axis=0))


_MESH = plsc.VectorSubcoreMesh(core_axis_name="c", subcore_axis_name="s")


@functools.partial(
    pl.kernel,
    out_type=jax.ShapeDtypeStruct((NCHUNKS, CHUNK, D_MODEL), jnp.float32),
    mesh=_MESH,
    compiler_params=pltpu.CompilerParams(use_tc_tiling_on_sc=False),
    scratch_types=[
        pltpu.VMEM((NBUF, CHUNK), jnp.int32),
        pltpu.VMEM((CHUNK, D_MODEL), jnp.float32),
        pltpu.VMEM((NBUF, CHUNK, D_MODEL), jnp.float32),
        [pltpu.SemaphoreType.DMA] * NBUF,
        [pltpu.SemaphoreType.DMA] * NBUF,
        [pltpu.SemaphoreType.DMA] * NBUF,
    ],
)
def _sc_embed(table_hbm, xf_hbm, pe2_hbm, out_hbm, idx_v, pe_v, bufs,
              isems, gsems, osems):
    wid = lax.axis_index("s") * NUM_CORES + lax.axis_index("c")
    row_base = wid * ROWS_PER_W
    chunk_base = wid * CHUNKS_PER_W
    pltpu.sync_copy(pe2_hbm, pe_v)

    def pe_fill(k):
        def row(r, carry):
            for j in range(D_MODEL // LANES):
                bufs[k, r, pl.ds(j * LANES, LANES)] = pe_v[r, pl.ds(j * LANES, LANES)]
            return carry
        lax.fori_loop(0, CHUNK, row, 0)

    def one_round(g, wait_out):
        for k in range(NBUF):
            c = (g * NBUF + k) * CHUNK
            pltpu.async_copy(xf_hbm.at[pl.ds(row_base + c, CHUNK)],
                             idx_v.at[k], isems[k])
            if wait_out:
                pltpu.make_async_copy(bufs.at[k], out_hbm.at[chunk_base],
                                      osems[k]).wait()
            pe_fill(k)
        for k in range(NBUF):
            c = (g * NBUF + k) * CHUNK
            pltpu.make_async_copy(xf_hbm.at[pl.ds(row_base + c, CHUNK)],
                                  idx_v.at[k], isems[k]).wait()
            off = 0
            for gs in GSIZES:
                pltpu.async_copy(
                    table_hbm.at[idx_v.at[k, pl.ds(off, gs)]],
                    bufs.at[k, pl.ds(off, gs)],
                    gsems[k], add=True)
                off += gs
        for k in range(NBUF):
            off = 0
            for gs in GSIZES:
                pltpu.make_async_copy(
                    table_hbm.at[idx_v.at[k, pl.ds(off, gs)]],
                    bufs.at[k, pl.ds(off, gs)],
                    gsems[k]).wait()
                off += gs
            pltpu.async_copy(bufs.at[k], out_hbm.at[chunk_base + g * NBUF + k],
                             osems[k])

    one_round(0, wait_out=False)

    def body(g, carry):
        one_round(g, wait_out=True)
        return carry

    lax.fori_loop(1, ROUNDS, body, 0)

    for k in range(NBUF):
        pltpu.make_async_copy(bufs.at[k], out_hbm.at[chunk_base], osems[k]).wait()


def kernel(x, embedding_weight):
    xf = jnp.clip(x.astype(jnp.int32), 0, VOCAB - 1).reshape(ROWS)
    out = _sc_embed(embedding_weight, xf, _pe2_table())
    return out.reshape(BATCH, SEQ, D_MODEL)

# --- scband reference (transcript-rebuilt; emitter-appended) ---
"""Pipeline reference for scband-input-ready-41832981463523 (READ-ONLY COPY).

The authoritative reference and input builder live on the scoring server;
editing this copy changes nothing except your own understanding.
"""

import jax, jax.numpy as jnp
import numpy as np
import math

D_MODEL = 64
VOCAB = 1000000
MAX_LEN = 300
BATCH = 4096
SEQ = 200


def _make_pe(max_len, d_model):
    pe = np.zeros((max_len, d_model), dtype=np.float32)
    pos = np.arange(0, max_len, dtype=np.float32)[:, None]
    k = np.exp(-math.log(10000.0) * np.arange(0, d_model, 2, dtype=np.float32) / d_model)
    pe[:, 0::2] = np.sin(pos * k)
    pe[:, 1::2] = np.cos(pos * k)
    return jnp.asarray(pe)[None, :, :]  # [1, max_len, d_model]


def setup_inputs(seed: int = 0) -> dict:
    key = jax.random.key(seed)
    k1, k2 = jax.random.split(key)
    x = jax.random.randint(k1, (BATCH, SEQ), 0, VOCAB, dtype=jnp.int64 if jax.config.jax_enable_x64 else jnp.int32)
    embedding_weight = jax.random.normal(k2, (VOCAB, D_MODEL), dtype=jnp.float32) * 0.02
    return {"x": x, "embedding_weight": embedding_weight}


def reference(x, embedding_weight):
    pe = _make_pe(MAX_LEN, D_MODEL)  # deterministic buffer, not learned
    emb = jnp.take(embedding_weight, x, axis=0)  # [B, S, d_model] gather
    return emb + pe[:, : x.shape[1], :]

if __name__ == "__main__":
    import jax
    _d = setup_inputs()
    print(jax.jit(kernel)(*tuple(_d.values())))

</pallas_src>

<mosaic_0001>
#map = affine_map<(d0, d1) -> (0, 0)>
#map1 = affine_map<(d0, d1) -> (0)>
#map2 = affine_map<(d0, d1) -> (0, 0, 0)>
module attributes {stable_mosaic.version = 14 : i64} {
  func.func @_sc_embed(%arg0: i32, %arg1: i32, %arg2: memref<1000000x64xf32, #tpu.memory_space<hbm>>, %arg3: memref<819200xi32, #tpu.memory_space<hbm>>, %arg4: memref<400x64xf32, #tpu.memory_space<hbm>>, %arg5: memref<2048x400x64xf32, #tpu.memory_space<hbm>>, %arg6: memref<4x400xi32, #tpu.memory_space<vmem>>, %arg7: memref<400x64xf32, #tpu.memory_space<vmem>>, %arg8: memref<4x400x64xf32, #tpu.memory_space<vmem>>, %arg9: memref<!tpu.dma_semaphore, #tpu.memory_space<semaphore_mem>>, %arg10: memref<!tpu.dma_semaphore, #tpu.memory_space<semaphore_mem>>, %arg11: memref<!tpu.dma_semaphore, #tpu.memory_space<semaphore_mem>>, %arg12: memref<!tpu.dma_semaphore, #tpu.memory_space<semaphore_mem>>, %arg13: memref<!tpu.dma_semaphore, #tpu.memory_space<semaphore_mem>>, %arg14: memref<!tpu.dma_semaphore, #tpu.memory_space<semaphore_mem>>, %arg15: memref<!tpu.dma_semaphore, #tpu.memory_space<semaphore_mem>>, %arg16: memref<!tpu.dma_semaphore, #tpu.memory_space<semaphore_mem>>, %arg17: memref<!tpu.dma_semaphore, #tpu.memory_space<semaphore_mem>>, %arg18: memref<!tpu.dma_semaphore, #tpu.memory_space<semaphore_mem>>, %arg19: memref<!tpu.dma_semaphore, #tpu.memory_space<semaphore_mem>>, %arg20: memref<!tpu.dma_semaphore, #tpu.memory_space<semaphore_mem>>) attributes {dimension_semantics = [#tpu.dimension_semantics<core_parallel>, #tpu.dimension_semantics<subcore_parallel>], iteration_bounds = array<i64: 2, 16>, scalar_prefetch = 0 : i64, scratch_operands = 15 : i64, tpu.core_type = #tpu.core_type<sc_vector_subcore>, window_params = [{transform_indices = #map}, {transform_indices = #map1}, {transform_indices = #map}, {transform_indices = #map2}]} {
    %mul3A = arith.constant 2 : i32
    %mul3A_0 = arith.muli %arg1, %mul3A : i32
    %add3A = arith.addi %mul3A_0, %arg0 : i32
    %mul3A_1 = arith.constant 25600 : i32
    %mul3A_2 = arith.muli %add3A, %mul3A_1 : i32
    %mul3A_3 = arith.constant 64 : i32
    %mul3A_4 = arith.muli %add3A, %mul3A_3 : i32
    "tpu.region"() ({
      %run_scoped3A = tpu.sem_alloc : memref<!tpu.dma_semaphore, #tpu.memory_space<semaphore_mem>>
      tpu.enqueue_dma source(%arg4 : memref<400x64xf32, #tpu.memory_space<hbm>>) target(%arg7 : memref<400x64xf32, #tpu.memory_space<vmem>>) target_semaphore(%run_scoped3A : memref<!tpu.dma_semaphore, #tpu.memory_space<semaphore_mem>>)
      tpu.wait_dma2 semaphore(%run_scoped3A : memref<!tpu.dma_semaphore, #tpu.memory_space<semaphore_mem>>) src(%arg4 : memref<400x64xf32, #tpu.memory_space<hbm>>) dst(%arg7 : memref<400x64xf32, #tpu.memory_space<vmem>>)
      tpu.yield
    }) : () -> ()
    %add3A_5 = arith.constant 0 : i32
    %add3A_6 = arith.addi %mul3A_2, %add3A_5 : i32
    %dma_start3A = arith.constant 0 : i32
    %dma_start3A_7 = arith.constant 0 : i32
    %dma_start3A_8 = tpu.memref_slice %arg6[%dma_start3A, %dma_start3A_7] : memref<4x400xi32, #tpu.memory_space<vmem>> -> memref<1x400xi32, #tpu.memory_space<vmem>>
    %dma_start3A_9 = tpu.memref_squeeze %dma_start3A_8 : memref<1x400xi32, #tpu.memory_space<vmem>> -> memref<400xi32, #tpu.memory_space<vmem>>
    %dma_start3A_10 = tpu.memref_slice %arg3[%add3A_6] : memref<819200xi32, #tpu.memory_space<hbm>> -> memref<400xi32, #tpu.memory_space<hbm>>
    %dma_start3A_11 = arith.constant 0 : i32
    %dma_start3A_12 = tpu.memref_slice %arg6[%dma_start3A, %dma_start3A_11] : memref<4x400xi32, #tpu.memory_space<vmem>> -> memref<1x400xi32, #tpu.memory_space<vmem>>
    %dma_start3A_13 = tpu.memref_squeeze %dma_start3A_12 : memref<1x400xi32, #tpu.memory_space<vmem>> -> memref<400xi32, #tpu.memory_space<vmem>>
    %dma_start3A_14 = tpu.memref_slice %arg3[%add3A_6] : memref<819200xi32, #tpu.memory_space<hbm>> -> memref<400xi32, #tpu.memory_space<hbm>>
    tpu.enqueue_dma source(%dma_start3A_14 : memref<400xi32, #tpu.memory_space<hbm>>) target(%dma_start3A_13 : memref<400xi32, #tpu.memory_space<vmem>>) target_semaphore(%arg9 : memref<!tpu.dma_semaphore, #tpu.memory_space<semaphore_mem>>)
    %scan3A = arith.constant 0 : i32
    %scan3A_15 = arith.constant 0 : i32
    %scan3A_16 = arith.constant 400 : i32
    %scan3A_17 = arith.addi %scan3A_15, %scan3A_16 : i32
    %scan3A_18 = arith.constant 1 : i32
    scf.for %scan3A_656 = %scan3A_15 to %scan3A_17 step %scan3A_18  : i32 {
      %get3A = arith.index_cast %scan3A_656 : i32 to index
      %get3A_657 = arith.constant 0 : index
      %get3A_658 = tpu.vector_load %arg7[%get3A, %get3A_657] {strides = array<i32>} : memref<400x64xf32, #tpu.memory_space<vmem>>, vector<1x16xf32>,
      %get3A_659 = vector.shape_cast %get3A_658 : vector<1x16xf32> to vector<16xf32>
      %swap3A = arith.constant 0 : i32
      %swap3A_660 = arith.index_cast %swap3A : i32 to index
      %swap3A_661 = arith.index_cast %scan3A_656 : i32 to index
      %swap3A_662 = arith.constant 0 : index
      %swap3A_663 = tpu.vector_load %arg8[%swap3A_660, %swap3A_661, %swap3A_662] {strides = array<i32>} : memref<4x400x64xf32, #tpu.memory_space<vmem>>, vector<1x1x16xf32>,
      %swap3A_664 = vector.shape_cast %swap3A_663 : vector<1x1x16xf32> to vector<16xf32>
      %swap3A_665 = vector.shape_cast %get3A_659 : vector<16xf32> to vector<1x1x16xf32>
      tpu.vector_store %arg8[%swap3A_660, %swap3A_661, %swap3A_662], %swap3A_665 {strides = array<i32>} : memref<4x400x64xf32, #tpu.memory_space<vmem>>, vector<1x1x16xf32>,
      %get3A_666 = arith.index_cast %scan3A_656 : i32 to index
      %get3A_667 = arith.constant 16 : index
      %get3A_668 = tpu.vector_load %arg7[%get3A_666, %get3A_667] {strides = array<i32>} : memref<400x64xf32, #tpu.memory_space<vmem>>, vector<1x16xf32>,
      %get3A_669 = vector.shape_cast %get3A_668 : vector<1x16xf32> to vector<16xf32>
      %swap3A_670 = arith.constant 0 : i32
      %swap3A_671 = arith.index_cast %swap3A_670 : i32 to index
      %swap3A_672 = arith.index_cast %scan3A_656 : i32 to index
      %swap3A_673 = arith.constant 16 : index
      %swap3A_674 = tpu.vector_load %arg8[%swap3A_671, %swap3A_672, %swap3A_673] {strides = array<i32>} : memref<4x400x64xf32, #tpu.memory_space<vmem>>, vector<1x1x16xf32>,
      %swap3A_675 = vector.shape_cast %swap3A_674 : vector<1x1x16xf32> to vector<16xf32>
      %swap3A_676 = vector.shape_cast %get3A_669 : vector<16xf32> to vector<1x1x16xf32>
      tpu.vector_store %arg8[%swap3A_671, %swap3A_672, %swap3A_673], %swap3A_676 {strides = array<i32>} : memref<4x400x64xf32, #tpu.memory_space<vmem>>, vector<1x1x16xf32>,
      %get3A_677 = arith.index_cast %scan3A_656 : i32 to index
      %get3A_678 = arith.constant 32 : index
      %get3A_679 = tpu.vector_load %arg7[%get3A_677, %get3A_678] {strides = array<i32>} : memref<400x64xf32, #tpu.memory_space<vmem>>, vector<1x16xf32>,
      %get3A_680 = vector.shape_cast %get3A_679 : vector<1x16xf32> to vector<16xf32>
      %swap3A_681 = arith.constant 0 : i32
      %swap3A_682 = arith.index_cast %swap3A_681 : i32 to index
      %swap3A_683 = arith.index_cast %scan3A_656 : i32 to index
      %swap3A_684 = arith.constant 32 : index
      %swap3A_685 = tpu.vector_load %arg8[%swap3A_682, %swap3A_683, %swap3A_684] {strides = array<i32>} : memref<4x400x64xf32, #tpu.memory_space<vmem>>, vector<1x1x16xf32>,
      %swap3A_686 = vector.shape_cast %swap3A_685 : vector<1x1x16xf32> to vector<16xf32>
      %swap3A_687 = vector.shape_cast %get3A_680 : vector<16xf32> to vector<1x1x16xf32>
      tpu.vector_store %arg8[%swap3A_682, %swap3A_683, %swap3A_684], %swap3A_687 {strides = array<i32>} : memref<4x400x64xf32, #tpu.memory_space<vmem>>, vector<1x1x16xf32>,
      %get3A_688 = arith.index_cast %scan3A_656 : i32 to index
      %get3A_689 = arith.constant 48 : index
      %get3A_690 = tpu.vector_load %arg7[%get3A_688, %get3A_689] {strides = array<i32>} : memref<400x64xf32, #tpu.memory_space<vmem>>, vector<1x16xf32>,
      %get3A_691 = vector.shape_cast %get3A_690 : vector<1x16xf32> to vector<16xf32>
      %swap3A_692 = arith.constant 0 : i32
      %swap3A_693 = arith.index_cast %swap3A_692 : i32 to index
      %swap3A_694 = arith.index_cast %scan3A_656 : i32 to index
      %swap3A_695 = arith.constant 48 : index
      %swap3A_696 = tpu.vector_load %arg8[%swap3A_693, %swap3A_694, %swap3A_695] {strides = array<i32>} : memref<4x400x64xf32, #tpu.memory_space<vmem>>, vector<1x1x16xf32>,
      %swap3A_697 = vector.shape_cast %swap3A_696 : vector<1x1x16xf32> to vector<16xf32>
      %swap3A_698 = vector.shape_cast %get3A_691 : vector<16xf32> to vector<1x1x16xf32>
      tpu.vector_store %arg8[%swap3A_693, %swap3A_694, %swap3A_695], %swap3A_698 {strides = array<i32>} : memref<4x400x64xf32, #tpu.memory_space<vmem>>, vector<1x1x16xf32>,
    }
    %scan3A_19 = arith.constant 400 : i32
    %add3A_20 = arith.constant 400 : i32
    %add3A_21 = arith.addi %mul3A_2, %add3A_20 : i32
    %dma_start3A_22 = arith.constant 1 : i32
    %dma_start3A_23 = arith.constant 0 : i32
    %dma_start3A_24 = tpu.memref_slice %arg6[%dma_start3A_22, %dma_start3A_23] : memref<4x400xi32, #tpu.memory_space<vmem>> -> memref<1x400xi32, #tpu.memory_space<vmem>>
    %dma_start3A_25 = tpu.memref_squeeze %dma_start3A_24 : memref<1x400xi32, #tpu.memory_space<vmem>> -> memref<400xi32, #tpu.memory_space<vmem>>
    %dma_start3A_26 = tpu.memref_slice %arg3[%add3A_21] : memref<819200xi32, #tpu.memory_space<hbm>> -> memref<400xi32, #tpu.memory_space<hbm>>
    %dma_start3A_27 = arith.constant 0 : i32
    %dma_start3A_28 = tpu.memref_slice %arg6[%dma_start3A_22, %dma_start3A_27] : memref<4x400xi32, #tpu.memory_space<vmem>> -> memref<1x400xi32, #tpu.memory_space<vmem>>
    %dma_start3A_29 = tpu.memref_squeeze %dma_start3A_28 : memref<1x400xi32, #tpu.memory_space<vmem>> -> memref<400xi32, #tpu.memory_space<vmem>>
    %dma_start3A_30 = tpu.memref_slice %arg3[%add3A_21] : memref<819200xi32, #tpu.memory_space<hbm>> -> memref<400xi32, #tpu.memory_space<hbm>>
    tpu.enqueue_dma source(%dma_start3A_30 : memref<400xi32, #tpu.memory_space<hbm>>) target(%dma_start3A_29 : memref<400xi32, #tpu.memory_space<vmem>>) target_semaphore(%arg10 : memref<!tpu.dma_semaphore, #tpu.memory_space<semaphore_mem>>)
    %scan3A_31 = arith.constant 0 : i32
    %scan3A_32 = arith.constant 0 : i32
    %scan3A_33 = arith.constant 400 : i32
    %scan3A_34 = arith.addi %scan3A_32, %scan3A_33 : i32
    %scan3A_35 = arith.constant 1 : i32
    scf.for %scan3A_656 = %scan3A_32 to %scan3A_34 step %scan3A_35  : i32 {
      %get3A = arith.index_cast %scan3A_656 : i32 to index
      %get3A_657 = arith.constant 0 : index
      %get3A_658 = tpu.vector_load %arg7[%get3A, %get3A_657] {strides = array<i32>} : memref<400x64xf32, #tpu.memory_space<vmem>>, vector<1x16xf32>,
      %get3A_659 = vector.shape_cast %get3A_658 : vector<1x16xf32> to vector<16xf32>
      %swap3A = arith.constant 1 : i32
      %swap3A_660 = arith.index_cast %swap3A : i32 to index
      %swap3A_661 = arith.index_cast %scan3A_656 : i32 to index
      %swap3A_662 = arith.constant 0 : index
      %swap3A_663 = tpu.vector_load %arg8[%swap3A_660, %swap3A_661, %swap3A_662] {strides = array<i32>} : memref<4x400x64xf32, #tpu.memory_space<vmem>>, vector<1x1x16xf32>,
      %swap3A_664 = vector.shape_cast %swap3A_663 : vector<1x1x16xf32> to vector<16xf32>
      %swap3A_665 = vector.shape_cast %get3A_659 : vector<16xf32> to vector<1x1x16xf32>
      tpu.vector_store %arg8[%swap3A_660, %swap3A_661, %swap3A_662], %swap3A_665 {strides = array<i32>} : memref<4x400x64xf32, #tpu.memory_space<vmem>>, vector<1x1x16xf32>,
      %get3A_666 = arith.index_cast %scan3A_656 : i32 to index
      %get3A_667 = arith.constant 16 : index
      %get3A_668 = tpu.vector_load %arg7[%get3A_666, %get3A_667] {strides = array<i32>} : memref<400x64xf32, #tpu.memory_space<vmem>>, vector<1x16xf32>,
      %get3A_669 = vector.shape_cast %get3A_668 : vector<1x16xf32> to vector<16xf32>
      %swap3A_670 = arith.constant 1 : i32
      %swap3A_671 = arith.index_cast %swap3A_670 : i32 to index
      %swap3A_672 = arith.index_cast %scan3A_656 : i32 to index
      %swap3A_673 = arith.constant 16 : index
      %swap3A_674 = tpu.vector_load %arg8[%swap3A_671, %swap3A_672, %swap3A_673] {strides = array<i32>} : memref<4x400x64xf32, #tpu.memory_space<vmem>>, vector<1x1x16xf32>,
      %swap3A_675 = vector.shape_cast %swap3A_674 : vector<1x1x16xf32> to vector<16xf32>
      %swap3A_676 = vector.shape_cast %get3A_669 : vector<16xf32> to vector<1x1x16xf32>
      tpu.vector_store %arg8[%swap3A_671, %swap3A_672, %swap3A_673], %swap3A_676 {strides = array<i32>} : memref<4x400x64xf32, #tpu.memory_space<vmem>>, vector<1x1x16xf32>,
      %get3A_677 = arith.index_cast %scan3A_656 : i32 to index
      %get3A_678 = arith.constant 32 : index
      %get3A_679 = tpu.vector_load %arg7[%get3A_677, %get3A_678] {strides = array<i32>} : memref<400x64xf32, #tpu.memory_space<vmem>>, vector<1x16xf32>,
      %get3A_680 = vector.shape_cast %get3A_679 : vector<1x16xf32> to vector<16xf32>
      %swap3A_681 = arith.constant 1 : i32
      %swap3A_682 = arith.index_cast %swap3A_681 : i32 to index
      %swap3A_683 = arith.index_cast %scan3A_656 : i32 to index
      %swap3A_684 = arith.constant 32 : index
      %swap3A_685 = tpu.vector_load %arg8[%swap3A_682, %swap3A_683, %swap3A_684] {strides = array<i32>} : memref<4x400x64xf32, #tpu.memory_space<vmem>>, vector<1x1x16xf32>,
      %swap3A_686 = vector.shape_cast %swap3A_685 : vector<1x1x16xf32> to vector<16xf32>
      %swap3A_687 = vector.shape_cast %get3A_680 : vector<16xf32> to vector<1x1x16xf32>
      tpu.vector_store %arg8[%swap3A_682, %swap3A_683, %swap3A_684], %swap3A_687 {strides = array<i32>} : memref<4x400x64xf32, #tpu.memory_space<vmem>>, vector<1x1x16xf32>,
      %get3A_688 = arith.index_cast %scan3A_656 : i32 to index
      %get3A_689 = arith.constant 48 : index
      %get3A_690 = tpu.vector_load %arg7[%get3A_688, %get3A_689] {strides = array<i32>} : memref<400x64xf32, #tpu.memory_space<vmem>>, vector<1x16xf32>,
      %get3A_691 = vector.shape_cast %get3A_690 : vector<1x16xf32> to vector<16xf32>
      %swap3A_692 = arith.constant 1 : i32
      %swap3A_693 = arith.index_cast %swap3A_692 : i32 to index
      %swap3A_694 = arith.index_cast %scan3A_656 : i32 to index
      %swap3A_695 = arith.constant 48 : index
      %swap3A_696 = tpu.vector_load %arg8[%swap3A_693, %swap3A_694, %swap3A_695] {strides = array<i32>} : memref<4x400x64xf32, #tpu.memory_space<vmem>>, vector<1x1x16xf32>,
      %swap3A_697 = vector.shape_cast %swap3A_696 : vector<1x1x16xf32> to vector<16xf32>
      %swap3A_698 = vector.shape_cast %get3A_691 : vector<16xf32> to vector<1x1x16xf32>
      tpu.vector_store %arg8[%swap3A_693, %swap3A_694, %swap3A_695], %swap3A_698 {strides = array<i32>} : memref<4x400x64xf32, #tpu.memory_space<vmem>>, vector<1x1x16xf32>,
    }
    %scan3A_36 = arith.constant 400 : i32
    %add3A_37 = arith.constant 800 : i32
    %add3A_38 = arith.addi %mul3A_2, %add3A_37 : i32
    %dma_start3A_39 = arith.constant 2 : i32
    %dma_start3A_40 = arith.constant 0 : i32
    %dma_start3A_41 = tpu.memref_slice %arg6[%dma_start3A_39, %dma_start3A_40] : memref<4x400xi32, #tpu.memory_space<vmem>> -> memref<1x400xi32, #tpu.memory_space<vmem>>
    %dma_start3A_42 = tpu.memref_squeeze %dma_start3A_41 : memref<1x400xi32, #tpu.memory_space<vmem>> -> memref<400xi32, #tpu.memory_space<vmem>>
    %dma_start3A_43 = tpu.memref_slice %arg3[%add3A_38] : memref<819200xi32, #tpu.memory_space<hbm>> -> memref<400xi32, #tpu.memory_space<hbm>>
    %dma_start3A_44 = arith.constant 0 : i32
    %dma_start3A_45 = tpu.memref_slice %arg6[%dma_start3A_39, %dma_start3A_44] : memref<4x400xi32, #tpu.memory_space<vmem>> -> memref<1x400xi32, #tpu.memory_space<vmem>>
    %dma_start3A_46 = tpu.memref_squeeze %dma_start3A_45 : memref<1x400xi32, #tpu.memory_space<vmem>> -> memref<400xi32, #tpu.memory_space<vmem>>
    %dma_start3A_47 = tpu.memref_slice %arg3[%add3A_38] : memref<819200xi32, #tpu.memory_space<hbm>> -> memref<400xi32, #tpu.memory_space<hbm>>
    tpu.enqueue_dma source(%dma_start3A_47 : memref<400xi32, #tpu.memory_space<hbm>>) target(%dma_start3A_46 : memref<400xi32, #tpu.memory_space<vmem>>) target_semaphore(%arg11 : memref<!tpu.dma_semaphore, #tpu.memory_space<semaphore_mem>>)
    %scan3A_48 = arith.constant 0 : i32
    %scan3A_49 = arith.constant 0 : i32
    %scan3A_50 = arith.constant 400 : i32
    %scan3A_51 = arith.addi %scan3A_49, %scan3A_50 : i32
    %scan3A_52 = arith.constant 1 : i32
    scf.for %scan3A_656 = %scan3A_49 to %scan3A_51 step %scan3A_52  : i32 {
      %get3A = arith.index_cast %scan3A_656 : i32 to index
      %get3A_657 = arith.constant 0 : index
      %get3A_658 = tpu.vector_load %arg7[%get3A, %get3A_657] {strides = array<i32>} : memref<400x64xf32, #tpu.memory_space<vmem>>, vector<1x16xf32>,
      %get3A_659 = vector.shape_cast %get3A_658 : vector<1x16xf32> to vector<16xf32>
      %swap3A = arith.constant 2 : i32
      %swap3A_660 = arith.index_cast %swap3A : i32 to index
      %swap3A_661 = arith.index_cast %scan3A_656 : i32 to index
      %swap3A_662 = arith.constant 0 : index
      %swap3A_663 = tpu.vector_load %arg8[%swap3A_660, %swap3A_661, %swap3A_662] {strides = array<i32>} : memref<4x400x64xf32, #tpu.memory_space<vmem>>, vector<1x1x16xf32>,
      %swap3A_664 = vector.shape_cast %swap3A_663 : vector<1x1x16xf32> to vector<16xf32>
      %swap3A_665 = vector.shape_cast %get3A_659 : vector<16xf32> to vector<1x1x16xf32>
      tpu.vector_store %arg8[%swap3A_660, %swap3A_661, %swap3A_662], %swap3A_665 {strides = array<i32>} : memref<4x400x64xf32, #tpu.memory_space<vmem>>, vector<1x1x16xf32>,
      %get3A_666 = arith.index_cast %scan3A_656 : i32 to index
      %get3A_667 = arith.constant 16 : index
      %get3A_668 = tpu.vector_load %arg7[%get3A_666, %get3A_667] {strides = array<i32>} : memref<400x64xf32, #tpu.memory_space<vmem>>, vector<1x16xf32>,
      %get3A_669 = vector.shape_cast %get3A_668 : vector<1x16xf32> to vector<16xf32>
      %swap3A_670 = arith.constant 2 : i32
      %swap3A_671 = arith.index_cast %swap3A_670 : i32 to index
      %swap3A_672 = arith.index_cast %scan3A_656 : i32 to index
      %swap3A_673 = arith.constant 16 : index
      %swap3A_674 = tpu.vector_load %arg8[%swap3A_671, %swap3A_672, %swap3A_673] {strides = array<i32>} : memref<4x400x64xf32, #tpu.memory_space<vmem>>, vector<1x1x16xf32>,
      %swap3A_675 = vector.shape_cast %swap3A_674 : vector<1x1x16xf32> to vector<16xf32>
      %swap3A_676 = vector.shape_cast %get3A_669 : vector<16xf32> to vector<1x1x16xf32>
      tpu.vector_store %arg8[%swap3A_671, %swap3A_672, %swap3A_673], %swap3A_676 {strides = array<i32>} : memref<4x400x64xf32, #tpu.memory_space<vmem>>, vector<1x1x16xf32>,
      %get3A_677 = arith.index_cast %scan3A_656 : i32 to index
      %get3A_678 = arith.constant 32 : index
      %get3A_679 = tpu.vector_load %arg7[%get3A_677, %get3A_678] {strides = array<i32>} : memref<400x64xf32, #tpu.memory_space<vmem>>, vector<1x16xf32>,
      %get3A_680 = vector.shape_cast %get3A_679 : vector<1x16xf32> to vector<16xf32>
      %swap3A_681 = arith.constant 2 : i32
      %swap3A_682 = arith.index_cast %swap3A_681 : i32 to index
      %swap3A_683 = arith.index_cast %scan3A_656 : i32 to index
      %swap3A_684 = arith.constant 32 : index
      %swap3A_685 = tpu.vector_load %arg8[%swap3A_682, %swap3A_683, %swap3A_684] {strides = array<i32>} : memref<4x400x64xf32, #tpu.memory_space<vmem>>, vector<1x1x16xf32>,
      %swap3A_686 = vector.shape_cast %swap3A_685 : vector<1x1x16xf32> to vector<16xf32>
      %swap3A_687 = vector.shape_cast %get3A_680 : vector<16xf32> to vector<1x1x16xf32>
      tpu.vector_store %arg8[%swap3A_682, %swap3A_683, %swap3A_684], %swap3A_687 {strides = array<i32>} : memref<4x400x64xf32, #tpu.memory_space<vmem>>, vector<1x1x16xf32>,
      %get3A_688 = arith.index_cast %scan3A_656 : i32 to index
      %get3A_689 = arith.constant 48 : index
      %get3A_690 = tpu.vector_load %arg7[%get3A_688, %get3A_689] {strides = array<i32>} : memref<400x64xf32, #tpu.memory_space<vmem>>, vector<1x16xf32>,
      %get3A_691 = vector.shape_cast %get3A_690 : vector<1x16xf32> to vector<16xf32>
      %swap3A_692 = arith.constant 2 : i32
      %swap3A_693 = arith.index_cast %swap3A_692 : i32 to index
      %swap3A_694 = arith.index_cast %scan3A_656 : i32 to index
      %swap3A_695 = arith.constant 48 : index
      %swap3A_696 = tpu.vector_load %arg8[%swap3A_693, %swap3A_694, %swap3A_695] {strides = array<i32>} : memref<4x400x64xf32, #tpu.memory_space<vmem>>, vector<1x1x16xf32>,
      %swap3A_697 = vector.shape_cast %swap3A_696 : vector<1x1x16xf32> to vector<16xf32>
      %swap3A_698 = vector.shape_cast %get3A_691 : vector<16xf32> to vector<1x1x16xf32>
      tpu.vector_store %arg8[%swap3A_693, %swap3A_694, %swap3A_695], %swap3A_698 {strides = array<i32>} : memref<4x400x64xf32, #tpu.memory_space<vmem>>, vector<1x1x16xf32>,
    }
    %scan3A_53 = arith.constant 400 : i32
    %add3A_54 = arith.constant 1200 : i32
    %add3A_55 = arith.addi %mul3A_2, %add3A_54 : i32
    %dma_start3A_56 = arith.constant 3 : i32
    %dma_start3A_57 = arith.constant 0 : i32
    %dma_start3A_58 = tpu.memref_slice %arg6[%dma_start3A_56, %dma_start3A_57] : memref<4x400xi32, #tpu.memory_space<vmem>> -> memref<1x400xi32, #tpu.memory_space<vmem>>
    %dma_start3A_59 = tpu.memref_squeeze %dma_start3A_58 : memref<1x400xi32, #tpu.memory_space<vmem>> -> memref<400xi32, #tpu.memory_space<vmem>>
    %dma_start3A_60 = tpu.memref_slice %arg3[%add3A_55] : memref<819200xi32, #tpu.memory_space<hbm>> -> memref<400xi32, #tpu.memory_space<hbm>>
    %dma_start3A_61 = arith.constant 0 : i32
    %dma_start3A_62 = tpu.memref_slice %arg6[%dma_start3A_56, %dma_start3A_61] : memref<4x400xi32, #tpu.memory_space<vmem>> -> memref<1x400xi32, #tpu.memory_space<vmem>>
    %dma_start3A_63 = tpu.memref_squeeze %dma_start3A_62 : memref<1x400xi32, #tpu.memory_space<vmem>> -> memref<400xi32, #tpu.memory_space<vmem>>
    %dma_start3A_64 = tpu.memref_slice %arg3[%add3A_55] : memref<819200xi32, #tpu.memory_space<hbm>> -> memref<400xi32, #tpu.memory_space<hbm>>
    tpu.enqueue_dma source(%dma_start3A_64 : memref<400xi32, #tpu.memory_space<hbm>>) target(%dma_start3A_63 : memref<400xi32, #tpu.memory_space<vmem>>) target_semaphore(%arg12 : memref<!tpu.dma_semaphore, #tpu.memory_space<semaphore_mem>>)
    %scan3A_65 = arith.constant 0 : i32
    %scan3A_66 = arith.constant 0 : i32
    %scan3A_67 = arith.constant 400 : i32
    %scan3A_68 = arith.addi %scan3A_66, %scan3A_67 : i32
    %scan3A_69 = arith.constant 1 : i32
    scf.for %scan3A_656 = %scan3A_66 to %scan3A_68 step %scan3A_69  : i32 {
      %get3A = arith.index_cast %scan3A_656 : i32 to index
      %get3A_657 = arith.constant 0 : index
      %get3A_658 = tpu.vector_load %arg7[%get3A, %get3A_657] {strides = array<i32>} : memref<400x64xf32, #tpu.memory_space<vmem>>, vector<1x16xf32>,
      %get3A_659 = vector.shape_cast %get3A_658 : vector<1x16xf32> to vector<16xf32>
      %swap3A = arith.constant 3 : i32
      %swap3A_660 = arith.index_cast %swap3A : i32 to index
      %swap3A_661 = arith.index_cast %scan3A_656 : i32 to index
      %swap3A_662 = arith.constant 0 : index
      %swap3A_663 = tpu.vector_load %arg8[%swap3A_660, %swap3A_661, %swap3A_662] {strides = array<i32>} : memref<4x400x64xf32, #tpu.memory_space<vmem>>, vector<1x1x16xf32>,
      %swap3A_664 = vector.shape_cast %swap3A_663 : vector<1x1x16xf32> to vector<16xf32>
      %swap3A_665 = vector.shape_cast %get3A_659 : vector<16xf32> to vector<1x1x16xf32>
      tpu.vector_store %arg8[%swap3A_660, %swap3A_661, %swap3A_662], %swap3A_665 {strides = array<i32>} : memref<4x400x64xf32, #tpu.memory_space<vmem>>, vector<1x1x16xf32>,
      %get3A_666 = arith.index_cast %scan3A_656 : i32 to index
      %get3A_667 = arith.constant 16 : index
      %get3A_668 = tpu.vector_load %arg7[%get3A_666, %get3A_667] {strides = array<i32>} : memref<400x64xf32, #tpu.memory_space<vmem>>, vector<1x16xf32>,
      %get3A_669 = vector.shape_cast %get3A_668 : vector<1x16xf32> to vector<16xf32>
      %swap3A_670 = arith.constant 3 : i32
      %swap3A_671 = arith.index_cast %swap3A_670 : i32 to index
      %swap3A_672 = arith.index_cast %scan3A_656 : i32 to index
      %swap3A_673 = arith.constant 16 : index
      %swap3A_674 = tpu.vector_load %arg8[%swap3A_671, %swap3A_672, %swap3A_673] {strides = array<i32>} : memref<4x400x64xf32, #tpu.memory_space<vmem>>, vector<1x1x16xf32>,
      %swap3A_675 = vector.shape_cast %swap3A_674 : vector<1x1x16xf32> to vector<16xf32>
      %swap3A_676 = vector.shape_cast %get3A_669 : vector<16xf32> to vector<1x1x16xf32>
      tpu.vector_store %arg8[%swap3A_671, %swap3A_672, %swap3A_673], %swap3A_676 {strides = array<i32>} : memref<4x400x64xf32, #tpu.memory_space<vmem>>, vector<1x1x16xf32>,
      %get3A_677 = arith.index_cast %scan3A_656 : i32 to index
      %get3A_678 = arith.constant 32 : index
      %get3A_679 = tpu.vector_load %arg7[%get3A_677, %get3A_678] {strides = array<i32>} : memref<400x64xf32, #tpu.memory_space<vmem>>, vector<1x16xf32>,
      %get3A_680 = vector.shape_cast %get3A_679 : vector<1x16xf32> to vector<16xf32>
      %swap3A_681 = arith.constant 3 : i32
      %swap3A_682 = arith.index_cast %swap3A_681 : i32 to index
      %swap3A_683 = arith.index_cast %scan3A_656 : i32 to index
      %swap3A_684 = arith.constant 32 : index
      %swap3A_685 = tpu.vector_load %arg8[%swap3A_682, %swap3A_683, %swap3A_684] {strides = array<i32>} : memref<4x400x64xf32, #tpu.memory_space<vmem>>, vector<1x1x16xf32>,
      %swap3A_686 = vector.shape_cast %swap3A_685 : vector<1x1x16xf32> to vector<16xf32>
      %swap3A_687 = vector.shape_cast %get3A_680 : vector<16xf32> to vector<1x1x16xf32>
      tpu.vector_store %arg8[%swap3A_682, %swap3A_683, %swap3A_684], %swap3A_687 {strides = array<i32>} : memref<4x400x64xf32, #tpu.memory_space<vmem>>, vector<1x1x16xf32>,
      %get3A_688 = arith.index_cast %scan3A_656 : i32 to index
      %get3A_689 = arith.constant 48 : index
      %get3A_690 = tpu.vector_load %arg7[%get3A_688, %get3A_689] {strides = array<i32>} : memref<400x64xf32, #tpu.memory_space<vmem>>, vector<1x16xf32>,
      %get3A_691 = vector.shape_cast %get3A_690 : vector<1x16xf32> to vector<16xf32>
      %swap3A_692 = arith.constant 3 : i32
      %swap3A_693 = arith.index_cast %swap3A_692 : i32 to index
      %swap3A_694 = arith.index_cast %scan3A_656 : i32 to index
      %swap3A_695 = arith.constant 48 : index
      %swap3A_696 = tpu.vector_load %arg8[%swap3A_693, %swap3A_694, %swap3A_695] {strides = array<i32>} : memref<4x400x64xf32, #tpu.memory_space<vmem>>, vector<1x1x16xf32>,
      %swap3A_697 = vector.shape_cast %swap3A_696 : vector<1x1x16xf32> to vector<16xf32>
      %swap3A_698 = vector.shape_cast %get3A_691 : vector<16xf32> to vector<1x1x16xf32>
      tpu.vector_store %arg8[%swap3A_693, %swap3A_694, %swap3A_695], %swap3A_698 {strides = array<i32>} : memref<4x400x64xf32, #tpu.memory_space<vmem>>, vector<1x1x16xf32>,
    }
    %scan3A_70 = arith.constant 400 : i32
    %add3A_71 = arith.constant 0 : i32
    %add3A_72 = arith.addi %mul3A_2, %add3A_71 : i32
    %dma_wait3A = arith.constant 0 : i32
    %dma_wait3A_73 = arith.constant 0 : i32
    %dma_wait3A_74 = tpu.memref_slice %arg6[%dma_wait3A, %dma_wait3A_73] : memref<4x400xi32, #tpu.memory_space<vmem>> -> memref<1x400xi32, #tpu.memory_space<vmem>>
    %dma_wait3A_75 = tpu.memref_squeeze %dma_wait3A_74 : memref<1x400xi32, #tpu.memory_space<vmem>> -> memref<400xi32, #tpu.memory_space<vmem>>
    %dma_wait3A_76 = tpu.memref_slice %arg3[%add3A_72] : memref<819200xi32, #tpu.memory_space<hbm>> -> memref<400xi32, #tpu.memory_space<hbm>>
    %dma_wait3A_77 = arith.constant 0 : i32
    %dma_wait3A_78 = tpu.memref_slice %arg6[%dma_wait3A, %dma_wait3A_77] : memref<4x400xi32, #tpu.memory_space<vmem>> -> memref<1x400xi32, #tpu.memory_space<vmem>>
    %dma_wait3A_79 = tpu.memref_squeeze %dma_wait3A_78 : memref<1x400xi32, #tpu.memory_space<vmem>> -> memref<400xi32, #tpu.memory_space<vmem>>
    %dma_wait3A_80 = tpu.memref_slice %arg3[%add3A_72] : memref<819200xi32, #tpu.memory_space<hbm>> -> memref<400xi32, #tpu.memory_space<hbm>>
    tpu.wait_dma2 semaphore(%arg9 : memref<!tpu.dma_semaphore, #tpu.memory_space<semaphore_mem>>) src(%dma_wait3A_80 : memref<400xi32, #tpu.memory_space<hbm>>) dst(%dma_wait3A_79 : memref<400xi32, #tpu.memory_space<vmem>>)
    %dma_start3A_81 = arith.constant 0 : i32
    %dma_start3A_82 = arith.constant 0 : i32
    %dma_start3A_83 = arith.constant 0 : i32
    %dma_start3A_84 = arith.constant 0 : i32
    %dma_start3A_85 = tpu.memref_slice %arg8[%dma_start3A_82, %dma_start3A_83, %dma_start3A_84] : memref<4x400x64xf32, #tpu.memory_space<vmem>> -> memref<1x128x64xf32, #tpu.memory_space<vmem>>
    %dma_start3A_86 = tpu.memref_squeeze %dma_start3A_85 : memref<1x128x64xf32, #tpu.memory_space<vmem>> -> memref<128x64xf32, #tpu.memory_space<vmem>>
    %dma_start3A_87 = arith.constant 0 : i32
    %dma_start3A_88 = tpu.memref_slice %arg6[%dma_start3A_81, %dma_start3A_87] : memref<4x400xi32, #tpu.memory_space<vmem>> -> memref<1x128xi32, #tpu.memory_space<vmem>>
    %dma_start3A_89 = tpu.memref_squeeze %dma_start3A_88 : memref<1x128xi32, #tpu.memory_space<vmem>> -> memref<128xi32, #tpu.memory_space<vmem>>
    %dma_start3A_90 = arith.constant 0 : i32
    %dma_start3A_91 = arith.constant 0 : i32
    %dma_start3A_92 = tpu.memref_slice %arg2[%dma_start3A_90, %dma_start3A_91] : memref<1000000x64xf32, #tpu.memory_space<hbm>> -> memref<1000000x64xf32, #tpu.memory_space<hbm>>
    tpu.enqueue_indirect_dma source(%dma_start3A_92 : memref<1000000x64xf32, #tpu.memory_space<hbm>>) target(%dma_start3A_86 : memref<128x64xf32, #tpu.memory_space<vmem>>) offsets(%dma_start3A_89 : memref<128xi32, #tpu.memory_space<vmem>>) semaphore(%arg13 : memref<!tpu.dma_semaphore, #tpu.memory_space<semaphore_mem>>) {add = true}
    %dma_start3A_93 = arith.constant 0 : i32
    %dma_start3A_94 = arith.constant 0 : i32
    %dma_start3A_95 = arith.constant 128 : i32
    %dma_start3A_96 = arith.constant 0 : i32
    %dma_start3A_97 = tpu.memref_slice %arg8[%dma_start3A_94, %dma_start3A_95, %dma_start3A_96] : memref<4x400x64xf32, #tpu.memory_space<vmem>> -> memref<1x128x64xf32, #tpu.memory_space<vmem>>
    %dma_start3A_98 = tpu.memref_squeeze %dma_start3A_97 : memref<1x128x64xf32, #tpu.memory_space<vmem>> -> memref<128x64xf32, #tpu.memory_space<vmem>>
    %dma_start3A_99 = arith.constant 128 : i32
    %dma_start3A_100 = tpu.memref_slice %arg6[%dma_start3A_93, %dma_start3A_99] : memref<4x400xi32, #tpu.memory_space<vmem>> -> memref<1x128xi32, #tpu.memory_space<vmem>>
    %dma_start3A_101 = tpu.memref_squeeze %dma_start3A_100 : memref<1x128xi32, #tpu.memory_space<vmem>> -> memref<128xi32, #tpu.memory_space<vmem>>
    %dma_start3A_102 = arith.constant 0 : i32
    %dma_start3A_103 = arith.constant 0 : i32
    %dma_start3A_104 = tpu.memref_slice %arg2[%dma_start3A_102, %dma_start3A_103] : memref<1000000x64xf32, #tpu.memory_space<hbm>> -> memref<1000000x64xf32, #tpu.memory_space<hbm>>
    tpu.enqueue_indirect_dma source(%dma_start3A_104 : memref<1000000x64xf32, #tpu.memory_space<hbm>>) target(%dma_start3A_98 : memref<128x64xf32, #tpu.memory_space<vmem>>) offsets(%dma_start3A_101 : memref<128xi32, #tpu.memory_space<vmem>>) semaphore(%arg13 : memref<!tpu.dma_semaphore, #tpu.memory_space<semaphore_mem>>) {add = true}
    %dma_start3A_105 = arith.constant 0 : i32
    %dma_start3A_106 = arith.constant 0 : i32
    %dma_start3A_107 = arith.constant 256 : i32
    %dma_start3A_108 = arith.constant 0 : i32
    %dma_start3A_109 = tpu.memref_slice %arg8[%dma_start3A_106, %dma_start3A_107, %dma_start3A_108] : memref<4x400x64xf32, #tpu.memory_space<vmem>> -> memref<1x128x64xf32, #tpu.memory_space<vmem>>
    %dma_start3A_110 = tpu.memref_squeeze %dma_start3A_109 : memref<1x128x64xf32, #tpu.memory_space<vmem>> -> memref<128x64xf32, #tpu.memory_space<vmem>>
    %dma_start3A_111 = arith.constant 256 : i32
    %dma_start3A_112 = tpu.memref_slice %arg6[%dma_start3A_105, %dma_start3A_111] : memref<4x400xi32, #tpu.memory_space<vmem>> -> memref<1x128xi32, #tpu.memory_space<vmem>>
    %dma_start3A_113 = tpu.memref_squeeze %dma_start3A_112 : memref<1x128xi32, #tpu.memory_space<vmem>> -> memref<128xi32, #tpu.memory_space<vmem>>
    %dma_start3A_114 = arith.constant 0 : i32
    %dma_start3A_115 = arith.constant 0 : i32
    %dma_start3A_116 = tpu.memref_slice %arg2[%dma_start3A_114, %dma_start3A_115] : memref<1000000x64xf32, #tpu.memory_space<hbm>> -> memref<1000000x64xf32, #tpu.memory_space<hbm>>
    tpu.enqueue_indirect_dma source(%dma_start3A_116 : memref<1000000x64xf32, #tpu.memory_space<hbm>>) target(%dma_start3A_110 : memref<128x64xf32, #tpu.memory_space<vmem>>) offsets(%dma_start3A_113 : memref<128xi32, #tpu.memory_space<vmem>>) semaphore(%arg13 : memref<!tpu.dma_semaphore, #tpu.memory_space<semaphore_mem>>) {add = true}
    %dma_start3A_117 = arith.constant 0 : i32
    %dma_start3A_118 = arith.constant 0 : i32
    %dma_start3A_119 = arith.constant 384 : i32
    %dma_start3A_120 = arith.constant 0 : i32
    %dma_start3A_121 = tpu.memref_slice %arg8[%dma_start3A_118, %dma_start3A_119, %dma_start3A_120] : memref<4x400x64xf32, #tpu.memory_space<vmem>> -> memref<1x16x64xf32, #tpu.memory_space<vmem>>
    %dma_start3A_122 = tpu.memref_squeeze %dma_start3A_121 : memref<1x16x64xf32, #tpu.memory_space<vmem>> -> memref<16x64xf32, #tpu.memory_space<vmem>>
    %dma_start3A_123 = arith.constant 384 : i32
    %dma_start3A_124 = tpu.memref_slice %arg6[%dma_start3A_117, %dma_start3A_123] : memref<4x400xi32, #tpu.memory_space<vmem>> -> memref<1x16xi32, #tpu.memory_space<vmem>>
    %dma_start3A_125 = tpu.memref_squeeze %dma_start3A_124 : memref<1x16xi32, #tpu.memory_space<vmem>> -> memref<16xi32, #tpu.memory_space<vmem>>
    %dma_start3A_126 = arith.constant 0 : i32
    %dma_start3A_127 = arith.constant 0 : i32
    %dma_start3A_128 = tpu.memref_slice %arg2[%dma_start3A_126, %dma_start3A_127] : memref<1000000x64xf32, #tpu.memory_space<hbm>> -> memref<1000000x64xf32, #tpu.memory_space<hbm>>
    tpu.enqueue_indirect_dma source(%dma_start3A_128 : memref<1000000x64xf32, #tpu.memory_space<hbm>>) target(%dma_start3A_122 : memref<16x64xf32, #tpu.memory_space<vmem>>) offsets(%dma_start3A_125 : memref<16xi32, #tpu.memory_space<vmem>>) semaphore(%arg13 : memref<!tpu.dma_semaphore, #tpu.memory_space<semaphore_mem>>) {add = true}
    %add3A_129 = arith.constant 400 : i32
    %add3A_130 = arith.addi %mul3A_2, %add3A_129 : i32
    %dma_wait3A_131 = arith.constant 1 : i32
    %dma_wait3A_132 = arith.constant 0 : i32
    %dma_wait3A_133 = tpu.memref_slice %arg6[%dma_wait3A_131, %dma_wait3A_132] : memref<4x400xi32, #tpu.memory_space<vmem>> -> memref<1x400xi32, #tpu.memory_space<vmem>>
    %dma_wait3A_134 = tpu.memref_squeeze %dma_wait3A_133 : memref<1x400xi32, #tpu.memory_space<vmem>> -> memref<400xi32, #tpu.memory_space<vmem>>
    %dma_wait3A_135 = tpu.memref_slice %arg3[%add3A_130] : memref<819200xi32, #tpu.memory_space<hbm>> -> memref<400xi32, #tpu.memory_space<hbm>>
    %dma_wait3A_136 = arith.constant 0 : i32
    %dma_wait3A_137 = tpu.memref_slice %arg6[%dma_wait3A_131, %dma_wait3A_136] : memref<4x400xi32, #tpu.memory_space<vmem>> -> memref<1x400xi32, #tpu.memory_space<vmem>>
    %dma_wait3A_138 = tpu.memref_squeeze %dma_wait3A_137 : memref<1x400xi32, #tpu.memory_space<vmem>> -> memref<400xi32, #tpu.memory_space<vmem>>
    %dma_wait3A_139 = tpu.memref_slice %arg3[%add3A_130] : memref<819200xi32, #tpu.memory_space<hbm>> -> memref<400xi32, #tpu.memory_space<hbm>>
    tpu.wait_dma2 semaphore(%arg10 : memref<!tpu.dma_semaphore, #tpu.memory_space<semaphore_mem>>) src(%dma_wait3A_139 : memref<400xi32, #tpu.memory_space<hbm>>) dst(%dma_wait3A_138 : memref<400xi32, #tpu.memory_space<vmem>>)
    %dma_start3A_140 = arith.constant 1 : i32
    %dma_start3A_141 = arith.constant 1 : i32
    %dma_start3A_142 = arith.constant 0 : i32
    %dma_start3A_143 = arith.constant 0 : i32
    %dma_start3A_144 = tpu.memref_slice %arg8[%dma_start3A_141, %dma_start3A_142, %dma_start3A_143] : memref<4x400x64xf32, #tpu.memory_space<vmem>> -> memref<1x128x64xf32, #tpu.memory_space<vmem>>
    %dma_start3A_145 = tpu.memref_squeeze %dma_start3A_144 : memref<1x128x64xf32, #tpu.memory_space<vmem>> -> memref<128x64xf32, #tpu.memory_space<vmem>>
    %dma_start3A_146 = arith.constant 0 : i32
    %dma_start3A_147 = tpu.memref_slice %arg6[%dma_start3A_140, %dma_start3A_146] : memref<4x400xi32, #tpu.memory_space<vmem>> -> memref<1x128xi32, #tpu.memory_space<vmem>>
    %dma_start3A_148 = tpu.memref_squeeze %dma_start3A_147 : memref<1x128xi32, #tpu.memory_space<vmem>> -> memref<128xi32, #tpu.memory_space<vmem>>
    %dma_start3A_149 = arith.constant 0 : i32
    %dma_start3A_150 = arith.constant 0 : i32
    %dma_start3A_151 = tpu.memref_slice %arg2[%dma_start3A_149, %dma_start3A_150] : memref<1000000x64xf32, #tpu.memory_space<hbm>> -> memref<1000000x64xf32, #tpu.memory_space<hbm>>
    tpu.enqueue_indirect_dma source(%dma_start3A_151 : memref<1000000x64xf32, #tpu.memory_space<hbm>>) target(%dma_start3A_145 : memref<128x64xf32, #tpu.memory_space<vmem>>) offsets(%dma_start3A_148 : memref<128xi32, #tpu.memory_space<vmem>>) semaphore(%arg14 : memref<!tpu.dma_semaphore, #tpu.memory_space<semaphore_mem>>) {add = true}
    %dma_start3A_152 = arith.constant 1 : i32
    %dma_start3A_153 = arith.constant 1 : i32
    %dma_start3A_154 = arith.constant 128 : i32
    %dma_start3A_155 = arith.constant 0 : i32
    %dma_start3A_156 = tpu.memref_slice %arg8[%dma_start3A_153, %dma_start3A_154, %dma_start3A_155] : memref<4x400x64xf32, #tpu.memory_space<vmem>> -> memref<1x128x64xf32, #tpu.memory_space<vmem>>
    %dma_start3A_157 = tpu.memref_squeeze %dma_start3A_156 : memref<1x128x64xf32, #tpu.memory_space<vmem>> -> memref<128x64xf32, #tpu.memory_space<vmem>>
    %dma_start3A_158 = arith.constant 128 : i32
    %dma_start3A_159 = tpu.memref_slice %arg6[%dma_start3A_152, %dma_start3A_158] : memref<4x400xi32, #tpu.memory_space<vmem>> -> memref<1x128xi32, #tpu.memory_space<vmem>>
    %dma_start3A_160 = tpu.memref_squeeze %dma_start3A_159 : memref<1x128xi32, #tpu.memory_space<vmem>> -> memref<128xi32, #tpu.memory_space<vmem>>
    %dma_start3A_161 = arith.constant 0 : i32
    %dma_start3A_162 = arith.constant 0 : i32
    %dma_start3A_163 = tpu.memref_slice %arg2[%dma_start3A_161, %dma_start3A_162] : memref<1000000x64xf32, #tpu.memory_space<hbm>> -> memref<1000000x64xf32, #tpu.memory_space<hbm>>
    tpu.enqueue_indirect_dma source(%dma_start3A_163 : memref<1000000x64xf32, #tpu.memory_space<hbm>>) target(%dma_start3A_157 : memref<128x64xf32, #tpu.memory_space<vmem>>) offsets(%dma_start3A_160 : memref<128xi32, #tpu.memory_space<vmem>>) semaphore(%arg14 : memref<!tpu.dma_semaphore, #tpu.memory_space<semaphore_mem>>) {add = true}
    %dma_start3A_164 = arith.constant 1 : i32
    %dma_start3A_165 = arith.constant 1 : i32
    %dma_start3A_166 = arith.constant 256 : i32
    %dma_start3A_167 = arith.constant 0 : i32
    %dma_start3A_168 = tpu.memref_slice %arg8[%dma_start3A_165, %dma_start3A_166, %dma_start3A_167] : memref<4x400x64xf32, #tpu.memory_space<vmem>> -> memref<1x128x64xf32, #tpu.memory_space<vmem>>
    %dma_start3A_169 = tpu.memref_squeeze %dma_start3A_168 : memref<1x128x64xf32, #tpu.memory_space<vmem>> -> memref<128x64xf32, #tpu.memory_space<vmem>>
    %dma_start3A_170 = arith.constant 256 : i32
    %dma_start3A_171 = tpu.memref_slice %arg6[%dma_start3A_164, %dma_start3A_170] : memref<4x400xi32, #tpu.memory_space<vmem>> -> memref<1x128xi32, #tpu.memory_space<vmem>>
    %dma_start3A_172 = tpu.memref_squeeze %dma_start3A_171 : memref<1x128xi32, #tpu.memory_space<vmem>> -> memref<128xi32, #tpu.memory_space<vmem>>
    %dma_start3A_173 = arith.constant 0 : i32
    %dma_start3A_174 = arith.constant 0 : i32
    %dma_start3A_175 = tpu.memref_slice %arg2[%dma_start3A_173, %dma_start3A_174] : memref<1000000x64xf32, #tpu.memory_space<hbm>> -> memref<1000000x64xf32, #tpu.memory_space<hbm>>
    tpu.enqueue_indirect_dma source(%dma_start3A_175 : memref<1000000x64xf32, #tpu.memory_space<hbm>>) target(%dma_start3A_169 : memref<128x64xf32, #tpu.memory_space<vmem>>) offsets(%dma_start3A_172 : memref<128xi32, #tpu.memory_space<vmem>>) semaphore(%arg14 : memref<!tpu.dma_semaphore, #tpu.memory_space<semaphore_mem>>) {add = true}
    %dma_start3A_176 = arith.constant 1 : i32
    %dma_start3A_177 = arith.constant 1 : i32
    %dma_start3A_178 = arith.constant 384 : i32
    %dma_start3A_179 = arith.constant 0 : i32
    %dma_start3A_180 = tpu.memref_slice %arg8[%dma_start3A_177, %dma_start3A_178, %dma_start3A_179] : memref<4x400x64xf32, #tpu.memory_space<vmem>> -> memref<1x16x64xf32, #tpu.memory_space<vmem>>
    %dma_start3A_181 = tpu.memref_squeeze %dma_start3A_180 : memref<1x16x64xf32, #tpu.memory_space<vmem>> -> memref<16x64xf32, #tpu.memory_space<vmem>>
    %dma_start3A_182 = arith.constant 384 : i32
    %dma_start3A_183 = tpu.memref_slice %arg6[%dma_start3A_176, %dma_start3A_182] : memref<4x400xi32, #tpu.memory_space<vmem>> -> memref<1x16xi32, #tpu.memory_space<vmem>>
    %dma_start3A_184 = tpu.memref_squeeze %dma_start3A_183 : memref<1x16xi32, #tpu.memory_space<vmem>> -> memref<16xi32, #tpu.memory_space<vmem>>
    %dma_start3A_185 = arith.constant 0 : i32
    %dma_start3A_186 = arith.constant 0 : i32
    %dma_start3A_187 = tpu.memref_slice %arg2[%dma_start3A_185, %dma_start3A_186] : memref<1000000x64xf32, #tpu.memory_space<hbm>> -> memref<1000000x64xf32, #tpu.memory_space<hbm>>
    tpu.enqueue_indirect_dma source(%dma_start3A_187 : memref<1000000x64xf32, #tpu.memory_space<hbm>>) target(%dma_start3A_181 : memref<16x64xf32, #tpu.memory_space<vmem>>) offsets(%dma_start3A_184 : memref<16xi32, #tpu.memory_space<vmem>>) semaphore(%arg14 : memref<!tpu.dma_semaphore, #tpu.memory_space<semaphore_mem>>) {add = true}
    %add3A_188 = arith.constant 800 : i32
    %add3A_189 = arith.addi %mul3A_2, %add3A_188 : i32
    %dma_wait3A_190 = arith.constant 2 : i32
    %dma_wait3A_191 = arith.constant 0 : i32
    %dma_wait3A_192 = tpu.memref_slice %arg6[%dma_wait3A_190, %dma_wait3A_191] : memref<4x400xi32, #tpu.memory_space<vmem>> -> memref<1x400xi32, #tpu.memory_space<vmem>>
    %dma_wait3A_193 = tpu.memref_squeeze %dma_wait3A_192 : memref<1x400xi32, #tpu.memory_space<vmem>> -> memref<400xi32, #tpu.memory_space<vmem>>
    %dma_wait3A_194 = tpu.memref_slice %arg3[%add3A_189] : memref<819200xi32, #tpu.memory_space<hbm>> -> memref<400xi32, #tpu.memory_space<hbm>>
    %dma_wait3A_195 = arith.constant 0 : i32
    %dma_wait3A_196 = tpu.memref_slice %arg6[%dma_wait3A_190, %dma_wait3A_195] : memref<4x400xi32, #tpu.memory_space<vmem>> -> memref<1x400xi32, #tpu.memory_space<vmem>>
    %dma_wait3A_197 = tpu.memref_squeeze %dma_wait3A_196 : memref<1x400xi32, #tpu.memory_space<vmem>> -> memref<400xi32, #tpu.memory_space<vmem>>
    %dma_wait3A_198 = tpu.memref_slice %arg3[%add3A_189] : memref<819200xi32, #tpu.memory_space<hbm>> -> memref<400xi32, #tpu.memory_space<hbm>>
    tpu.wait_dma2 semaphore(%arg11 : memref<!tpu.dma_semaphore, #tpu.memory_space<semaphore_mem>>) src(%dma_wait3A_198 : memref<400xi32, #tpu.memory_space<hbm>>) dst(%dma_wait3A_197 : memref<400xi32, #tpu.memory_space<vmem>>)
    %dma_start3A_199 = arith.constant 2 : i32
    %dma_start3A_200 = arith.constant 2 : i32
    %dma_start3A_201 = arith.constant 0 : i32
    %dma_start3A_202 = arith.constant 0 : i32
    %dma_start3A_203 = tpu.memref_slice %arg8[%dma_start3A_200, %dma_start3A_201, %dma_start3A_202] : memref<4x400x64xf32, #tpu.memory_space<vmem>> -> memref<1x128x64xf32, #tpu.memory_space<vmem>>
    %dma_start3A_204 = tpu.memref_squeeze %dma_start3A_203 : memref<1x128x64xf32, #tpu.memory_space<vmem>> -> memref<128x64xf32, #tpu.memory_space<vmem>>
    %dma_start3A_205 = arith.constant 0 : i32
    %dma_start3A_206 = tpu.memref_slice %arg6[%dma_start3A_199, %dma_start3A_205] : memref<4x400xi32, #tpu.memory_space<vmem>> -> memref<1x128xi32, #tpu.memory_space<vmem>>
    %dma_start3A_207 = tpu.memref_squeeze %dma_start3A_206 : memref<1x128xi32, #tpu.memory_space<vmem>> -> memref<128xi32, #tpu.memory_space<vmem>>
    %dma_start3A_208 = arith.constant 0 : i32
    %dma_start3A_209 = arith.constant 0 : i32
    %dma_start3A_210 = tpu.memref_slice %arg2[%dma_start3A_208, %dma_start3A_209] : memref<1000000x64xf32, #tpu.memory_space<hbm>> -> memref<1000000x64xf32, #tpu.memory_space<hbm>>
    tpu.enqueue_indirect_dma source(%dma_start3A_210 : memref<1000000x64xf32, #tpu.memory_space<hbm>>) target(%dma_start3A_204 : memref<128x64xf32, #tpu.memory_space<vmem>>) offsets(%dma_start3A_207 : memref<128xi32, #tpu.memory_space<vmem>>) semaphore(%arg15 : memref<!tpu.dma_semaphore, #tpu.memory_space<semaphore_mem>>) {add = true}
    %dma_start3A_211 = arith.constant 2 : i32
    %dma_start3A_212 = arith.constant 2 : i32
    %dma_start3A_213 = arith.constant 128 : i32
    %dma_start3A_214 = arith.constant 0 : i32
    %dma_start3A_215 = tpu.memref_slice %arg8[%dma_start3A_212, %dma_start3A_213, %dma_start3A_214] : memref<4x400x64xf32, #tpu.memory_space<vmem>> -> memref<1x128x64xf32, #tpu.memory_space<vmem>>
    %dma_start3A_216 = tpu.memref_squeeze %dma_start3A_215 : memref<1x128x64xf32, #tpu.memory_space<vmem>> -> memref<128x64xf32, #tpu.memory_space<vmem>>
    %dma_start3A_217 = arith.constant 128 : i32
    %dma_start3A_218 = tpu.memref_slice %arg6[%dma_start3A_211, %dma_start3A_217] : memref<4x400xi32, #tpu.memory_space<vmem>> -> memref<1x128xi32, #tpu.memory_space<vmem>>
    %dma_start3A_219 = tpu.memref_squeeze %dma_start3A_218 : memref<1x128xi32, #tpu.memory_space<vmem>> -> memref<128xi32, #tpu.memory_space<vmem>>
    %dma_start3A_220 = arith.constant 0 : i32
    %dma_start3A_221 = arith.constant 0 : i32
    %dma_start3A_222 = tpu.memref_slice %arg2[%dma_start3A_220, %dma_start3A_221] : memref<1000000x64xf32, #tpu.memory_space<hbm>> -> memref<1000000x64xf32, #tpu.memory_space<hbm>>
    tpu.enqueue_indirect_dma source(%dma_start3A_222 : memref<1000000x64xf32, #tpu.memory_space<hbm>>) target(%dma_start3A_216 : memref<128x64xf32, #tpu.memory_space<vmem>>) offsets(%dma_start3A_219 : memref<128xi32, #tpu.memory_space<vmem>>) semaphore(%arg15 : memref<!tpu.dma_semaphore, #tpu.memory_space<semaphore_mem>>) {add = true}
    %dma_start3A_223 = arith.constant 2 : i32
    %dma_start3A_224 = arith.constant 2 : i32
    %dma_start3A_225 = arith.constant 256 : i32
    %dma_start3A_226 = arith.constant 0 : i32
    %dma_start3A_227 = tpu.memref_slice %arg8[%dma_start3A_224, %dma_start3A_225, %dma_start3A_226] : memref<4x400x64xf32, #tpu.memory_space<vmem>> -> memref<1x128x64xf32, #tpu.memory_space<vmem>>
    %dma_start3A_228 = tpu.memref_squeeze %dma_start3A_227 : memref<1x128x64xf32, #tpu.memory_space<vmem>> -> memref<128x64xf32, #tpu.memory_space<vmem>>
    %dma_start3A_229 = arith.constant 256 : i32
    %dma_start3A_230 = tpu.memref_slice %arg6[%dma_start3A_223, %dma_start3A_229] : memref<4x400xi32, #tpu.memory_space<vmem>> -> memref<1x128xi32, #tpu.memory_space<vmem>>
    %dma_start3A_231 = tpu.memref_squeeze %dma_start3A_230 : memref<1x128xi32, #tpu.memory_space<vmem>> -> memref<128xi32, #tpu.memory_space<vmem>>
    %dma_start3A_232 = arith.constant 0 : i32
    %dma_start3A_233 = arith.constant 0 : i32
    %dma_start3A_234 = tpu.memref_slice %arg2[%dma_start3A_232, %dma_start3A_233] : memref<1000000x64xf32, #tpu.memory_space<hbm>> -> memref<1000000x64xf32, #tpu.memory_space<hbm>>
    tpu.enqueue_indirect_dma source(%dma_start3A_234 : memref<1000000x64xf32, #tpu.memory_space<hbm>>) target(%dma_start3A_228 : memref<128x64xf32, #tpu.memory_space<vmem>>) offsets(%dma_start3A_231 : memref<128xi32, #tpu.memory_space<vmem>>) semaphore(%arg15 : memref<!tpu.dma_semaphore, #tpu.memory_space<semaphore_mem>>) {add = true}
    %dma_start3A_235 = arith.constant 2 : i32
    %dma_start3A_236 = arith.constant 2 : i32
    %dma_start3A_237 = arith.constant 384 : i32
    %dma_start3A_238 = arith.constant 0 : i32
    %dma_start3A_239 = tpu.memref_slice %arg8[%dma_start3A_236, %dma_start3A_237, %dma_start3A_238] : memref<4x400x64xf32, #tpu.memory_space<vmem>> -> memref<1x16x64xf32, #tpu.memory_space<vmem>>
    %dma_start3A_240 = tpu.memref_squeeze %dma_start3A_239 : memref<1x16x64xf32, #tpu.memory_space<vmem>> -> memref<16x64xf32, #tpu.memory_space<vmem>>
    %dma_start3A_241 = arith.constant 384 : i32
    %dma_start3A_242 = tpu.memref_slice %arg6[%dma_start3A_235, %dma_start3A_241] : memref<4x400xi32, #tpu.memory_space<vmem>> -> memref<1x16xi32, #tpu.memory_space<vmem>>
    %dma_start3A_243 = tpu.memref_squeeze %dma_start3A_242 : memref<1x16xi32, #tpu.memory_space<vmem>> -> memref<16xi32, #tpu.memory_space<vmem>>
    %dma_start3A_244 = arith.constant 0 : i32
    %dma_start3A_245 = arith.constant 0 : i32
    %dma_start3A_246 = tpu.memref_slice %arg2[%dma_start3A_244, %dma_start3A_245] : memref<1000000x64xf32, #tpu.memory_space<hbm>> -> memref<1000000x64xf32, #tpu.memory_space<hbm>>
    tpu.enqueue_indirect_dma source(%dma_start3A_246 : memref<1000000x64xf32, #tpu.memory_space<hbm>>) target(%dma_start3A_240 : memref<16x64xf32, #tpu.memory_space<vmem>>) offsets(%dma_start3A_243 : memref<16xi32, #tpu.memory_space<vmem>>) semaphore(%arg15 : memref<!tpu.dma_semaphore, #tpu.memory_space<semaphore_mem>>) {add = true}
    %add3A_247 = arith.constant 1200 : i32
    %add3A_248 = arith.addi %mul3A_2, %add3A_247 : i32
    %dma_wait3A_249 = arith.constant 3 : i32
    %dma_wait3A_250 = arith.constant 0 : i32
    %dma_wait3A_251 = tpu.memref_slice %arg6[%dma_wait3A_249, %dma_wait3A_250] : memref<4x400xi32, #tpu.memory_space<vmem>> -> memref<1x400xi32, #tpu.memory_space<vmem>>
    %dma_wait3A_252 = tpu.memref_squeeze %dma_wait3A_251 : memref<1x400xi32, #tpu.memory_space<vmem>> -> memref<400xi32, #tpu.memory_space<vmem>>
    %dma_wait3A_253 = tpu.memref_slice %arg3[%add3A_248] : memref<819200xi32, #tpu.memory_space<hbm>> -> memref<400xi32, #tpu.memory_space<hbm>>
    %dma_wait3A_254 = arith.constant 0 : i32
    %dma_wait3A_255 = tpu.memref_slice %arg6[%dma_wait3A_249, %dma_wait3A_254] : memref<4x400xi32, #tpu.memory_space<vmem>> -> memref<1x400xi32, #tpu.memory_space<vmem>>
    %dma_wait3A_256 = tpu.memref_squeeze %dma_wait3A_255 : memref<1x400xi32, #tpu.memory_space<vmem>> -> memref<400xi32, #tpu.memory_space<vmem>>
    %dma_wait3A_257 = tpu.memref_slice %arg3[%add3A_248] : memref<819200xi32, #tpu.memory_space<hbm>> -> memref<400xi32, #tpu.memory_space<hbm>>
    tpu.wait_dma2 semaphore(%arg12 : memref<!tpu.dma_semaphore, #tpu.memory_space<semaphore_mem>>) src(%dma_wait3A_257 : memref<400xi32, #tpu.memory_space<hbm>>) dst(%dma_wait3A_256 : memref<400xi32, #tpu.memory_space<vmem>>)
    %dma_start3A_258 = arith.constant 3 : i32
    %dma_start3A_259 = arith.constant 3 : i32
    %dma_start3A_260 = arith.constant 0 : i32
    %dma_start3A_261 = arith.constant 0 : i32
    %dma_start3A_262 = tpu.memref_slice %arg8[%dma_start3A_259, %dma_start3A_260, %dma_start3A_261] : memref<4x400x64xf32, #tpu.memory_space<vmem>> -> memref<1x128x64xf32, #tpu.memory_space<vmem>>
    %dma_start3A_263 = tpu.memref_squeeze %dma_start3A_262 : memref<1x128x64xf32, #tpu.memory_space<vmem>> -> memref<128x64xf32, #tpu.memory_space<vmem>>
    %dma_start3A_264 = arith.constant 0 : i32
    %dma_start3A_265 = tpu.memref_slice %arg6[%dma_start3A_258, %dma_start3A_264] : memref<4x400xi32, #tpu.memory_space<vmem>> -> memref<1x128xi32, #tpu.memory_space<vmem>>
    %dma_start3A_266 = tpu.memref_squeeze %dma_start3A_265 : memref<1x128xi32, #tpu.memory_space<vmem>> -> memref<128xi32, #tpu.memory_space<vmem>>
    %dma_start3A_267 = arith.constant 0 : i32
    %dma_start3A_268 = arith.constant 0 : i32
    %dma_start3A_269 = tpu.memref_slice %arg2[%dma_start3A_267, %dma_start3A_268] : memref<1000000x64xf32, #tpu.memory_space<hbm>> -> memref<1000000x64xf32, #tpu.memory_space<hbm>>
    tpu.enqueue_indirect_dma source(%dma_start3A_269 : memref<1000000x64xf32, #tpu.memory_space<hbm>>) target(%dma_start3A_263 : memref<128x64xf32, #tpu.memory_space<vmem>>) offsets(%dma_start3A_266 : memref<128xi32, #tpu.memory_space<vmem>>) semaphore(%arg16 : memref<!tpu.dma_semaphore, #tpu.memory_space<semaphore_mem>>) {add = true}
    %dma_start3A_270 = arith.constant 3 : i32
    %dma_start3A_271 = arith.constant 3 : i32
    %dma_start3A_272 = arith.constant 128 : i32
    %dma_start3A_273 = arith.constant 0 : i32
    %dma_start3A_274 = tpu.memref_slice %arg8[%dma_start3A_271, %dma_start3A_272, %dma_start3A_273] : memref<4x400x64xf32, #tpu.memory_space<vmem>> -> memref<1x128x64xf32, #tpu.memory_space<vmem>>
    %dma_start3A_275 = tpu.memref_squeeze %dma_start3A_274 : memref<1x128x64xf32, #tpu.memory_space<vmem>> -> memref<128x64xf32, #tpu.memory_space<vmem>>
    %dma_start3A_276 = arith.constant 128 : i32
    %dma_start3A_277 = tpu.memref_slice %arg6[%dma_start3A_270, %dma_start3A_276] : memref<4x400xi32, #tpu.memory_space<vmem>> -> memref<1x128xi32, #tpu.memory_space<vmem>>
    %dma_start3A_278 = tpu.memref_squeeze %dma_start3A_277 : memref<1x128xi32, #tpu.memory_space<vmem>> -> memref<128xi32, #tpu.memory_space<vmem>>
    %dma_start3A_279 = arith.constant 0 : i32
    %dma_start3A_280 = arith.constant 0 : i32
    %dma_start3A_281 = tpu.memref_slice %arg2[%dma_start3A_279, %dma_start3A_280] : memref<1000000x64xf32, #tpu.memory_space<hbm>> -> memref<1000000x64xf32, #tpu.memory_space<hbm>>
    tpu.enqueue_indirect_dma source(%dma_start3A_281 : memref<1000000x64xf32, #tpu.memory_space<hbm>>) target(%dma_start3A_275 : memref<128x64xf32, #tpu.memory_space<vmem>>) offsets(%dma_start3A_278 : memref<128xi32, #tpu.memory_space<vmem>>) semaphore(%arg16 : memref<!tpu.dma_semaphore, #tpu.memory_space<semaphore_mem>>) {add = true}
    %dma_start3A_282 = arith.constant 3 : i32
    %dma_start3A_283 = arith.constant 3 : i32
    %dma_start3A_284 = arith.constant 256 : i32
    %dma_start3A_285 = arith.constant 0 : i32
    %dma_start3A_286 = tpu.memref_slice %arg8[%dma_start3A_283, %dma_start3A_284, %dma_start3A_285] : memref<4x400x64xf32, #tpu.memory_space<vmem>> -> memref<1x128x64xf32, #tpu.memory_space<vmem>>
    %dma_start3A_287 = tpu.memref_squeeze %dma_start3A_286 : memref<1x128x64xf32, #tpu.memory_space<vmem>> -> memref<128x64xf32, #tpu.memory_space<vmem>>
    %dma_start3A_288 = arith.constant 256 : i32
    %dma_start3A_289 = tpu.memref_slice %arg6[%dma_start3A_282, %dma_start3A_288] : memref<4x400xi32, #tpu.memory_space<vmem>> -> memref<1x128xi32, #tpu.memory_space<vmem>>
    %dma_start3A_290 = tpu.memref_squeeze %dma_start3A_289 : memref<1x128xi32, #tpu.memory_space<vmem>> -> memref<128xi32, #tpu.memory_space<vmem>>
    %dma_start3A_291 = arith.constant 0 : i32
    %dma_start3A_292 = arith.constant 0 : i32
    %dma_start3A_293 = tpu.memref_slice %arg2[%dma_start3A_291, %dma_start3A_292] : memref<1000000x64xf32, #tpu.memory_space<hbm>> -> memref<1000000x64xf32, #tpu.memory_space<hbm>>
    tpu.enqueue_indirect_dma source(%dma_start3A_293 : memref<1000000x64xf32, #tpu.memory_space<hbm>>) target(%dma_start3A_287 : memref<128x64xf32, #tpu.memory_space<vmem>>) offsets(%dma_start3A_290 : memref<128xi32, #tpu.memory_space<vmem>>) semaphore(%arg16 : memref<!tpu.dma_semaphore, #tpu.memory_space<semaphore_mem>>) {add = true}
    %dma_start3A_294 = arith.constant 3 : i32
    %dma_start3A_295 = arith.constant 3 : i32
    %dma_start3A_296 = arith.constant 384 : i32
    %dma_start3A_297 = arith.constant 0 : i32
    %dma_start3A_298 = tpu.memref_slice %arg8[%dma_start3A_295, %dma_start3A_296, %dma_start3A_297] : memref<4x400x64xf32, #tpu.memory_space<vmem>> -> memref<1x16x64xf32, #tpu.memory_space<vmem>>
    %dma_start3A_299 = tpu.memref_squeeze %dma_start3A_298 : memref<1x16x64xf32, #tpu.memory_space<vmem>> -> memref<16x64xf32, #tpu.memory_space<vmem>>
    %dma_start3A_300 = arith.constant 384 : i32
    %dma_start3A_301 = tpu.memref_slice %arg6[%dma_start3A_294, %dma_start3A_300] : memref<4x400xi32, #tpu.memory_space<vmem>> -> memref<1x16xi32, #tpu.memory_space<vmem>>
    %dma_start3A_302 = tpu.memref_squeeze %dma_start3A_301 : memref<1x16xi32, #tpu.memory_space<vmem>> -> memref<16xi32, #tpu.memory_space<vmem>>
    %dma_start3A_303 = arith.constant 0 : i32
    %dma_start3A_304 = arith.constant 0 : i32
    %dma_start3A_305 = tpu.memref_slice %arg2[%dma_start3A_303, %dma_start3A_304] : memref<1000000x64xf32, #tpu.memory_space<hbm>> -> memref<1000000x64xf32, #tpu.memory_space<hbm>>
    tpu.enqueue_indirect_dma source(%dma_start3A_305 : memref<1000000x64xf32, #tpu.memory_space<hbm>>) target(%dma_start3A_299 : memref<16x64xf32, #tpu.memory_space<vmem>>) offsets(%dma_start3A_302 : memref<16xi32, #tpu.memory_space<vmem>>) semaphore(%arg16 : memref<!tpu.dma_semaphore, #tpu.memory_space<semaphore_mem>>) {add = true}
    %dma_wait3A_306 = arith.constant 0 : i32
    %dma_wait3A_307 = arith.constant 0 : i32
    %dma_wait3A_308 = arith.constant 0 : i32
    %dma_wait3A_309 = arith.constant 0 : i32
    %dma_wait3A_310 = tpu.memref_slice %arg8[%dma_wait3A_307, %dma_wait3A_308, %dma_wait3A_309] : memref<4x400x64xf32, #tpu.memory_space<vmem>> -> memref<1x128x64xf32, #tpu.memory_space<vmem>>
    %dma_wait3A_311 = tpu.memref_squeeze %dma_wait3A_310 : memref<1x128x64xf32, #tpu.memory_space<vmem>> -> memref<128x64xf32, #tpu.memory_space<vmem>>
    %dma_wait3A_312 = arith.constant 0 : i32
    %dma_wait3A_313 = tpu.memref_slice %arg6[%dma_wait3A_306, %dma_wait3A_312] : memref<4x400xi32, #tpu.memory_space<vmem>> -> memref<1x128xi32, #tpu.memory_space<vmem>>
    %dma_wait3A_314 = tpu.memref_squeeze %dma_wait3A_313 : memref<1x128xi32, #tpu.memory_space<vmem>> -> memref<128xi32, #tpu.memory_space<vmem>>
    %dma_wait3A_315 = arith.constant 0 : i32
    %dma_wait3A_316 = arith.constant 0 : i32
    %dma_wait3A_317 = tpu.memref_slice %arg2[%dma_wait3A_315, %dma_wait3A_316] : memref<1000000x64xf32, #tpu.memory_space<hbm>> -> memref<1000000x64xf32, #tpu.memory_space<hbm>>
    tpu.wait_indirect_dma semaphore(%arg13 : memref<!tpu.dma_semaphore, #tpu.memory_space<semaphore_mem>>) src(%dma_wait3A_317 : memref<1000000x64xf32, #tpu.memory_space<hbm>>) dst(%dma_wait3A_311 : memref<128x64xf32, #tpu.memory_space<vmem>>)
    %dma_wait3A_318 = arith.constant 0 : i32
    %dma_wait3A_319 = arith.constant 0 : i32
    %dma_wait3A_320 = arith.constant 128 : i32
    %dma_wait3A_321 = arith.constant 0 : i32
    %dma_wait3A_322 = tpu.memref_slice %arg8[%dma_wait3A_319, %dma_wait3A_320, %dma_wait3A_321] : memref<4x400x64xf32, #tpu.memory_space<vmem>> -> memref<1x128x64xf32, #tpu.memory_space<vmem>>
    %dma_wait3A_323 = tpu.memref_squeeze %dma_wait3A_322 : memref<1x128x64xf32, #tpu.memory_space<vmem>> -> memref<128x64xf32, #tpu.memory_space<vmem>>
    %dma_wait3A_324 = arith.constant 128 : i32
    %dma_wait3A_325 = tpu.memref_slice %arg6[%dma_wait3A_318, %dma_wait3A_324] : memref<4x400xi32, #tpu.memory_space<vmem>> -> memref<1x128xi32, #tpu.memory_space<vmem>>
    %dma_wait3A_326 = tpu.memref_squeeze %dma_wait3A_325 : memref<1x128xi32, #tpu.memory_space<vmem>> -> memref<128xi32, #tpu.memory_space<vmem>>
    %dma_wait3A_327 = arith.constant 0 : i32
    %dma_wait3A_328 = arith.constant 0 : i32
    %dma_wait3A_329 = tpu.memref_slice %arg2[%dma_wait3A_327, %dma_wait3A_328] : memref<1000000x64xf32, #tpu.memory_space<hbm>> -> memref<1000000x64xf32, #tpu.memory_space<hbm>>
    tpu.wait_indirect_dma semaphore(%arg13 : memref<!tpu.dma_semaphore, #tpu.memory_space<semaphore_mem>>) src(%dma_wait3A_329 : memref<1000000x64xf32, #tpu.memory_space<hbm>>) dst(%dma_wait3A_323 : memref<128x64xf32, #tpu.memory_space<vmem>>)
    %dma_wait3A_330 = arith.constant 0 : i32
    %dma_wait3A_331 = arith.constant 0 : i32
    %dma_wait3A_332 = arith.constant 256 : i32
    %dma_wait3A_333 = arith.constant 0 : i32
    %dma_wait3A_334 = tpu.memref_slice %arg8[%dma_wait3A_331, %dma_wait3A_332, %dma_wait3A_333] : memref<4x400x64xf32, #tpu.memory_space<vmem>> -> memref<1x128x64xf32, #tpu.memory_space<vmem>>
    %dma_wait3A_335 = tpu.memref_squeeze %dma_wait3A_334 : memref<1x128x64xf32, #tpu.memory_space<vmem>> -> memref<128x64xf32, #tpu.memory_space<vmem>>
    %dma_wait3A_336 = arith.constant 256 : i32
    %dma_wait3A_337 = tpu.memref_slice %arg6[%dma_wait3A_330, %dma_wait3A_336] : memref<4x400xi32, #tpu.memory_space<vmem>> -> memref<1x128xi32, #tpu.memory_space<vmem>>
    %dma_wait3A_338 = tpu.memref_squeeze %dma_wait3A_337 : memref<1x128xi32, #tpu.memory_space<vmem>> -> memref<128xi32, #tpu.memory_space<vmem>>
    %dma_wait3A_339 = arith.constant 0 : i32
    %dma_wait3A_340 = arith.constant 0 : i32
    %dma_wait3A_341 = tpu.memref_slice %arg2[%dma_wait3A_339, %dma_wait3A_340] : memref<1000000x64xf32, #tpu.memory_space<hbm>> -> memref<1000000x64xf32, #tpu.memory_space<hbm>>
    tpu.wait_indirect_dma semaphore(%arg13 : memref<!tpu.dma_semaphore, #tpu.memory_space<semaphore_mem>>) src(%dma_wait3A_341 : memref<1000000x64xf32, #tpu.memory_space<hbm>>) dst(%dma_wait3A_335 : memref<128x64xf32, #tpu.memory_space<vmem>>)
    %dma_wait3A_342 = arith.constant 0 : i32
    %dma_wait3A_343 = arith.constant 0 : i32
    %dma_wait3A_344 = arith.constant 384 : i32
    %dma_wait3A_345 = arith.constant 0 : i32
    %dma_wait3A_346 = tpu.memref_slice %arg8[%dma_wait3A_343, %dma_wait3A_344, %dma_wait3A_345] : memref<4x400x64xf32, #tpu.memory_space<vmem>> -> memref<1x16x64xf32, #tpu.memory_space<vmem>>
    %dma_wait3A_347 = tpu.memref_squeeze %dma_wait3A_346 : memref<1x16x64xf32, #tpu.memory_space<vmem>> -> memref<16x64xf32, #tpu.memory_space<vmem>>
    %dma_wait3A_348 = arith.constant 384 : i32
    %dma_wait3A_349 = tpu.memref_slice %arg6[%dma_wait3A_342, %dma_wait3A_348] : memref<4x400xi32, #tpu.memory_space<vmem>> -> memref<1x16xi32, #tpu.memory_space<vmem>>
    %dma_wait3A_350 = tpu.memref_squeeze %dma_wait3A_349 : memref<1x16xi32, #tpu.memory_space<vmem>> -> memref<16xi32, #tpu.memory_space<vmem>>
    %dma_wait3A_351 = arith.constant 0 : i32
    %dma_wait3A_352 = arith.constant 0 : i32
    %dma_wait3A_353 = tpu.memref_slice %arg2[%dma_wait3A_351, %dma_wait3A_352] : memref<1000000x64xf32, #tpu.memory_space<hbm>> -> memref<1000000x64xf32, #tpu.memory_space<hbm>>
    tpu.wait_indirect_dma semaphore(%arg13 : memref<!tpu.dma_semaphore, #tpu.memory_space<semaphore_mem>>) src(%dma_wait3A_353 : memref<1000000x64xf32, #tpu.memory_space<hbm>>) dst(%dma_wait3A_347 : memref<16x64xf32, #tpu.memory_space<vmem>>)
    %add3A_354 = arith.constant 0 : i32
    %add3A_355 = arith.addi %mul3A_4, %add3A_354 : i32
    %add3A_356 = arith.constant 0 : i32
    %add3A_357 = arith.addi %add3A_355, %add3A_356 : i32
    %dma_start3A_358 = arith.constant 0 : i32
    %dma_start3A_359 = arith.constant 0 : i32
    %dma_start3A_360 = arith.constant 0 : i32
    %dma_start3A_361 = tpu.memref_slice %arg8[%dma_start3A_358, %dma_start3A_359, %dma_start3A_360] : memref<4x400x64xf32, #tpu.memory_space<vmem>> -> memref<1x400x64xf32, #tpu.memory_space<vmem>>
    %dma_start3A_362 = tpu.memref_squeeze %dma_start3A_361 : memref<1x400x64xf32, #tpu.memory_space<vmem>> -> memref<400x64xf32, #tpu.memory_space<vmem>>
    %dma_start3A_363 = arith.constant 0 : i32
    %dma_start3A_364 = arith.constant 0 : i32
    %dma_start3A_365 = tpu.memref_slice %arg5[%add3A_357, %dma_start3A_363, %dma_start3A_364] : memref<2048x400x64xf32, #tpu.memory_space<hbm>> -> memref<1x400x64xf32, #tpu.memory_space<hbm>>
    %dma_start3A_366 = tpu.memref_squeeze %dma_start3A_365 : memref<1x400x64xf32, #tpu.memory_space<hbm>> -> memref<400x64xf32, #tpu.memory_space<hbm>>
    %dma_start3A_367 = arith.constant 0 : i32
    %dma_start3A_368 = arith.constant 0 : i32
    %dma_start3A_369 = tpu.memref_slice %arg5[%add3A_357, %dma_start3A_367, %dma_start3A_368] : memref<2048x400x64xf32, #tpu.memory_space<hbm>> -> memref<1x400x64xf32, #tpu.memory_space<hbm>>
    %dma_start3A_370 = tpu.memref_squeeze %dma_start3A_369 : memref<1x400x64xf32, #tpu.memory_space<hbm>> -> memref<400x64xf32, #tpu.memory_space<hbm>>
    %dma_start3A_371 = arith.constant 0 : i32
    %dma_start3A_372 = arith.constant 0 : i32
    %dma_start3A_373 = tpu.memref_slice %arg8[%dma_start3A_358, %dma_start3A_371, %dma_start3A_372] : memref<4x400x64xf32, #tpu.memory_space<vmem>> -> memref<1x400x64xf32, #tpu.memory_space<vmem>>
    %dma_start3A_374 = tpu.memref_squeeze %dma_start3A_373 : memref<1x400x64xf32, #tpu.memory_space<vmem>> -> memref<400x64xf32, #tpu.memory_space<vmem>>
    tpu.enqueue_dma source(%dma_start3A_374 : memref<400x64xf32, #tpu.memory_space<vmem>>) target(%dma_start3A_370 : memref<400x64xf32, #tpu.memory_space<hbm>>) target_semaphore(%arg17 : memref<!tpu.dma_semaphore, #tpu.memory_space<semaphore_mem>>)
    %dma_wait3A_375 = arith.constant 1 : i32
    %dma_wait3A_376 = arith.constant 1 : i32
    %dma_wait3A_377 = arith.constant 0 : i32
    %dma_wait3A_378 = arith.constant 0 : i32
    %dma_wait3A_379 = tpu.memref_slice %arg8[%dma_wait3A_376, %dma_wait3A_377, %dma_wait3A_378] : memref<4x400x64xf32, #tpu.memory_space<vmem>> -> memref<1x128x64xf32, #tpu.memory_space<vmem>>
    %dma_wait3A_380 = tpu.memref_squeeze %dma_wait3A_379 : memref<1x128x64xf32, #tpu.memory_space<vmem>> -> memref<128x64xf32, #tpu.memory_space<vmem>>
    %dma_wait3A_381 = arith.constant 0 : i32
    %dma_wait3A_382 = tpu.memref_slice %arg6[%dma_wait3A_375, %dma_wait3A_381] : memref<4x400xi32, #tpu.memory_space<vmem>> -> memref<1x128xi32, #tpu.memory_space<vmem>>
    %dma_wait3A_383 = tpu.memref_squeeze %dma_wait3A_382 : memref<1x128xi32, #tpu.memory_space<vmem>> -> memref<128xi32, #tpu.memory_space<vmem>>
    %dma_wait3A_384 = arith.constant 0 : i32
    %dma_wait3A_385 = arith.constant 0 : i32
    %dma_wait3A_386 = tpu.memref_slice %arg2[%dma_wait3A_384, %dma_wait3A_385] : memref<1000000x64xf32, #tpu.memory_space<hbm>> -> memref<1000000x64xf32, #tpu.memory_space<hbm>>
    tpu.wait_indirect_dma semaphore(%arg14 : memref<!tpu.dma_semaphore, #tpu.memory_space<semaphore_mem>>) src(%dma_wait3A_386 : memref<1000000x64xf32, #tpu.memory_space<hbm>>) dst(%dma_wait3A_380 : memref<128x64xf32, #tpu.memory_space<vmem>>)
    %dma_wait3A_387 = arith.constant 1 : i32
    %dma_wait3A_388 = arith.constant 1 : i32
    %dma_wait3A_389 = arith.constant 128 : i32
    %dma_wait3A_390 = arith.constant 0 : i32
    %dma_wait3A_391 = tpu.memref_slice %arg8[%dma_wait3A_388, %dma_wait3A_389, %dma_wait3A_390] : memref<4x400x64xf32, #tpu.memory_space<vmem>> -> memref<1x128x64xf32, #tpu.memory_space<vmem>>
    %dma_wait3A_392 = tpu.memref_squeeze %dma_wait3A_391 : memref<1x128x64xf32, #tpu.memory_space<vmem>> -> memref<128x64xf32, #tpu.memory_space<vmem>>
    %dma_wait3A_393 = arith.constant 128 : i32
    %dma_wait3A_394 = tpu.memref_slice %arg6[%dma_wait3A_387, %dma_wait3A_393] : memref<4x400xi32, #tpu.memory_space<vmem>> -> memref<1x128xi32, #tpu.memory_space<vmem>>
    %dma_wait3A_395 = tpu.memref_squeeze %dma_wait3A_394 : memref<1x128xi32, #tpu.memory_space<vmem>> -> memref<128xi32, #tpu.memory_space<vmem>>
    %dma_wait3A_396 = arith.constant 0 : i32
    %dma_wait3A_397 = arith.constant 0 : i32
    %dma_wait3A_398 = tpu.memref_slice %arg2[%dma_wait3A_396, %dma_wait3A_397] : memref<1000000x64xf32, #tpu.memory_space<hbm>> -> memref<1000000x64xf32, #tpu.memory_space<hbm>>
    tpu.wait_indirect_dma semaphore(%arg14 : memref<!tpu.dma_semaphore, #tpu.memory_space<semaphore_mem>>) src(%dma_wait3A_398 : memref<1000000x64xf32, #tpu.memory_space<hbm>>) dst(%dma_wait3A_392 : memref<128x64xf32, #tpu.memory_space<vmem>>)
    %dma_wait3A_399 = arith.constant 1 : i32
    %dma_wait3A_400 = arith.constant 1 : i32
    %dma_wait3A_401 = arith.constant 256 : i32
    %dma_wait3A_402 = arith.constant 0 : i32
    %dma_wait3A_403 = tpu.memref_slice %arg8[%dma_wait3A_400, %dma_wait3A_401, %dma_wait3A_402] : memref<4x400x64xf32, #tpu.memory_space<vmem>> -> memref<1x128x64xf32, #tpu.memory_space<vmem>>
    %dma_wait3A_404 = tpu.memref_squeeze %dma_wait3A_403 : memref<1x128x64xf32, #tpu.memory_space<vmem>> -> memref<128x64xf32, #tpu.memory_space<vmem>>
    %dma_wait3A_405 = arith.constant 256 : i32
    %dma_wait3A_406 = tpu.memref_slice %arg6[%dma_wait3A_399, %dma_wait3A_405] : memref<4x400xi32, #tpu.memory_space<vmem>> -> memref<1x128xi32, #tpu.memory_space<vmem>>
    %dma_wait3A_407 = tpu.memref_squeeze %dma_wait3A_406 : memref<1x128xi32, #tpu.memory_space<vmem>> -> memref<128xi32, #tpu.memory_space<vmem>>
    %dma_wait3A_408 = arith.constant 0 : i32
    %dma_wait3A_409 = arith.constant 0 : i32
    %dma_wait3A_410 = tpu.memref_slice %arg2[%dma_wait3A_408, %dma_wait3A_409] : memref<1000000x64xf32, #tpu.memory_space<hbm>> -> memref<1000000x64xf32, #tpu.memory_space<hbm>>
    tpu.wait_indirect_dma semaphore(%arg14 : memref<!tpu.dma_semaphore, #tpu.memory_space<semaphore_mem>>) src(%dma_wait3A_410 : memref<1000000x64xf32, #tpu.memory_space<hbm>>) dst(%dma_wait3A_404 : memref<128x64xf32, #tpu.memory_space<vmem>>)
    %dma_wait3A_411 = arith.constant 1 : i32
    %dma_wait3A_412 = arith.constant 1 : i32
    %dma_wait3A_413 = arith.constant 384 : i32
    %dma_wait3A_414 = arith.constant 0 : i32
    %dma_wait3A_415 = tpu.memref_slice %arg8[%dma_wait3A_412, %dma_wait3A_413, %dma_wait3A_414] : memref<4x400x64xf32, #tpu.memory_space<vmem>> -> memref<1x16x64xf32, #tpu.memory_space<vmem>>
    %dma_wait3A_416 = tpu.memref_squeeze %dma_wait3A_415 : memref<1x16x64xf32, #tpu.memory_space<vmem>> -> memref<16x64xf32, #tpu.memory_space<vmem>>
    %dma_wait3A_417 = arith.constant 384 : i32
    %dma_wait3A_418 = tpu.memref_slice %arg6[%dma_wait3A_411, %dma_wait3A_417] : memref<4x400xi32, #tpu.memory_space<vmem>> -> memref<1x16xi32, #tpu.memory_space<vmem>>
    %dma_wait3A_419 = tpu.memref_squeeze %dma_wait3A_418 : memref<1x16xi32, #tpu.memory_space<vmem>> -> memref<16xi32, #tpu.memory_space<vmem>>
    %dma_wait3A_420 = arith.constant 0 : i32
    %dma_wait3A_421 = arith.constant 0 : i32
    %dma_wait3A_422 = tpu.memref_slice %arg2[%dma_wait3A_420, %dma_wait3A_421] : memref<1000000x64xf32, #tpu.memory_space<hbm>> -> memref<1000000x64xf32, #tpu.memory_space<hbm>>
    tpu.wait_indirect_dma semaphore(%arg14 : memref<!tpu.dma_semaphore, #tpu.memory_space<semaphore_mem>>) src(%dma_wait3A_422 : memref<1000000x64xf32, #tpu.memory_space<hbm>>) dst(%dma_wait3A_416 : memref<16x64xf32, #tpu.memory_space<vmem>>)
    %add3A_423 = arith.constant 0 : i32
    %add3A_424 = arith.addi %mul3A_4, %add3A_423 : i32
    %add3A_425 = arith.constant 1 : i32
    %add3A_426 = arith.addi %add3A_424, %add3A_425 : i32
    %dma_start3A_427 = arith.constant 1 : i32
    %dma_start3A_428 = arith.constant 0 : i32
    %dma_start3A_429 = arith.constant 0 : i32
    %dma_start3A_430 = tpu.memref_slice %arg8[%dma_start3A_427, %dma_start3A_428, %dma_start3A_429] : memref<4x400x64xf32, #tpu.memory_space<vmem>> -> memref<1x400x64xf32, #tpu.memory_space<vmem>>
    %dma_start3A_431 = tpu.memref_squeeze %dma_start3A_430 : memref<1x400x64xf32, #tpu.memory_space<vmem>> -> memref<400x64xf32, #tpu.memory_space<vmem>>
    %dma_start3A_432 = arith.constant 0 : i32
    %dma_start3A_433 = arith.constant 0 : i32
    %dma_start3A_434 = tpu.memref_slice %arg5[%add3A_426, %dma_start3A_432, %dma_start3A_433] : memref<2048x400x64xf32, #tpu.memory_space<hbm>> -> memref<1x400x64xf32, #tpu.memory_space<hbm>>
    %dma_start3A_435 = tpu.memref_squeeze %dma_start3A_434 : memref<1x400x64xf32, #tpu.memory_space<hbm>> -> memref<400x64xf32, #tpu.memory_space<hbm>>
    %dma_start3A_436 = arith.constant 0 : i32
    %dma_start3A_437 = arith.constant 0 : i32
    %dma_start3A_438 = tpu.memref_slice %arg5[%add3A_426, %dma_start3A_436, %dma_start3A_437] : memref<2048x400x64xf32, #tpu.memory_space<hbm>> -> memref<1x400x64xf32, #tpu.memory_space<hbm>>
    %dma_start3A_439 = tpu.memref_squeeze %dma_start3A_438 : memref<1x400x64xf32, #tpu.memory_space<hbm>> -> memref<400x64xf32, #tpu.memory_space<hbm>>
    %dma_start3A_440 = arith.constant 0 : i32
    %dma_start3A_441 = arith.constant 0 : i32
    %dma_start3A_442 = tpu.memref_slice %arg8[%dma_start3A_427, %dma_start3A_440, %dma_start3A_441] : memref<4x400x64xf32, #tpu.memory_space<vmem>> -> memref<1x400x64xf32, #tpu.memory_space<vmem>>
    %dma_start3A_443 = tpu.memref_squeeze %dma_start3A_442 : memref<1x400x64xf32, #tpu.memory_space<vmem>> -> memref<400x64xf32, #tpu.memory_space<vmem>>
    tpu.enqueue_dma source(%dma_start3A_443 : memref<400x64xf32, #tpu.memory_space<vmem>>) target(%dma_start3A_439 : memref<400x64xf32, #tpu.memory_space<hbm>>) target_semaphore(%arg18 : memref<!tpu.dma_semaphore, #tpu.memory_space<semaphore_mem>>)
    %dma_wait3A_444 = arith.constant 2 : i32
    %dma_wait3A_445 = arith.constant 2 : i32
    %dma_wait3A_446 = arith.constant 0 : i32
    %dma_wait3A_447 = arith.constant 0 : i32
    %dma_wait3A_448 = tpu.memref_slice %arg8[%dma_wait3A_445, %dma_wait3A_446, %dma_wait3A_447] : memref<4x400x64xf32, #tpu.memory_space<vmem>> -> memref<1x128x64xf32, #tpu.memory_space<vmem>>
    %dma_wait3A_449 = tpu.memref_squeeze %dma_wait3A_448 : memref<1x128x64xf32, #tpu.memory_space<vmem>> -> memref<128x64xf32, #tpu.memory_space<vmem>>
    %dma_wait3A_450 = arith.constant 0 : i32
    %dma_wait3A_451 = tpu.memref_slice %arg6[%dma_wait3A_444, %dma_wait3A_450] : memref<4x400xi32, #tpu.memory_space<vmem>> -> memref<1x128xi32, #tpu.memory_space<vmem>>
    %dma_wait3A_452 = tpu.memref_squeeze %dma_wait3A_451 : memref<1x128xi32, #tpu.memory_space<vmem>> -> memref<128xi32, #tpu.memory_space<vmem>>
    %dma_wait3A_453 = arith.constant 0 : i32
    %dma_wait3A_454 = arith.constant 0 : i32
    %dma_wait3A_455 = tpu.memref_slice %arg2[%dma_wait3A_453, %dma_wait3A_454] : memref<1000000x64xf32, #tpu.memory_space<hbm>> -> memref<1000000x64xf32, #tpu.memory_space<hbm>>
    tpu.wait_indirect_dma semaphore(%arg15 : memref<!tpu.dma_semaphore, #tpu.memory_space<semaphore_mem>>) src(%dma_wait3A_455 : memref<1000000x64xf32, #tpu.memory_space<hbm>>) dst(%dma_wait3A_449 : memref<128x64xf32, #tpu.memory_space<vmem>>)
    %dma_wait3A_456 = arith.constant 2 : i32
    %dma_wait3A_457 = arith.constant 2 : i32
    %dma_wait3A_458 = arith.constant 128 : i32
    %dma_wait3A_459 = arith.constant 0 : i32
    %dma_wait3A_460 = tpu.memref_slice %arg8[%dma_wait3A_457, %dma_wait3A_458, %dma_wait3A_459] : memref<4x400x64xf32, #tpu.memory_space<vmem>> -> memref<1x128x64xf32, #tpu.memory_space<vmem>>
    %dma_wait3A_461 = tpu.memref_squeeze %dma_wait3A_460 : memref<1x128x64xf32, #tpu.memory_space<vmem>> -> memref<128x64xf32, #tpu.memory_space<vmem>>
    %dma_wait3A_462 = arith.constant 128 : i32
    %dma_wait3A_463 = tpu.memref_slice %arg6[%dma_wait3A_456, %dma_wait3A_462] : memref<4x400xi32, #tpu.memory_space<vmem>> -> memref<1x128xi32, #tpu.memory_space<vmem>>
    %dma_wait3A_464 = tpu.memref_squeeze %dma_wait3A_463 : memref<1x128xi32, #tpu.memory_space<vmem>> -> memref<128xi32, #tpu.memory_space<vmem>>
    %dma_wait3A_465 = arith.constant 0 : i32
    %dma_wait3A_466 = arith.constant 0 : i32
    %dma_wait3A_467 = tpu.memref_slice %arg2[%dma_wait3A_465, %dma_wait3A_466] : memref<1000000x64xf32, #tpu.memory_space<hbm>> -> memref<1000000x64xf32, #tpu.memory_space<hbm>>
    tpu.wait_indirect_dma semaphore(%arg15 : memref<!tpu.dma_semaphore, #tpu.memory_space<semaphore_mem>>) src(%dma_wait3A_467 : memref<1000000x64xf32, #tpu.memory_space<hbm>>) dst(%dma_wait3A_461 : memref<128x64xf32, #tpu.memory_space<vmem>>)
    %dma_wait3A_468 = arith.constant 2 : i32
    %dma_wait3A_469 = arith.constant 2 : i32
    %dma_wait3A_470 = arith.constant 256 : i32
    %dma_wait3A_471 = arith.constant 0 : i32
    %dma_wait3A_472 = tpu.memref_slice %arg8[%dma_wait3A_469, %dma_wait3A_470, %dma_wait3A_471] : memref<4x400x64xf32, #tpu.memory_space<vmem>> -> memref<1x128x64xf32, #tpu.memory_space<vmem>>
    %dma_wait3A_473 = tpu.memref_squeeze %dma_wait3A_472 : memref<1x128x64xf32, #tpu.memory_space<vmem>> -> memref<128x64xf32, #tpu.memory_space<vmem>>
    %dma_wait3A_474 = arith.constant 256 : i32
    %dma_wait3A_475 = tpu.memref_slice %arg6[%dma_wait3A_468, %dma_wait3A_474] : memref<4x400xi32, #tpu.memory_space<vmem>> -> memref<1x128xi32, #tpu.memory_space<vmem>>
    %dma_wait3A_476 = tpu.memref_squeeze %dma_wait3A_475 : memref<1x128xi32, #tpu.memory_space<vmem>> -> memref<128xi32, #tpu.memory_space<vmem>>
    %dma_wait3A_477 = arith.constant 0 : i32
    %dma_wait3A_478 = arith.constant 0 : i32
    %dma_wait3A_479 = tpu.memref_slice %arg2[%dma_wait3A_477, %dma_wait3A_478] : memref<1000000x64xf32, #tpu.memory_space<hbm>> -> memref<1000000x64xf32, #tpu.memory_space<hbm>>
    tpu.wait_indirect_dma semaphore(%arg15 : memref<!tpu.dma_semaphore, #tpu.memory_space<semaphore_mem>>) src(%dma_wait3A_479 : memref<1000000x64xf32, #tpu.memory_space<hbm>>) dst(%dma_wait3A_473 : memref<128x64xf32, #tpu.memory_space<vmem>>)
    %dma_wait3A_480 = arith.constant 2 : i32
    %dma_wait3A_481 = arith.constant 2 : i32
    %dma_wait3A_482 = arith.constant 384 : i32
    %dma_wait3A_483 = arith.constant 0 : i32
    %dma_wait3A_484 = tpu.memref_slice %arg8[%dma_wait3A_481, %dma_wait3A_482, %dma_wait3A_483] : memref<4x400x64xf32, #tpu.memory_space<vmem>> -> memref<1x16x64xf32, #tpu.memory_space<vmem>>
    %dma_wait3A_485 = tpu.memref_squeeze %dma_wait3A_484 : memref<1x16x64xf32, #tpu.memory_space<vmem>> -> memref<16x64xf32, #tpu.memory_space<vmem>>
    %dma_wait3A_486 = arith.constant 384 : i32
    %dma_wait3A_487 = tpu.memref_slice %arg6[%dma_wait3A_480, %dma_wait3A_486] : memref<4x400xi32, #tpu.memory_space<vmem>> -> memref<1x16xi32, #tpu.memory_space<vmem>>
    %dma_wait3A_488 = tpu.memref_squeeze %dma_wait3A_487 : memref<1x16xi32, #tpu.memory_space<vmem>> -> memref<16xi32, #tpu.memory_space<vmem>>
    %dma_wait3A_489 = arith.constant 0 : i32
    %dma_wait3A_490 = arith.constant 0 : i32
    %dma_wait3A_491 = tpu.memref_slice %arg2[%dma_wait3A_489, %dma_wait3A_490] : memref<1000000x64xf32, #tpu.memory_space<hbm>> -> memref<1000000x64xf32, #tpu.memory_space<hbm>>
    tpu.wait_indirect_dma semaphore(%arg15 : memref<!tpu.dma_semaphore, #tpu.memory_space<semaphore_mem>>) src(%dma_wait3A_491 : memref<1000000x64xf32, #tpu.memory_space<hbm>>) dst(%dma_wait3A_485 : memref<16x64xf32, #tpu.memory_space<vmem>>)
    %add3A_492 = arith.constant 0 : i32
    %add3A_493 = arith.addi %mul3A_4, %add3A_492 : i32
    %add3A_494 = arith.constant 2 : i32
    %add3A_495 = arith.addi %add3A_493, %add3A_494 : i32
    %dma_start3A_496 = arith.constant 2 : i32
    %dma_start3A_497 = arith.constant 0 : i32
    %dma_start3A_498 = arith.constant 0 : i32
    %dma_start3A_499 = tpu.memref_slice %arg8[%dma_start3A_496, %dma_start3A_497, %dma_start3A_498] : memref<4x400x64xf32, #tpu.memory_space<vmem>> -> memref<1x400x64xf32, #tpu.memory_space<vmem>>
    %dma_start3A_500 = tpu.memref_squeeze %dma_start3A_499 : memref<1x400x64xf32, #tpu.memory_space<vmem>> -> memref<400x64xf32, #tpu.memory_space<vmem>>
    %dma_start3A_501 = arith.constant 0 : i32
    %dma_start3A_502 = arith.constant 0 : i32
    %dma_start3A_503 = tpu.memref_slice %arg5[%add3A_495, %dma_start3A_501, %dma_start3A_502] : memref<2048x400x64xf32, #tpu.memory_space<hbm>> -> memref<1x400x64xf32, #tpu.memory_space<hbm>>
    %dma_start3A_504 = tpu.memref_squeeze %dma_start3A_503 : memref<1x400x64xf32, #tpu.memory_space<hbm>> -> memref<400x64xf32, #tpu.memory_space<hbm>>
    %dma_start3A_505 = arith.constant 0 : i32
    %dma_start3A_506 = arith.constant 0 : i32
    %dma_start3A_507 = tpu.memref_slice %arg5[%add3A_495, %dma_start3A_505, %dma_start3A_506] : memref<2048x400x64xf32, #tpu.memory_space<hbm>> -> memref<1x400x64xf32, #tpu.memory_space<hbm>>
    %dma_start3A_508 = tpu.memref_squeeze %dma_start3A_507 : memref<1x400x64xf32, #tpu.memory_space<hbm>> -> memref<400x64xf32, #tpu.memory_space<hbm>>
    %dma_start3A_509 = arith.constant 0 : i32
    %dma_start3A_510 = arith.constant 0 : i32
    %dma_start3A_511 = tpu.memref_slice %arg8[%dma_start3A_496, %dma_start3A_509, %dma_start3A_510] : memref<4x400x64xf32, #tpu.memory_space<vmem>> -> memref<1x400x64xf32, #tpu.memory_space<vmem>>
    %dma_start3A_512 = tpu.memref_squeeze %dma_start3A_511 : memref<1x400x64xf32, #tpu.memory_space<vmem>> -> memref<400x64xf32, #tpu.memory_space<vmem>>
    tpu.enqueue_dma source(%dma_start3A_512 : memref<400x64xf32, #tpu.memory_space<vmem>>) target(%dma_start3A_508 : memref<400x64xf32, #tpu.memory_space<hbm>>) target_semaphore(%arg19 : memref<!tpu.dma_semaphore, #tpu.memory_space<semaphore_mem>>)
    %dma_wait3A_513 = arith.constant 3 : i32
    %dma_wait3A_514 = arith.constant 3 : i32
    %dma_wait3A_515 = arith.constant 0 : i32
    %dma_wait3A_516 = arith.constant 0 : i32
    %dma_wait3A_517 = tpu.memref_slice %arg8[%dma_wait3A_514, %dma_wait3A_515, %dma_wait3A_516] : memref<4x400x64xf32, #tpu.memory_space<vmem>> -> memref<1x128x64xf32, #tpu.memory_space<vmem>>
    %dma_wait3A_518 = tpu.memref_squeeze %dma_wait3A_517 : memref<1x128x64xf32, #tpu.memory_space<vmem>> -> memref<128x64xf32, #tpu.memory_space<vmem>>
    %dma_wait3A_519 = arith.constant 0 : i32
    %dma_wait3A_520 = tpu.memref_slice %arg6[%dma_wait3A_513, %dma_wait3A_519] : memref<4x400xi32, #tpu.memory_space<vmem>> -> memref<1x128xi32, #tpu.memory_space<vmem>>
    %dma_wait3A_521 = tpu.memref_squeeze %dma_wait3A_520 : memref<1x128xi32, #tpu.memory_space<vmem>> -> memref<128xi32, #tpu.memory_space<vmem>>
    %dma_wait3A_522 = arith.constant 0 : i32
    %dma_wait3A_523 = arith.constant 0 : i32
    %dma_wait3A_524 = tpu.memref_slice %arg2[%dma_wait3A_522, %dma_wait3A_523] : memref<1000000x64xf32, #tpu.memory_space<hbm>> -> memref<1000000x64xf32, #tpu.memory_space<hbm>>
    tpu.wait_indirect_dma semaphore(%arg16 : memref<!tpu.dma_semaphore, #tpu.memory_space<semaphore_mem>>) src(%dma_wait3A_524 : memref<1000000x64xf32, #tpu.memory_space<hbm>>) dst(%dma_wait3A_518 : memref<128x64xf32, #tpu.memory_space<vmem>>)
    %dma_wait3A_525 = arith.constant 3 : i32
    %dma_wait3A_526 = arith.constant 3 : i32
    %dma_wait3A_527 = arith.constant 128 : i32
    %dma_wait3A_528 = arith.constant 0 : i32
    %dma_wait3A_529 = tpu.memref_slice %arg8[%dma_wait3A_526, %dma_wait3A_527, %dma_wait3A_528] : memref<4x400x64xf32, #tpu.memory_space<vmem>> -> memref<1x128x64xf32, #tpu.memory_space<vmem>>
    %dma_wait3A_530 = tpu.memref_squeeze %dma_wait3A_529 : memref<1x128x64xf32, #tpu.memory_space<vmem>> -> memref<128x64xf32, #tpu.memory_space<vmem>>
    %dma_wait3A_531 = arith.constant 128 : i32
    %dma_wait3A_532 = tpu.memref_slice %arg6[%dma_wait3A_525, %dma_wait3A_531] : memref<4x400xi32, #tpu.memory_space<vmem>> -> memref<1x128xi32, #tpu.memory_space<vmem>>
    %dma_wait3A_533 = tpu.memref_squeeze %dma_wait3A_532 : memref<1x128xi32, #tpu.memory_space<vmem>> -> memref<128xi32, #tpu.memory_space<vmem>>
    %dma_wait3A_534 = arith.constant 0 : i32
    %dma_wait3A_535 = arith.constant 0 : i32
    %dma_wait3A_536 = tpu.memref_slice %arg2[%dma_wait3A_534, %dma_wait3A_535] : memref<1000000x64xf32, #tpu.memory_space<hbm>> -> memref<1000000x64xf32, #tpu.memory_space<hbm>>
    tpu.wait_indirect_dma semaphore(%arg16 : memref<!tpu.dma_semaphore, #tpu.memory_space<semaphore_mem>>) src(%dma_wait3A_536 : memref<1000000x64xf32, #tpu.memory_space<hbm>>) dst(%dma_wait3A_530 : memref<128x64xf32, #tpu.memory_space<vmem>>)
    %dma_wait3A_537 = arith.constant 3 : i32
    %dma_wait3A_538 = arith.constant 3 : i32
    %dma_wait3A_539 = arith.constant 256 : i32
    %dma_wait3A_540 = arith.constant 0 : i32
    %dma_wait3A_541 = tpu.memref_slice %arg8[%dma_wait3A_538, %dma_wait3A_539, %dma_wait3A_540] : memref<4x400x64xf32, #tpu.memory_space<vmem>> -> memref<1x128x64xf32, #tpu.memory_space<vmem>>
    %dma_wait3A_542 = tpu.memref_squeeze %dma_wait3A_541 : memref<1x128x64xf32, #tpu.memory_space<vmem>> -> memref<128x64xf32, #tpu.memory_space<vmem>>
    %dma_wait3A_543 = arith.constant 256 : i32
    %dma_wait3A_544 = tpu.memref_slice %arg6[%dma_wait3A_537, %dma_wait3A_543] : memref<4x400xi32, #tpu.memory_space<vmem>> -> memref<1x128xi32, #tpu.memory_space<vmem>>
    %dma_wait3A_545 = tpu.memref_squeeze %dma_wait3A_544 : memref<1x128xi32, #tpu.memory_space<vmem>> -> memref<128xi32, #tpu.memory_space<vmem>>
    %dma_wait3A_546 = arith.constant 0 : i32
    %dma_wait3A_547 = arith.constant 0 : i32
    %dma_wait3A_548 = tpu.memref_slice %arg2[%dma_wait3A_546, %dma_wait3A_547] : memref<1000000x64xf32, #tpu.memory_space<hbm>> -> memref<1000000x64xf32, #tpu.memory_space<hbm>>
    tpu.wait_indirect_dma semaphore(%arg16 : memref<!tpu.dma_semaphore, #tpu.memory_space<semaphore_mem>>) src(%dma_wait3A_548 : memref<1000000x64xf32, #tpu.memory_space<hbm>>) dst(%dma_wait3A_542 : memref<128x64xf32, #tpu.memory_space<vmem>>)
    %dma_wait3A_549 = arith.constant 3 : i32
    %dma_wait3A_550 = arith.constant 3 : i32
    %dma_wait3A_551 = arith.constant 384 : i32
    %dma_wait3A_552 = arith.constant 0 : i32
    %dma_wait3A_553 = tpu.memref_slice %arg8[%dma_wait3A_550, %dma_wait3A_551, %dma_wait3A_552] : memref<4x400x64xf32, #tpu.memory_space<vmem>> -> memref<1x16x64xf32, #tpu.memory_space<vmem>>
    %dma_wait3A_554 = tpu.memref_squeeze %dma_wait3A_553 : memref<1x16x64xf32, #tpu.memory_space<vmem>> -> memref<16x64xf32, #tpu.memory_space<vmem>>
    %dma_wait3A_555 = arith.constant 384 : i32
    %dma_wait3A_556 = tpu.memref_slice %arg6[%dma_wait3A_549, %dma_wait3A_555] : memref<4x400xi32, #tpu.memory_space<vmem>> -> memref<1x16xi32, #tpu.memory_space<vmem>>
    %dma_wait3A_557 = tpu.memref_squeeze %dma_wait3A_556 : memref<1x16xi32, #tpu.memory_space<vmem>> -> memref<16xi32, #tpu.memory_space<vmem>>
    %dma_wait3A_558 = arith.constant 0 : i32
    %dma_wait3A_559 = arith.constant 0 : i32
    %dma_wait3A_560 = tpu.memref_slice %arg2[%dma_wait3A_558, %dma_wait3A_559] : memref<1000000x64xf32, #tpu.memory_space<hbm>> -> memref<1000000x64xf32, #tpu.memory_space<hbm>>
    tpu.wait_indirect_dma semaphore(%arg16 : memref<!tpu.dma_semaphore, #tpu.memory_space<semaphore_mem>>) src(%dma_wait3A_560 : memref<1000000x64xf32, #tpu.memory_space<hbm>>) dst(%dma_wait3A_554 : memref<16x64xf32, #tpu.memory_space<vmem>>)
    %add3A_561 = arith.constant 0 : i32
    %add3A_562 = arith.addi %mul3A_4, %add3A_561 : i32
    %add3A_563 = arith.constant 3 : i32
    %add3A_564 = arith.addi %add3A_562, %add3A_563 : i32
    %dma_start3A_565 = arith.constant 3 : i32
    %dma_start3A_566 = arith.constant 0 : i32
    %dma_start3A_567 = arith.constant 0 : i32
    %dma_start3A_568 = tpu.memref_slice %arg8[%dma_start3A_565, %dma_start3A_566, %dma_start3A_567] : memref<4x400x64xf32, #tpu.memory_space<vmem>> -> memref<1x400x64xf32, #tpu.memory_space<vmem>>
    %dma_start3A_569 = tpu.memref_squeeze %dma_start3A_568 : memref<1x400x64xf32, #tpu.memory_space<vmem>> -> memref<400x64xf32, #tpu.memory_space<vmem>>
    %dma_start3A_570 = arith.constant 0 : i32
    %dma_start3A_571 = arith.constant 0 : i32
    %dma_start3A_572 = tpu.memref_slice %arg5[%add3A_564, %dma_start3A_570, %dma_start3A_571] : memref<2048x400x64xf32, #tpu.memory_space<hbm>> -> memref<1x400x64xf32, #tpu.memory_space<hbm>>
    %dma_start3A_573 = tpu.memref_squeeze %dma_start3A_572 : memref<1x400x64xf32, #tpu.memory_space<hbm>> -> memref<400x64xf32, #tpu.memory_space<hbm>>
    %dma_start3A_574 = arith.constant 0 : i32
    %dma_start3A_575 = arith.constant 0 : i32
    %dma_start3A_576 = tpu.memref_slice %arg5[%add3A_564, %dma_start3A_574, %dma_start3A_575] : memref<2048x400x64xf32, #tpu.memory_space<hbm>> -> memref<1x400x64xf32, #tpu.memory_space<hbm>>
    %dma_start3A_577 = tpu.memref_squeeze %dma_start3A_576 : memref<1x400x64xf32, #tpu.memory_space<hbm>> -> memref<400x64xf32, #tpu.memory_space<hbm>>
    %dma_start3A_578 = arith.constant 0 : i32
    %dma_start3A_579 = arith.constant 0 : i32
    %dma_start3A_580 = tpu.memref_slice %arg8[%dma_start3A_565, %dma_start3A_578, %dma_start3A_579] : memref<4x400x64xf32, #tpu.memory_space<vmem>> -> memref<1x400x64xf32, #tpu.memory_space<vmem>>
    %dma_start3A_581 = tpu.memref_squeeze %dma_start3A_580 : memref<1x400x64xf32, #tpu.memory_space<vmem>> -> memref<400x64xf32, #tpu.memory_space<vmem>>
    tpu.enqueue_dma source(%dma_start3A_581 : memref<400x64xf32, #tpu.memory_space<vmem>>) target(%dma_start3A_577 : memref<400x64xf32, #tpu.memory_space<hbm>>) target_semaphore(%arg20 : memref<!tpu.dma_semaphore, #tpu.memory_space<semaphore_mem>>)
    %scan3A_582 = arith.constant 0 : i32
    %scan3A_583 = arith.constant 1 : i32
    %scan3A_584 = arith.constant 15 : i32
    %scan3A_585 = arith.addi %scan3A_583, %scan3A_584 : i32
    %scan3A_586 = arith.constant 1 : i32
    scf.for %scan3A_656 = %scan3A_583 to %scan3A_585 step %scan3A_586  : i32 {
      %mul3A_657 = arith.constant 4 : i32
      %mul3A_658 = arith.muli %scan3A_656, %mul3A_657 : i32
      %add3A_659 = arith.constant 0 : i32
      %add3A_660 = arith.addi %mul3A_658, %add3A_659 : i32
      %mul3A_661 = arith.constant 400 : i32
      %mul3A_662 = arith.muli %add3A_660, %mul3A_661 : i32
      %add3A_663 = arith.addi %mul3A_2, %mul3A_662 : i32
      %dma_start3A_664 = arith.constant 0 : i32
      %dma_start3A_665 = arith.constant 0 : i32
      %dma_start3A_666 = tpu.memref_slice %arg6[%dma_start3A_664, %dma_start3A_665] : memref<4x400xi32, #tpu.memory_space<vmem>> -> memref<1x400xi32, #tpu.memory_space<vmem>>
      %dma_start3A_667 = tpu.memref_squeeze %dma_start3A_666 : memref<1x400xi32, #tpu.memory_space<vmem>> -> memref<400xi32, #tpu.memory_space<vmem>>
      %dma_start3A_668 = tpu.memref_slice %arg3[%add3A_663] : memref<819200xi32, #tpu.memory_space<hbm>> -> memref<400xi32, #tpu.memory_space<hbm>>
      %dma_start3A_669 = arith.constant 0 : i32
      %dma_start3A_670 = tpu.memref_slice %arg6[%dma_start3A_664, %dma_start3A_669] : memref<4x400xi32, #tpu.memory_space<vmem>> -> memref<1x400xi32, #tpu.memory_space<vmem>>
      %dma_start3A_671 = tpu.memref_squeeze %dma_start3A_670 : memref<1x400xi32, #tpu.memory_space<vmem>> -> memref<400xi32, #tpu.memory_space<vmem>>
      %dma_start3A_672 = tpu.memref_slice %arg3[%add3A_663] : memref<819200xi32, #tpu.memory_space<hbm>> -> memref<400xi32, #tpu.memory_space<hbm>>
      tpu.enqueue_dma source(%dma_start3A_672 : memref<400xi32, #tpu.memory_space<hbm>>) target(%dma_start3A_671 : memref<400xi32, #tpu.memory_space<vmem>>) target_semaphore(%arg9 : memref<!tpu.dma_semaphore, #tpu.memory_space<semaphore_mem>>)
      %dma_wait3A_673 = arith.constant 0 : i32
      %dma_wait3A_674 = arith.constant 0 : i32
      %dma_wait3A_675 = arith.constant 0 : i32
      %dma_wait3A_676 = tpu.memref_slice %arg8[%dma_wait3A_673, %dma_wait3A_674, %dma_wait3A_675] : memref<4x400x64xf32, #tpu.memory_space<vmem>> -> memref<1x400x64xf32, #tpu.memory_space<vmem>>
      %dma_wait3A_677 = tpu.memref_squeeze %dma_wait3A_676 : memref<1x400x64xf32, #tpu.memory_space<vmem>> -> memref<400x64xf32, #tpu.memory_space<vmem>>
      %dma_wait3A_678 = arith.constant 0 : i32
      %dma_wait3A_679 = arith.constant 0 : i32
      %dma_wait3A_680 = tpu.memref_slice %arg5[%mul3A_4, %dma_wait3A_678, %dma_wait3A_679] : memref<2048x400x64xf32, #tpu.memory_space<hbm>> -> memref<1x400x64xf32, #tpu.memory_space<hbm>>
      %dma_wait3A_681 = tpu.memref_squeeze %dma_wait3A_680 : memref<1x400x64xf32, #tpu.memory_space<hbm>> -> memref<400x64xf32, #tpu.memory_space<hbm>>
      %dma_wait3A_682 = arith.constant 0 : i32
      %dma_wait3A_683 = arith.constant 0 : i32
      %dma_wait3A_684 = tpu.memref_slice %arg5[%mul3A_4, %dma_wait3A_682, %dma_wait3A_683] : memref<2048x400x64xf32, #tpu.memory_space<hbm>> -> memref<1x400x64xf32, #tpu.memory_space<hbm>>
      %dma_wait3A_685 = tpu.memref_squeeze %dma_wait3A_684 : memref<1x400x64xf32, #tpu.memory_space<hbm>> -> memref<400x64xf32, #tpu.memory_space<hbm>>
      %dma_wait3A_686 = arith.constant 0 : i32
      %dma_wait3A_687 = arith.constant 0 : i32
      %dma_wait3A_688 = tpu.memref_slice %arg8[%dma_wait3A_673, %dma_wait3A_686, %dma_wait3A_687] : memref<4x400x64xf32, #tpu.memory_space<vmem>> -> memref<1x400x64xf32, #tpu.memory_space<vmem>>
      %dma_wait3A_689 = tpu.memref_squeeze %dma_wait3A_688 : memref<1x400x64xf32, #tpu.memory_space<vmem>> -> memref<400x64xf32, #tpu.memory_space<vmem>>
      tpu.wait_dma2 semaphore(%arg17 : memref<!tpu.dma_semaphore, #tpu.memory_space<semaphore_mem>>) src(%dma_wait3A_689 : memref<400x64xf32, #tpu.memory_space<vmem>>) dst(%dma_wait3A_685 : memref<400x64xf32, #tpu.memory_space<hbm>>)
      %scan3A_690 = arith.constant 0 : i32
      %scan3A_691 = arith.constant 0 : i32
      %scan3A_692 = arith.constant 400 : i32
      %scan3A_693 = arith.addi %scan3A_691, %scan3A_692 : i32
      %scan3A_694 = arith.constant 1 : i32
      scf.for %scan3A_1349 = %scan3A_691 to %scan3A_693 step %scan3A_694  : i32 {
        %get3A = arith.index_cast %scan3A_1349 : i32 to index
        %get3A_1350 = arith.constant 0 : index
        %get3A_1351 = tpu.vector_load %arg7[%get3A, %get3A_1350] {strides = array<i32>} : memref<400x64xf32, #tpu.memory_space<vmem>>, vector<1x16xf32>,
        %get3A_1352 = vector.shape_cast %get3A_1351 : vector<1x16xf32> to vector<16xf32>
        %swap3A = arith.constant 0 : i32
        %swap3A_1353 = arith.index_cast %swap3A : i32 to index
        %swap3A_1354 = arith.index_cast %scan3A_1349 : i32 to index
        %swap3A_1355 = arith.constant 0 : index
        %swap3A_1356 = tpu.vector_load %arg8[%swap3A_1353, %swap3A_1354, %swap3A_1355] {strides = array<i32>} : memref<4x400x64xf32, #tpu.memory_space<vmem>>, vector<1x1x16xf32>,
        %swap3A_1357 = vector.shape_cast %swap3A_1356 : vector<1x1x16xf32> to vector<16xf32>
        %swap3A_1358 = vector.shape_cast %get3A_1352 : vector<16xf32> to vector<1x1x16xf32>
        tpu.vector_store %arg8[%swap3A_1353, %swap3A_1354, %swap3A_1355], %swap3A_1358 {strides = array<i32>} : memref<4x400x64xf32, #tpu.memory_space<vmem>>, vector<1x1x16xf32>,
        %get3A_1359 = arith.index_cast %scan3A_1349 : i32 to index
        %get3A_1360 = arith.constant 16 : index
        %get3A_1361 = tpu.vector_load %arg7[%get3A_1359, %get3A_1360] {strides = array<i32>} : memref<400x64xf32, #tpu.memory_space<vmem>>, vector<1x16xf32>,
        %get3A_1362 = vector.shape_cast %get3A_1361 : vector<1x16xf32> to vector<16xf32>
        %swap3A_1363 = arith.constant 0 : i32
        %swap3A_1364 = arith.index_cast %swap3A_1363 : i32 to index
        %swap3A_1365 = arith.index_cast %scan3A_1349 : i32 to index
        %swap3A_1366 = arith.constant 16 : index
        %swap3A_1367 = tpu.vector_load %arg8[%swap3A_1364, %swap3A_1365, %swap3A_1366] {strides = array<i32>} : memref<4x400x64xf32, #tpu.memory_space<vmem>>, vector<1x1x16xf32>,
        %swap3A_1368 = vector.shape_cast %swap3A_1367 : vector<1x1x16xf32> to vector<16xf32>
        %swap3A_1369 = vector.shape_cast %get3A_1362 : vector<16xf32> to vector<1x1x16xf32>
        tpu.vector_store %arg8[%swap3A_1364, %swap3A_1365, %swap3A_1366], %swap3A_1369 {strides = array<i32>} : memref<4x400x64xf32, #tpu.memory_space<vmem>>, vector<1x1x16xf32>,
        %get3A_1370 = arith.index_cast %scan3A_1349 : i32 to index
        %get3A_1371 = arith.constant 32 : index
        %get3A_1372 = tpu.vector_load %arg7[%get3A_1370, %get3A_1371] {strides = array<i32>} : memref<400x64xf32, #tpu.memory_space<vmem>>, vector<1x16xf32>,
        %get3A_1373 = vector.shape_cast %get3A_1372 : vector<1x16xf32> to vector<16xf32>
        %swap3A_1374 = arith.constant 0 : i32
        %swap3A_1375 = arith.index_cast %swap3A_1374 : i32 to index
        %swap3A_1376 = arith.index_cast %scan3A_1349 : i32 to index
        %swap3A_1377 = arith.constant 32 : index
        %swap3A_1378 = tpu.vector_load %arg8[%swap3A_1375, %swap3A_1376, %swap3A_1377] {strides = array<i32>} : memref<4x400x64xf32, #tpu.memory_space<vmem>>, vector<1x1x16xf32>,
        %swap3A_1379 = vector.shape_cast %swap3A_1378 : vector<1x1x16xf32> to vector<16xf32>
        %swap3A_1380 = vector.shape_cast %get3A_1373 : vector<16xf32> to vector<1x1x16xf32>
        tpu.vector_store %arg8[%swap3A_1375, %swap3A_1376, %swap3A_1377], %swap3A_1380 {strides = array<i32>} : memref<4x400x64xf32, #tpu.memory_space<vmem>>, vector<1x1x16xf32>,
        %get3A_1381 = arith.index_cast %scan3A_1349 : i32 to index
        %get3A_1382 = arith.constant 48 : index
        %get3A_1383 = tpu.vector_load %arg7[%get3A_1381, %get3A_1382] {strides = array<i32>} : memref<400x64xf32, #tpu.memory_space<vmem>>, vector<1x16xf32>,
        %get3A_1384 = vector.shape_cast %get3A_1383 : vector<1x16xf32> to vector<16xf32>
        %swap3A_1385 = arith.constant 0 : i32
        %swap3A_1386 = arith.index_cast %swap3A_1385 : i32 to index
        %swap3A_1387 = arith.index_cast %scan3A_1349 : i32 to index
        %swap3A_1388 = arith.constant 48 : index
        %swap3A_1389 = tpu.vector_load %arg8[%swap3A_1386, %swap3A_1387, %swap3A_1388] {strides = array<i32>} : memref<4x400x64xf32, #tpu.memory_space<vmem>>, vector<1x1x16xf32>,
        %swap3A_1390 = vector.shape_cast %swap3A_1389 : vector<1x1x16xf32> to vector<16xf32>
        %swap3A_1391 = vector.shape_cast %get3A_1384 : vector<16xf32> to vector<1x1x16xf32>
        tpu.vector_store %arg8[%swap3A_1386, %swap3A_1387, %swap3A_1388], %swap3A_1391 {strides = array<i32>} : memref<4x400x64xf32, #tpu.memory_space<vmem>>, vector<1x1x16xf32>,
      }
      %scan3A_695 = arith.constant 400 : i32
      %mul3A_696 = arith.constant 4 : i32
      %mul3A_697 = arith.muli %scan3A_656, %mul3A_696 : i32
      %add3A_698 = arith.constant 1 : i32
      %add3A_699 = arith.addi %mul3A_697, %add3A_698 : i32
      %mul3A_700 = arith.constant 400 : i32
      %mul3A_701 = arith.muli %add3A_699, %mul3A_700 : i32
      %add3A_702 = arith.addi %mul3A_2, %mul3A_701 : i32
      %dma_start3A_703 = arith.constant 1 : i32
      %dma_start3A_704 = arith.constant 0 : i32
      %dma_start3A_705 = tpu.memref_slice %arg6[%dma_start3A_703, %dma_start3A_704] : memref<4x400xi32, #tpu.memory_space<vmem>> -> memref<1x400xi32, #tpu.memory_space<vmem>>
      %dma_start3A_706 = tpu.memref_squeeze %dma_start3A_705 : memref<1x400xi32, #tpu.memory_space<vmem>> -> memref<400xi32, #tpu.memory_space<vmem>>
      %dma_start3A_707 = tpu.memref_slice %arg3[%add3A_702] : memref<819200xi32, #tpu.memory_space<hbm>> -> memref<400xi32, #tpu.memory_space<hbm>>
      %dma_start3A_708 = arith.constant 0 : i32
      %dma_start3A_709 = tpu.memref_slice %arg6[%dma_start3A_703, %dma_start3A_708] : memref<4x400xi32, #tpu.memory_space<vmem>> -> memref<1x400xi32, #tpu.memory_space<vmem>>
      %dma_start3A_710 = tpu.memref_squeeze %dma_start3A_709 : memref<1x400xi32, #tpu.memory_space<vmem>> -> memref<400xi32, #tpu.memory_space<vmem>>
      %dma_start3A_711 = tpu.memref_slice %arg3[%add3A_702] : memref<819200xi32, #tpu.memory_space<hbm>> -> memref<400xi32, #tpu.memory_space<hbm>>
      tpu.enqueue_dma source(%dma_start3A_711 : memref<400xi32, #tpu.memory_space<hbm>>) target(%dma_start3A_710 : memref<400xi32, #tpu.memory_space<vmem>>) target_semaphore(%arg10 : memref<!tpu.dma_semaphore, #tpu.memory_space<semaphore_mem>>)
      %dma_wait3A_712 = arith.constant 1 : i32
      %dma_wait3A_713 = arith.constant 0 : i32
      %dma_wait3A_714 = arith.constant 0 : i32
      %dma_wait3A_715 = tpu.memref_slice %arg8[%dma_wait3A_712, %dma_wait3A_713, %dma_wait3A_714] : memref<4x400x64xf32, #tpu.memory_space<vmem>> -> memref<1x400x64xf32, #tpu.memory_space<vmem>>
      %dma_wait3A_716 = tpu.memref_squeeze %dma_wait3A_715 : memref<1x400x64xf32, #tpu.memory_space<vmem>> -> memref<400x64xf32, #tpu.memory_space<vmem>>
      %dma_wait3A_717 = arith.constant 0 : i32
      %dma_wait3A_718 = arith.constant 0 : i32
      %dma_wait3A_719 = tpu.memref_slice %arg5[%mul3A_4, %dma_wait3A_717, %dma_wait3A_718] : memref<2048x400x64xf32, #tpu.memory_space<hbm>> -> memref<1x400x64xf32, #tpu.memory_space<hbm>>
      %dma_wait3A_720 = tpu.memref_squeeze %dma_wait3A_719 : memref<1x400x64xf32, #tpu.memory_space<hbm>> -> memref<400x64xf32, #tpu.memory_space<hbm>>
      %dma_wait3A_721 = arith.constant 0 : i32
      %dma_wait3A_722 = arith.constant 0 : i32
      %dma_wait3A_723 = tpu.memref_slice %arg5[%mul3A_4, %dma_wait3A_721, %dma_wait3A_722] : memref<2048x400x64xf32, #tpu.memory_space<hbm>> -> memref<1x400x64xf32, #tpu.memory_space<hbm>>
      %dma_wait3A_724 = tpu.memref_squeeze %dma_wait3A_723 : memref<1x400x64xf32, #tpu.memory_space<hbm>> -> memref<400x64xf32, #tpu.memory_space<hbm>>
      %dma_wait3A_725 = arith.constant 0 : i32
      %dma_wait3A_726 = arith.constant 0 : i32
      %dma_wait3A_727 = tpu.memref_slice %arg8[%dma_wait3A_712, %dma_wait3A_725, %dma_wait3A_726] : memref<4x400x64xf32, #tpu.memory_space<vmem>> -> memref<1x400x64xf32, #tpu.memory_space<vmem>>
      %dma_wait3A_728 = tpu.memref_squeeze %dma_wait3A_727 : memref<1x400x64xf32, #tpu.memory_space<vmem>> -> memref<400x64xf32, #tpu.memory_space<vmem>>
      tpu.wait_dma2 semaphore(%arg18 : memref<!tpu.dma_semaphore, #tpu.memory_space<semaphore_mem>>) src(%dma_wait3A_728 : memref<400x64xf32, #tpu.memory_space<vmem>>) dst(%dma_wait3A_724 : memref<400x64xf32, #tpu.memory_space<hbm>>)
      %scan3A_729 = arith.constant 0 : i32
      %scan3A_730 = arith.constant 0 : i32
      %scan3A_731 = arith.constant 400 : i32
      %scan3A_732 = arith.addi %scan3A_730, %scan3A_731 : i32
      %scan3A_733 = arith.constant 1 : i32
      scf.for %scan3A_1349 = %scan3A_730 to %scan3A_732 step %scan3A_733  : i32 {
        %get3A = arith.index_cast %scan3A_1349 : i32 to index
        %get3A_1350 = arith.constant 0 : index
        %get3A_1351 = tpu.vector_load %arg7[%get3A, %get3A_1350] {strides = array<i32>} : memref<400x64xf32, #tpu.memory_space<vmem>>, vector<1x16xf32>,
        %get3A_1352 = vector.shape_cast %get3A_1351 : vector<1x16xf32> to vector<16xf32>
        %swap3A = arith.constant 1 : i32
        %swap3A_1353 = arith.index_cast %swap3A : i32 to index
        %swap3A_1354 = arith.index_cast %scan3A_1349 : i32 to index
        %swap3A_1355 = arith.constant 0 : index
        %swap3A_1356 = tpu.vector_load %arg8[%swap3A_1353, %swap3A_1354, %swap3A_1355] {strides = array<i32>} : memref<4x400x64xf32, #tpu.memory_space<vmem>>, vector<1x1x16xf32>,
        %swap3A_1357 = vector.shape_cast %swap3A_1356 : vector<1x1x16xf32> to vector<16xf32>
        %swap3A_1358 = vector.shape_cast %get3A_1352 : vector<16xf32> to vector<1x1x16xf32>
        tpu.vector_store %arg8[%swap3A_1353, %swap3A_1354, %swap3A_1355], %swap3A_1358 {strides = array<i32>} : memref<4x400x64xf32, #tpu.memory_space<vmem>>, vector<1x1x16xf32>,
        %get3A_1359 = arith.index_cast %scan3A_1349 : i32 to index
        %get3A_1360 = arith.constant 16 : index
        %get3A_1361 = tpu.vector_load %arg7[%get3A_1359, %get3A_1360] {strides = array<i32>} : memref<400x64xf32, #tpu.memory_space<vmem>>, vector<1x16xf32>,
        %get3A_1362 = vector.shape_cast %get3A_1361 : vector<1x16xf32> to vector<16xf32>
        %swap3A_1363 = arith.constant 1 : i32
        %swap3A_1364 = arith.index_cast %swap3A_1363 : i32 to index
        %swap3A_1365 = arith.index_cast %scan3A_1349 : i32 to index
        %swap3A_1366 = arith.constant 16 : index
        %swap3A_1367 = tpu.vector_load %arg8[%swap3A_1364, %swap3A_1365, %swap3A_1366] {strides = array<i32>} : memref<4x400x64xf32, #tpu.memory_space<vmem>>, vector<1x1x16xf32>,
        %swap3A_1368 = vector.shape_cast %swap3A_1367 : vector<1x1x16xf32> to vector<16xf32>
        %swap3A_1369 = vector.shape_cast %get3A_1362 : vector<16xf32> to vector<1x1x16xf32>
        tpu.vector_store %arg8[%swap3A_1364, %swap3A_1365, %swap3A_1366], %swap3A_1369 {strides = array<i32>} : memref<4x400x64xf32, #tpu.memory_space<vmem>>, vector<1x1x16xf32>,
        %get3A_1370 = arith.index_cast %scan3A_1349 : i32 to index
        %get3A_1371 = arith.constant 32 : index
        %get3A_1372 = tpu.vector_load %arg7[%get3A_1370, %get3A_1371] {strides = array<i32>} : memref<400x64xf32, #tpu.memory_space<vmem>>, vector<1x16xf32>,
        %get3A_1373 = vector.shape_cast %get3A_1372 : vector<1x16xf32> to vector<16xf32>
        %swap3A_1374 = arith.constant 1 : i32
        %swap3A_1375 = arith.index_cast %swap3A_1374 : i32 to index
        %swap3A_1376 = arith.index_cast %scan3A_1349 : i32 to index
        %swap3A_1377 = arith.constant 32 : index
        %swap3A_1378 = tpu.vector_load %arg8[%swap3A_1375, %swap3A_1376, %swap3A_1377] {strides = array<i32>} : memref<4x400x64xf32, #tpu.memory_space<vmem>>, vector<1x1x16xf32>,
        %swap3A_1379 = vector.shape_cast %swap3A_1378 : vector<1x1x16xf32> to vector<16xf32>
        %swap3A_1380 = vector.shape_cast %get3A_1373 : vector<16xf32> to vector<1x1x16xf32>
        tpu.vector_store %arg8[%swap3A_1375, %swap3A_1376, %swap3A_1377], %swap3A_1380 {strides = array<i32>} : memref<4x400x64xf32, #tpu.memory_space<vmem>>, vector<1x1x16xf32>,
        %get3A_1381 = arith.index_cast %scan3A_1349 : i32 to index
        %get3A_1382 = arith.constant 48 : index
        %get3A_1383 = tpu.vector_load %arg7[%get3A_1381, %get3A_1382] {strides = array<i32>} : memref<400x64xf32, #tpu.memory_space<vmem>>, vector<1x16xf32>,
        %get3A_1384 = vector.shape_cast %get3A_1383 : vector<1x16xf32> to vector<16xf32>
        %swap3A_1385 = arith.constant 1 : i32
        %swap3A_1386 = arith.index_cast %swap3A_1385 : i32 to index
        %swap3A_1387 = arith.index_cast %scan3A_1349 : i32 to index
        %swap3A_1388 = arith.constant 48 : index
        %swap3A_1389 = tpu.vector_load %arg8[%swap3A_1386, %swap3A_1387, %swap3A_1388] {strides = array<i32>} : memref<4x400x64xf32, #tpu.memory_space<vmem>>, vector<1x1x16xf32>,
        %swap3A_1390 = vector.shape_cast %swap3A_1389 : vector<1x1x16xf32> to vector<16xf32>
        %swap3A_1391 = vector.shape_cast %get3A_1384 : vector<16xf32> to vector<1x1x16xf32>
        tpu.vector_store %arg8[%swap3A_1386, %swap3A_1387, %swap3A_1388], %swap3A_1391 {strides = array<i32>} : memref<4x400x64xf32, #tpu.memory_space<vmem>>, vector<1x1x16xf32>,
      }
      %scan3A_734 = arith.constant 400 : i32
      %mul3A_735 = arith.constant 4 : i32
      %mul3A_736 = arith.muli %scan3A_656, %mul3A_735 : i32
      %add3A_737 = arith.constant 2 : i32
      %add3A_738 = arith.addi %mul3A_736, %add3A_737 : i32
      %mul3A_739 = arith.constant 400 : i32
      %mul3A_740 = arith.muli %add3A_738, %mul3A_739 : i32
      %add3A_741 = arith.addi %mul3A_2, %mul3A_740 : i32
      %dma_start3A_742 = arith.constant 2 : i32
      %dma_start3A_743 = arith.constant 0 : i32
      %dma_start3A_744 = tpu.memref_slice %arg6[%dma_start3A_742, %dma_start3A_743] : memref<4x400xi32, #tpu.memory_space<vmem>> -> memref<1x400xi32, #tpu.memory_space<vmem>>
      %dma_start3A_745 = tpu.memref_squeeze %dma_start3A_744 : memref<1x400xi32, #tpu.memory_space<vmem>> -> memref<400xi32, #tpu.memory_space<vmem>>
      %dma_start3A_746 = tpu.memref_slice %arg3[%add3A_741] : memref<819200xi32, #tpu.memory_space<hbm>> -> memref<400xi32, #tpu.memory_space<hbm>>
      %dma_start3A_747 = arith.constant 0 : i32
      %dma_start3A_748 = tpu.memref_slice %arg6[%dma_start3A_742, %dma_start3A_747] : memref<4x400xi32, #tpu.memory_space<vmem>> -> memref<1x400xi32, #tpu.memory_space<vmem>>
      %dma_start3A_749 = tpu.memref_squeeze %dma_start3A_748 : memref<1x400xi32, #tpu.memory_space<vmem>> -> memref<400xi32, #tpu.memory_space<vmem>>
      %dma_start3A_750 = tpu.memref_slice %arg3[%add3A_741] : memref<819200xi32, #tpu.memory_space<hbm>> -> memref<400xi32, #tpu.memory_space<hbm>>
      tpu.enqueue_dma source(%dma_start3A_750 : memref<400xi32, #tpu.memory_space<hbm>>) target(%dma_start3A_749 : memref<400xi32, #tpu.memory_space<vmem>>) target_semaphore(%arg11 : memref<!tpu.dma_semaphore, #tpu.memory_space<semaphore_mem>>)
      %dma_wait3A_751 = arith.constant 2 : i32
      %dma_wait3A_752 = arith.constant 0 : i32
      %dma_wait3A_753 = arith.constant 0 : i32
      %dma_wait3A_754 = tpu.memref_slice %arg8[%dma_wait3A_751, %dma_wait3A_752, %dma_wait3A_753] : memref<4x400x64xf32, #tpu.memory_space<vmem>> -> memref<1x400x64xf32, #tpu.memory_space<vmem>>
      %dma_wait3A_755 = tpu.memref_squeeze %dma_wait3A_754 : memref<1x400x64xf32, #tpu.memory_space<vmem>> -> memref<400x64xf32, #tpu.memory_space<vmem>>
      %dma_wait3A_756 = arith.constant 0 : i32
      %dma_wait3A_757 = arith.constant 0 : i32
      %dma_wait3A_758 = tpu.memref_slice %arg5[%mul3A_4, %dma_wait3A_756, %dma_wait3A_757] : memref<2048x400x64xf32, #tpu.memory_space<hbm>> -> memref<1x400x64xf32, #tpu.memory_space<hbm>>
      %dma_wait3A_759 = tpu.memref_squeeze %dma_wait3A_758 : memref<1x400x64xf32, #tpu.memory_space<hbm>> -> memref<400x64xf32, #tpu.memory_space<hbm>>
      %dma_wait3A_760 = arith.constant 0 : i32
      %dma_wait3A_761 = arith.constant 0 : i32
      %dma_wait3A_762 = tpu.memref_slice %arg5[%mul3A_4, %dma_wait3A_760, %dma_wait3A_761] : memref<2048x400x64xf32, #tpu.memory_space<hbm>> -> memref<1x400x64xf32, #tpu.memory_space<hbm>>
      %dma_wait3A_763 = tpu.memref_squeeze %dma_wait3A_762 : memref<1x400x64xf32, #tpu.memory_space<hbm>> -> memref<400x64xf32, #tpu.memory_space<hbm>>
      %dma_wait3A_764 = arith.constant 0 : i32
      %dma_wait3A_765 = arith.constant 0 : i32
      %dma_wait3A_766 = tpu.memref_slice %arg8[%dma_wait3A_751, %dma_wait3A_764, %dma_wait3A_765] : memref<4x400x64xf32, #tpu.memory_space<vmem>> -> memref<1x400x64xf32, #tpu.memory_space<vmem>>
      %dma_wait3A_767 = tpu.memref_squeeze %dma_wait3A_766 : memref<1x400x64xf32, #tpu.memory_space<vmem>> -> memref<400x64xf32, #tpu.memory_space<vmem>>
      tpu.wait_dma2 semaphore(%arg19 : memref<!tpu.dma_semaphore, #tpu.memory_space<semaphore_mem>>) src(%dma_wait3A_767 : memref<400x64xf32, #tpu.memory_space<vmem>>) dst(%dma_wait3A_763 : memref<400x64xf32, #tpu.memory_space<hbm>>)
      %scan3A_768 = arith.constant 0 : i32
      %scan3A_769 = arith.constant 0 : i32
      %scan3A_770 = arith.constant 400 : i32
      %scan3A_771 = arith.addi %scan3A_769, %scan3A_770 : i32
      %scan3A_772 = arith.constant 1 : i32
      scf.for %scan3A_1349 = %scan3A_769 to %scan3A_771 step %scan3A_772  : i32 {
        %get3A = arith.index_cast %scan3A_1349 : i32 to index
        %get3A_1350 = arith.constant 0 : index
        %get3A_1351 = tpu.vector_load %arg7[%get3A, %get3A_1350] {strides = array<i32>} : memref<400x64xf32, #tpu.memory_space<vmem>>, vector<1x16xf32>,
        %get3A_1352 = vector.shape_cast %get3A_1351 : vector<1x16xf32> to vector<16xf32>
        %swap3A = arith.constant 2 : i32
        %swap3A_1353 = arith.index_cast %swap3A : i32 to index
        %swap3A_1354 = arith.index_cast %scan3A_1349 : i32 to index
        %swap3A_1355 = arith.constant 0 : index
        %swap3A_1356 = tpu.vector_load %arg8[%swap3A_1353, %swap3A_1354, %swap3A_1355] {strides = array<i32>} : memref<4x400x64xf32, #tpu.memory_space<vmem>>, vector<1x1x16xf32>,
        %swap3A_1357 = vector.shape_cast %swap3A_1356 : vector<1x1x16xf32> to vector<16xf32>
        %swap3A_1358 = vector.shape_cast %get3A_1352 : vector<16xf32> to vector<1x1x16xf32>
        tpu.vector_store %arg8[%swap3A_1353, %swap3A_1354, %swap3A_1355], %swap3A_1358 {strides = array<i32>} : memref<4x400x64xf32, #tpu.memory_space<vmem>>, vector<1x1x16xf32>,
        %get3A_1359 = arith.index_cast %scan3A_1349 : i32 to index
        %get3A_1360 = arith.constant 16 : index
        %get3A_1361 = tpu.vector_load %arg7[%get3A_1359, %get3A_1360] {strides = array<i32>} : memref<400x64xf32, #tpu.memory_space<vmem>>, vector<1x16xf32>,
        %get3A_1362 = vector.shape_cast %get3A_1361 : vector<1x16xf32> to vector<16xf32>
        %swap3A_1363 = arith.constant 2 : i32
        %swap3A_1364 = arith.index_cast %swap3A_1363 : i32 to index
        %swap3A_1365 = arith.index_cast %scan3A_1349 : i32 to index
        %swap3A_1366 = arith.constant 16 : index
        %swap3A_1367 = tpu.vector_load %arg8[%swap3A_1364, %swap3A_1365, %swap3A_1366] {strides = array<i32>} : memref<4x400x64xf32, #tpu.memory_space<vmem>>, vector<1x1x16xf32>,
        %swap3A_1368 = vector.shape_cast %swap3A_1367 : vector<1x1x16xf32> to vector<16xf32>
        %swap3A_1369 = vector.shape_cast %get3A_1362 : vector<16xf32> to vector<1x1x16xf32>
        tpu.vector_store %arg8[%swap3A_1364, %swap3A_1365, %swap3A_1366], %swap3A_1369 {strides = array<i32>} : memref<4x400x64xf32, #tpu.memory_space<vmem>>, vector<1x1x16xf32>,
        %get3A_1370 = arith.index_cast %scan3A_1349 : i32 to index
        %get3A_1371 = arith.constant 32 : index
        %get3A_1372 = tpu.vector_load %arg7[%get3A_1370, %get3A_1371] {strides = array<i32>} : memref<400x64xf32, #tpu.memory_space<vmem>>, vector<1x16xf32>,
        %get3A_1373 = vector.shape_cast %get3A_1372 : vector<1x16xf32> to vector<16xf32>
        %swap3A_1374 = arith.constant 2 : i32
        %swap3A_1375 = arith.index_cast %swap3A_1374 : i32 to index
        %swap3A_1376 = arith.index_cast %scan3A_1349 : i32 to index
        %swap3A_1377 = arith.constant 32 : index
        %swap3A_1378 = tpu.vector_load %arg8[%swap3A_1375, %swap3A_1376, %swap3A_1377] {strides = array<i32>} : memref<4x400x64xf32, #tpu.memory_space<vmem>>, vector<1x1x16xf32>,
        %swap3A_1379 = vector.shape_cast %swap3A_1378 : vector<1x1x16xf32> to vector<16xf32>
        %swap3A_1380 = vector.shape_cast %get3A_1373 : vector<16xf32> to vector<1x1x16xf32>
        tpu.vector_store %arg8[%swap3A_1375, %swap3A_1376, %swap3A_1377], %swap3A_1380 {strides = array<i32>} : memref<4x400x64xf32, #tpu.memory_space<vmem>>, vector<1x1x16xf32>,
        %get3A_1381 = arith.index_cast %scan3A_1349 : i32 to index
        %get3A_1382 = arith.constant 48 : index
        %get3A_1383 = tpu.vector_load %arg7[%get3A_1381, %get3A_1382] {strides = array<i32>} : memref<400x64xf32, #tpu.memory_space<vmem>>, vector<1x16xf32>,
        %get3A_1384 = vector.shape_cast %get3A_1383 : vector<1x16xf32> to vector<16xf32>
        %swap3A_1385 = arith.constant 2 : i32
        %swap3A_1386 = arith.index_cast %swap3A_1385 : i32 to index
        %swap3A_1387 = arith.index_cast %scan3A_1349 : i32 to index
        %swap3A_1388 = arith.constant 48 : index
        %swap3A_1389 = tpu.vector_load %arg8[%swap3A_1386, %swap3A_1387, %swap3A_1388] {strides = array<i32>} : memref<4x400x64xf32, #tpu.memory_space<vmem>>, vector<1x1x16xf32>,
        %swap3A_1390 = vector.shape_cast %swap3A_1389 : vector<1x1x16xf32> to vector<16xf32>
        %swap3A_1391 = vector.shape_cast %get3A_1384 : vector<16xf32> to vector<1x1x16xf32>
        tpu.vector_store %arg8[%swap3A_1386, %swap3A_1387, %swap3A_1388], %swap3A_1391 {strides = array<i32>} : memref<4x400x64xf32, #tpu.memory_space<vmem>>, vector<1x1x16xf32>,
      }
      %scan3A_773 = arith.constant 400 : i32
      %mul3A_774 = arith.constant 4 : i32
      %mul3A_775 = arith.muli %scan3A_656, %mul3A_774 : i32
      %add3A_776 = arith.constant 3 : i32
      %add3A_777 = arith.addi %mul3A_775, %add3A_776 : i32
      %mul3A_778 = arith.constant 400 : i32
      %mul3A_779 = arith.muli %add3A_777, %mul3A_778 : i32
      %add3A_780 = arith.addi %mul3A_2, %mul3A_779 : i32
      %dma_start3A_781 = arith.constant 3 : i32
      %dma_start3A_782 = arith.constant 0 : i32
      %dma_start3A_783 = tpu.memref_slice %arg6[%dma_start3A_781, %dma_start3A_782] : memref<4x400xi32, #tpu.memory_space<vmem>> -> memref<1x400xi32, #tpu.memory_space<vmem>>
      %dma_start3A_784 = tpu.memref_squeeze %dma_start3A_783 : memref<1x400xi32, #tpu.memory_space<vmem>> -> memref<400xi32, #tpu.memory_space<vmem>>
      %dma_start3A_785 = tpu.memref_slice %arg3[%add3A_780] : memref<819200xi32, #tpu.memory_space<hbm>> -> memref<400xi32, #tpu.memory_space<hbm>>
      %dma_start3A_786 = arith.constant 0 : i32
      %dma_start3A_787 = tpu.memref_slice %arg6[%dma_start3A_781, %dma_start3A_786] : memref<4x400xi32, #tpu.memory_space<vmem>> -> memref<1x400xi32, #tpu.memory_space<vmem>>
      %dma_start3A_788 = tpu.memref_squeeze %dma_start3A_787 : memref<1x400xi32, #tpu.memory_space<vmem>> -> memref<400xi32, #tpu.memory_space<vmem>>
      %dma_start3A_789 = tpu.memref_slice %arg3[%add3A_780] : memref<819200xi32, #tpu.memory_space<hbm>> -> memref<400xi32, #tpu.memory_space<hbm>>
      tpu.enqueue_dma source(%dma_start3A_789 : memref<400xi32, #tpu.memory_space<hbm>>) target(%dma_start3A_788 : memref<400xi32, #tpu.memory_space<vmem>>) target_semaphore(%arg12 : memref<!tpu.dma_semaphore, #tpu.memory_space<semaphore_mem>>)
      %dma_wait3A_790 = arith.constant 3 : i32
      %dma_wait3A_791 = arith.constant 0 : i32
      %dma_wait3A_792 = arith.constant 0 : i32
      %dma_wait3A_793 = tpu.memref_slice %arg8[%dma_wait3A_790, %dma_wait3A_791, %dma_wait3A_792] : memref<4x400x64xf32, #tpu.memory_space<vmem>> -> memref<1x400x64xf32, #tpu.memory_space<vmem>>
      %dma_wait3A_794 = tpu.memref_squeeze %dma_wait3A_793 : memref<1x400x64xf32, #tpu.memory_space<vmem>> -> memref<400x64xf32, #tpu.memory_space<vmem>>
      %dma_wait3A_795 = arith.constant 0 : i32
      %dma_wait3A_796 = arith.constant 0 : i32
      %dma_wait3A_797 = tpu.memref_slice %arg5[%mul3A_4, %dma_wait3A_795, %dma_wait3A_796] : memref<2048x400x64xf32, #tpu.memory_space<hbm>> -> memref<1x400x64xf32, #tpu.memory_space<hbm>>
      %dma_wait3A_798 = tpu.memref_squeeze %dma_wait3A_797 : memref<1x400x64xf32, #tpu.memory_space<hbm>> -> memref<400x64xf32, #tpu.memory_space<hbm>>
      %dma_wait3A_799 = arith.constant 0 : i32
      %dma_wait3A_800 = arith.constant 0 : i32
      %dma_wait3A_801 = tpu.memref_slice %arg5[%mul3A_4, %dma_wait3A_799, %dma_wait3A_800] : memref<2048x400x64xf32, #tpu.memory_space<hbm>> -> memref<1x400x64xf32, #tpu.memory_space<hbm>>
      %dma_wait3A_802 = tpu.memref_squeeze %dma_wait3A_801 : memref<1x400x64xf32, #tpu.memory_space<hbm>> -> memref<400x64xf32, #tpu.memory_space<hbm>>
      %dma_wait3A_803 = arith.constant 0 : i32
      %dma_wait3A_804 = arith.constant 0 : i32
      %dma_wait3A_805 = tpu.memref_slice %arg8[%dma_wait3A_790, %dma_wait3A_803, %dma_wait3A_804] : memref<4x400x64xf32, #tpu.memory_space<vmem>> -> memref<1x400x64xf32, #tpu.memory_space<vmem>>
      %dma_wait3A_806 = tpu.memref_squeeze %dma_wait3A_805 : memref<1x400x64xf32, #tpu.memory_space<vmem>> -> memref<400x64xf32, #tpu.memory_space<vmem>>
      tpu.wait_dma2 semaphore(%arg20 : memref<!tpu.dma_semaphore, #tpu.memory_space<semaphore_mem>>) src(%dma_wait3A_806 : memref<400x64xf32, #tpu.memory_space<vmem>>) dst(%dma_wait3A_802 : memref<400x64xf32, #tpu.memory_space<hbm>>)
      %scan3A_807 = arith.constant 0 : i32
      %scan3A_808 = arith.constant 0 : i32
      %scan3A_809 = arith.constant 400 : i32
      %scan3A_810 = arith.addi %scan3A_808, %scan3A_809 : i32
      %scan3A_811 = arith.constant 1 : i32
      scf.for %scan3A_1349 = %scan3A_808 to %scan3A_810 step %scan3A_811  : i32 {
        %get3A = arith.index_cast %scan3A_1349 : i32 to index
        %get3A_1350 = arith.constant 0 : index
        %get3A_1351 = tpu.vector_load %arg7[%get3A, %get3A_1350] {strides = array<i32>} : memref<400x64xf32, #tpu.memory_space<vmem>>, vector<1x16xf32>,
        %get3A_1352 = vector.shape_cast %get3A_1351 : vector<1x16xf32> to vector<16xf32>
        %swap3A = arith.constant 3 : i32
        %swap3A_1353 = arith.index_cast %swap3A : i32 to index
        %swap3A_1354 = arith.index_cast %scan3A_1349 : i32 to index
        %swap3A_1355 = arith.constant 0 : index
        %swap3A_1356 = tpu.vector_load %arg8[%swap3A_1353, %swap3A_1354, %swap3A_1355] {strides = array<i32>} : memref<4x400x64xf32, #tpu.memory_space<vmem>>, vector<1x1x16xf32>,
        %swap3A_1357 = vector.shape_cast %swap3A_1356 : vector<1x1x16xf32> to vector<16xf32>
        %swap3A_1358 = vector.shape_cast %get3A_1352 : vector<16xf32> to vector<1x1x16xf32>
        tpu.vector_store %arg8[%swap3A_1353, %swap3A_1354, %swap3A_1355], %swap3A_1358 {strides = array<i32>} : memref<4x400x64xf32, #tpu.memory_space<vmem>>, vector<1x1x16xf32>,
        %get3A_1359 = arith.index_cast %scan3A_1349 : i32 to index
        %get3A_1360 = arith.constant 16 : index
        %get3A_1361 = tpu.vector_load %arg7[%get3A_1359, %get3A_1360] {strides = array<i32>} : memref<400x64xf32, #tpu.memory_space<vmem>>, vector<1x16xf32>,
        %get3A_1362 = vector.shape_cast %get3A_1361 : vector<1x16xf32> to vector<16xf32>
        %swap3A_1363 = arith.constant 3 : i32
        %swap3A_1364 = arith.index_cast %swap3A_1363 : i32 to index
        %swap3A_1365 = arith.index_cast %scan3A_1349 : i32 to index
        %swap3A_1366 = arith.constant 16 : index
        %swap3A_1367 = tpu.vector_load %arg8[%swap3A_1364, %swap3A_1365, %swap3A_1366] {strides = array<i32>} : memref<4x400x64xf32, #tpu.memory_space<vmem>>, vector<1x1x16xf32>,
        %swap3A_1368 = vector.shape_cast %swap3A_1367 : vector<1x1x16xf32> to vector<16xf32>
        %swap3A_1369 = vector.shape_cast %get3A_1362 : vector<16xf32> to vector<1x1x16xf32>
        tpu.vector_store %arg8[%swap3A_1364, %swap3A_1365, %swap3A_1366], %swap3A_1369 {strides = array<i32>} : memref<4x400x64xf32, #tpu.memory_space<vmem>>, vector<1x1x16xf32>,
        %get3A_1370 = arith.index_cast %scan3A_1349 : i32 to index
        %get3A_1371 = arith.constant 32 : index
        %get3A_1372 = tpu.vector_load %arg7[%get3A_1370, %get3A_1371] {strides = array<i32>} : memref<400x64xf32, #tpu.memory_space<vmem>>, vector<1x16xf32>,
        %get3A_1373 = vector.shape_cast %get3A_1372 : vector<1x16xf32> to vector<16xf32>
        %swap3A_1374 = arith.constant 3 : i32
        %swap3A_1375 = arith.index_cast %swap3A_1374 : i32 to index
        %swap3A_1376 = arith.index_cast %scan3A_1349 : i32 to index
        %swap3A_1377 = arith.constant 32 : index
        %swap3A_1378 = tpu.vector_load %arg8[%swap3A_1375, %swap3A_1376, %swap3A_1377] {strides = array<i32>} : memref<4x400x64xf32, #tpu.memory_space<vmem>>, vector<1x1x16xf32>,
        %swap3A_1379 = vector.shape_cast %swap3A_1378 : vector<1x1x16xf32> to vector<16xf32>
        %swap3A_1380 = vector.shape_cast %get3A_1373 : vector<16xf32> to vector<1x1x16xf32>
        tpu.vector_store %arg8[%swap3A_1375, %swap3A_1376, %swap3A_1377], %swap3A_1380 {strides = array<i32>} : memref<4x400x64xf32, #tpu.memory_space<vmem>>, vector<1x1x16xf32>,
        %get3A_1381 = arith.index_cast %scan3A_1349 : i32 to index
        %get3A_1382 = arith.constant 48 : index
        %get3A_1383 = tpu.vector_load %arg7[%get3A_1381, %get3A_1382] {strides = array<i32>} : memref<400x64xf32, #tpu.memory_space<vmem>>, vector<1x16xf32>,
        %get3A_1384 = vector.shape_cast %get3A_1383 : vector<1x16xf32> to vector<16xf32>
        %swap3A_1385 = arith.constant 3 : i32
        %swap3A_1386 = arith.index_cast %swap3A_1385 : i32 to index
        %swap3A_1387 = arith.index_cast %scan3A_1349 : i32 to index
        %swap3A_1388 = arith.constant 48 : index
        %swap3A_1389 = tpu.vector_load %arg8[%swap3A_1386, %swap3A_1387, %swap3A_1388] {strides = array<i32>} : memref<4x400x64xf32, #tpu.memory_space<vmem>>, vector<1x1x16xf32>,
        %swap3A_1390 = vector.shape_cast %swap3A_1389 : vector<1x1x16xf32> to vector<16xf32>
        %swap3A_1391 = vector.shape_cast %get3A_1384 : vector<16xf32> to vector<1x1x16xf32>
        tpu.vector_store %arg8[%swap3A_1386, %swap3A_1387, %swap3A_1388], %swap3A_1391 {strides = array<i32>} : memref<4x400x64xf32, #tpu.memory_space<vmem>>, vector<1x1x16xf32>,
      }
      %scan3A_812 = arith.constant 400 : i32
      %mul3A_813 = arith.constant 4 : i32
      %mul3A_814 = arith.muli %scan3A_656, %mul3A_813 : i32
      %add3A_815 = arith.constant 0 : i32
      %add3A_816 = arith.addi %mul3A_814, %add3A_815 : i32
      %mul3A_817 = arith.constant 400 : i32
      %mul3A_818 = arith.muli %add3A_816, %mul3A_817 : i32
      %add3A_819 = arith.addi %mul3A_2, %mul3A_818 : i32
      %dma_wait3A_820 = arith.constant 0 : i32
      %dma_wait3A_821 = arith.constant 0 : i32
      %dma_wait3A_822 = tpu.memref_slice %arg6[%dma_wait3A_820, %dma_wait3A_821] : memref<4x400xi32, #tpu.memory_space<vmem>> -> memref<1x400xi32, #tpu.memory_space<vmem>>
      %dma_wait3A_823 = tpu.memref_squeeze %dma_wait3A_822 : memref<1x400xi32, #tpu.memory_space<vmem>> -> memref<400xi32, #tpu.memory_space<vmem>>
      %dma_wait3A_824 = tpu.memref_slice %arg3[%add3A_819] : memref<819200xi32, #tpu.memory_space<hbm>> -> memref<400xi32, #tpu.memory_space<hbm>>
      %dma_wait3A_825 = arith.constant 0 : i32
      %dma_wait3A_826 = tpu.memref_slice %arg6[%dma_wait3A_820, %dma_wait3A_825] : memref<4x400xi32, #tpu.memory_space<vmem>> -> memref<1x400xi32, #tpu.memory_space<vmem>>
      %dma_wait3A_827 = tpu.memref_squeeze %dma_wait3A_826 : memref<1x400xi32, #tpu.memory_space<vmem>> -> memref<400xi32, #tpu.memory_space<vmem>>
      %dma_wait3A_828 = tpu.memref_slice %arg3[%add3A_819] : memref<819200xi32, #tpu.memory_space<hbm>> -> memref<400xi32, #tpu.memory_space<hbm>>
      tpu.wait_dma2 semaphore(%arg9 : memref<!tpu.dma_semaphore, #tpu.memory_space<semaphore_mem>>) src(%dma_wait3A_828 : memref<400xi32, #tpu.memory_space<hbm>>) dst(%dma_wait3A_827 : memref<400xi32, #tpu.memory_space<vmem>>)
      %dma_start3A_829 = arith.constant 0 : i32
      %dma_start3A_830 = arith.constant 0 : i32
      %dma_start3A_831 = arith.constant 0 : i32
      %dma_start3A_832 = arith.constant 0 : i32
      %dma_start3A_833 = tpu.memref_slice %arg8[%dma_start3A_830, %dma_start3A_831, %dma_start3A_832] : memref<4x400x64xf32, #tpu.memory_space<vmem>> -> memref<1x128x64xf32, #tpu.memory_space<vmem>>
      %dma_start3A_834 = tpu.memref_squeeze %dma_start3A_833 : memref<1x128x64xf32, #tpu.memory_space<vmem>> -> memref<128x64xf32, #tpu.memory_space<vmem>>
      %dma_start3A_835 = arith.constant 0 : i32
      %dma_start3A_836 = tpu.memref_slice %arg6[%dma_start3A_829, %dma_start3A_835] : memref<4x400xi32, #tpu.memory_space<vmem>> -> memref<1x128xi32, #tpu.memory_space<vmem>>
      %dma_start3A_837 = tpu.memref_squeeze %dma_start3A_836 : memref<1x128xi32, #tpu.memory_space<vmem>> -> memref<128xi32, #tpu.memory_space<vmem>>
      %dma_start3A_838 = arith.constant 0 : i32
      %dma_start3A_839 = arith.constant 0 : i32
      %dma_start3A_840 = tpu.memref_slice %arg2[%dma_start3A_838, %dma_start3A_839] : memref<1000000x64xf32, #tpu.memory_space<hbm>> -> memref<1000000x64xf32, #tpu.memory_space<hbm>>
      tpu.enqueue_indirect_dma source(%dma_start3A_840 : memref<1000000x64xf32, #tpu.memory_space<hbm>>) target(%dma_start3A_834 : memref<128x64xf32, #tpu.memory_space<vmem>>) offsets(%dma_start3A_837 : memref<128xi32, #tpu.memory_space<vmem>>) semaphore(%arg13 : memref<!tpu.dma_semaphore, #tpu.memory_space<semaphore_mem>>) {add = true}
      %dma_start3A_841 = arith.constant 0 : i32
      %dma_start3A_842 = arith.constant 0 : i32
      %dma_start3A_843 = arith.constant 128 : i32
      %dma_start3A_844 = arith.constant 0 : i32
      %dma_start3A_845 = tpu.memref_slice %arg8[%dma_start3A_842, %dma_start3A_843, %dma_start3A_844] : memref<4x400x64xf32, #tpu.memory_space<vmem>> -> memref<1x128x64xf32, #tpu.memory_space<vmem>>
      %dma_start3A_846 = tpu.memref_squeeze %dma_start3A_845 : memref<1x128x64xf32, #tpu.memory_space<vmem>> -> memref<128x64xf32, #tpu.memory_space<vmem>>
      %dma_start3A_847 = arith.constant 128 : i32
      %dma_start3A_848 = tpu.memref_slice %arg6[%dma_start3A_841, %dma_start3A_847] : memref<4x400xi32, #tpu.memory_space<vmem>> -> memref<1x128xi32, #tpu.memory_space<vmem>>
      %dma_start3A_849 = tpu.memref_squeeze %dma_start3A_848 : memref<1x128xi32, #tpu.memory_space<vmem>> -> memref<128xi32, #tpu.memory_space<vmem>>
      %dma_start3A_850 = arith.constant 0 : i32
      %dma_start3A_851 = arith.constant 0 : i32
      %dma_start3A_852 = tpu.memref_slice %arg2[%dma_start3A_850, %dma_start3A_851] : memref<1000000x64xf32, #tpu.memory_space<hbm>> -> memref<1000000x64xf32, #tpu.memory_space<hbm>>
      tpu.enqueue_indirect_dma source(%dma_start3A_852 : memref<1000000x64xf32, #tpu.memory_space<hbm>>) target(%dma_start3A_846 : memref<128x64xf32, #tpu.memory_space<vmem>>) offsets(%dma_start3A_849 : memref<128xi32, #tpu.memory_space<vmem>>) semaphore(%arg13 : memref<!tpu.dma_semaphore, #tpu.memory_space<semaphore_mem>>) {add = true}
      %dma_start3A_853 = arith.constant 0 : i32
      %dma_start3A_854 = arith.constant 0 : i32
      %dma_start3A_855 = arith.constant 256 : i32
      %dma_start3A_856 = arith.constant 0 : i32
      %dma_start3A_857 = tpu.memref_slice %arg8[%dma_start3A_854, %dma_start3A_855, %dma_start3A_856] : memref<4x400x64xf32, #tpu.memory_space<vmem>> -> memref<1x128x64xf32, #tpu.memory_space<vmem>>
      %dma_start3A_858 = tpu.memref_squeeze %dma_start3A_857 : memref<1x128x64xf32, #tpu.memory_space<vmem>> -> memref<128x64xf32, #tpu.memory_space<vmem>>
      %dma_start3A_859 = arith.constant 256 : i32
      %dma_start3A_860 = tpu.memref_slice %arg6[%dma_start3A_853, %dma_start3A_859] : memref<4x400xi32, #tpu.memory_space<vmem>> -> memref<1x128xi32, #tpu.memory_space<vmem>>
      %dma_start3A_861 = tpu.memref_squeeze %dma_start3A_860 : memref<1x128xi32, #tpu.memory_space<vmem>> -> memref<128xi32, #tpu.memory_space<vmem>>
      %dma_start3A_862 = arith.constant 0 : i32
      %dma_start3A_863 = arith.constant 0 : i32
      %dma_start3A_864 = tpu.memref_slice %arg2[%dma_start3A_862, %dma_start3A_863] : memref<1000000x64xf32, #tpu.memory_space<hbm>> -> memref<1000000x64xf32, #tpu.memory_space<hbm>>
      tpu.enqueue_indirect_dma source(%dma_start3A_864 : memref<1000000x64xf32, #tpu.memory_space<hbm>>) target(%dma_start3A_858 : memref<128x64xf32, #tpu.memory_space<vmem>>) offsets(%dma_start3A_861 : memref<128xi32, #tpu.memory_space<vmem>>) semaphore(%arg13 : memref<!tpu.dma_semaphore, #tpu.memory_space<semaphore_mem>>) {add = true}
      %dma_start3A_865 = arith.constant 0 : i32
      %dma_start3A_866 = arith.constant 0 : i32
      %dma_start3A_867 = arith.constant 384 : i32
      %dma_start3A_868 = arith.constant 0 : i32
      %dma_start3A_869 = tpu.memref_slice %arg8[%dma_start3A_866, %dma_start3A_867, %dma_start3A_868] : memref<4x400x64xf32, #tpu.memory_space<vmem>> -> memref<1x16x64xf32, #tpu.memory_space<vmem>>
      %dma_start3A_870 = tpu.memref_squeeze %dma_start3A_869 : memref<1x16x64xf32, #tpu.memory_space<vmem>> -> memref<16x64xf32, #tpu.memory_space<vmem>>
      %dma_start3A_871 = arith.constant 384 : i32
      %dma_start3A_872 = tpu.memref_slice %arg6[%dma_start3A_865, %dma_start3A_871] : memref<4x400xi32, #tpu.memory_space<vmem>> -> memref<1x16xi32, #tpu.memory_space<vmem>>
      %dma_start3A_873 = tpu.memref_squeeze %dma_start3A_872 : memref<1x16xi32, #tpu.memory_space<vmem>> -> memref<16xi32, #tpu.memory_space<vmem>>
      %dma_start3A_874 = arith.constant 0 : i32
      %dma_start3A_875 = arith.constant 0 : i32
      %dma_start3A_876 = tpu.memref_slice %arg2[%dma_start3A_874, %dma_start3A_875] : memref<1000000x64xf32, #tpu.memory_space<hbm>> -> memref<1000000x64xf32, #tpu.memory_space<hbm>>
      tpu.enqueue_indirect_dma source(%dma_start3A_876 : memref<1000000x64xf32, #tpu.memory_space<hbm>>) target(%dma_start3A_870 : memref<16x64xf32, #tpu.memory_space<vmem>>) offsets(%dma_start3A_873 : memref<16xi32, #tpu.memory_space<vmem>>) semaphore(%arg13 : memref<!tpu.dma_semaphore, #tpu.memory_space<semaphore_mem>>) {add = true}
      %mul3A_877 = arith.constant 4 : i32
      %mul3A_878 = arith.muli %scan3A_656, %mul3A_877 : i32
      %add3A_879 = arith.constant 1 : i32
      %add3A_880 = arith.addi %mul3A_878, %add3A_879 : i32
      %mul3A_881 = arith.constant 400 : i32
      %mul3A_882 = arith.muli %add3A_880, %mul3A_881 : i32
      %add3A_883 = arith.addi %mul3A_2, %mul3A_882 : i32
      %dma_wait3A_884 = arith.constant 1 : i32
      %dma_wait3A_885 = arith.constant 0 : i32
      %dma_wait3A_886 = tpu.memref_slice %arg6[%dma_wait3A_884, %dma_wait3A_885] : memref<4x400xi32, #tpu.memory_space<vmem>> -> memref<1x400xi32, #tpu.memory_space<vmem>>
      %dma_wait3A_887 = tpu.memref_squeeze %dma_wait3A_886 : memref<1x400xi32, #tpu.memory_space<vmem>> -> memref<400xi32, #tpu.memory_space<vmem>>
      %dma_wait3A_888 = tpu.memref_slice %arg3[%add3A_883] : memref<819200xi32, #tpu.memory_space<hbm>> -> memref<400xi32, #tpu.memory_space<hbm>>
      %dma_wait3A_889 = arith.constant 0 : i32
      %dma_wait3A_890 = tpu.memref_slice %arg6[%dma_wait3A_884, %dma_wait3A_889] : memref<4x400xi32, #tpu.memory_space<vmem>> -> memref<1x400xi32, #tpu.memory_space<vmem>>
      %dma_wait3A_891 = tpu.memref_squeeze %dma_wait3A_890 : memref<1x400xi32, #tpu.memory_space<vmem>> -> memref<400xi32, #tpu.memory_space<vmem>>
      %dma_wait3A_892 = tpu.memref_slice %arg3[%add3A_883] : memref<819200xi32, #tpu.memory_space<hbm>> -> memref<400xi32, #tpu.memory_space<hbm>>
      tpu.wait_dma2 semaphore(%arg10 : memref<!tpu.dma_semaphore, #tpu.memory_space<semaphore_mem>>) src(%dma_wait3A_892 : memref<400xi32, #tpu.memory_space<hbm>>) dst(%dma_wait3A_891 : memref<400xi32, #tpu.memory_space<vmem>>)
      %dma_start3A_893 = arith.constant 1 : i32
      %dma_start3A_894 = arith.constant 1 : i32
      %dma_start3A_895 = arith.constant 0 : i32
      %dma_start3A_896 = arith.constant 0 : i32
      %dma_start3A_897 = tpu.memref_slice %arg8[%dma_start3A_894, %dma_start3A_895, %dma_start3A_896] : memref<4x400x64xf32, #tpu.memory_space<vmem>> -> memref<1x128x64xf32, #tpu.memory_space<vmem>>
      %dma_start3A_898 = tpu.memref_squeeze %dma_start3A_897 : memref<1x128x64xf32, #tpu.memory_space<vmem>> -> memref<128x64xf32, #tpu.memory_space<vmem>>
      %dma_start3A_899 = arith.constant 0 : i32
      %dma_start3A_900 = tpu.memref_slice %arg6[%dma_start3A_893, %dma_start3A_899] : memref<4x400xi32, #tpu.memory_space<vmem>> -> memref<1x128xi32, #tpu.memory_space<vmem>>
      %dma_start3A_901 = tpu.memref_squeeze %dma_start3A_900 : memref<1x128xi32, #tpu.memory_space<vmem>> -> memref<128xi32, #tpu.memory_space<vmem>>
      %dma_start3A_902 = arith.constant 0 : i32
      %dma_start3A_903 = arith.constant 0 : i32
      %dma_start3A_904 = tpu.memref_slice %arg2[%dma_start3A_902, %dma_start3A_903] : memref<1000000x64xf32, #tpu.memory_space<hbm>> -> memref<1000000x64xf32, #tpu.memory_space<hbm>>
      tpu.enqueue_indirect_dma source(%dma_start3A_904 : memref<1000000x64xf32, #tpu.memory_space<hbm>>) target(%dma_start3A_898 : memref<128x64xf32, #tpu.memory_space<vmem>>) offsets(%dma_start3A_901 : memref<128xi32, #tpu.memory_space<vmem>>) semaphore(%arg14 : memref<!tpu.dma_semaphore, #tpu.memory_space<semaphore_mem>>) {add = true}
      %dma_start3A_905 = arith.constant 1 : i32
      %dma_start3A_906 = arith.constant 1 : i32
      %dma_start3A_907 = arith.constant 128 : i32
      %dma_start3A_908 = arith.constant 0 : i32
      %dma_start3A_909 = tpu.memref_slice %arg8[%dma_start3A_906, %dma_start3A_907, %dma_start3A_908] : memref<4x400x64xf32, #tpu.memory_space<vmem>> -> memref<1x128x64xf32, #tpu.memory_space<vmem>>
      %dma_start3A_910 = tpu.memref_squeeze %dma_start3A_909 : memref<1x128x64xf32, #tpu.memory_space<vmem>> -> memref<128x64xf32, #tpu.memory_space<vmem>>
      %dma_start3A_911 = arith.constant 128 : i32
      %dma_start3A_912 = tpu.memref_slice %arg6[%dma_start3A_905, %dma_start3A_911] : memref<4x400xi32, #tpu.memory_space<vmem>> -> memref<1x128xi32, #tpu.memory_space<vmem>>
      %dma_start3A_913 = tpu.memref_squeeze %dma_start3A_912 : memref<1x128xi32, #tpu.memory_space<vmem>> -> memref<128xi32, #tpu.memory_space<vmem>>
      %dma_start3A_914 = arith.constant 0 : i32
      %dma_start3A_915 = arith.constant 0 : i32
      %dma_start3A_916 = tpu.memref_slice %arg2[%dma_start3A_914, %dma_start3A_915] : memref<1000000x64xf32, #tpu.memory_space<hbm>> -> memref<1000000x64xf32, #tpu.memory_space<hbm>>
      tpu.enqueue_indirect_dma source(%dma_start3A_916 : memref<1000000x64xf32, #tpu.memory_space<hbm>>) target(%dma_start3A_910 : memref<128x64xf32, #tpu.memory_space<vmem>>) offsets(%dma_start3A_913 : memref<128xi32, #tpu.memory_space<vmem>>) semaphore(%arg14 : memref<!tpu.dma_semaphore, #tpu.memory_space<semaphore_mem>>) {add = true}
      %dma_start3A_917 = arith.constant 1 : i32
      %dma_start3A_918 = arith.constant 1 : i32
      %dma_start3A_919 = arith.constant 256 : i32
      %dma_start3A_920 = arith.constant 0 : i32
      %dma_start3A_921 = tpu.memref_slice %arg8[%dma_start3A_918, %dma_start3A_919, %dma_start3A_920] : memref<4x400x64xf32, #tpu.memory_space<vmem>> -> memref<1x128x64xf32, #tpu.memory_space<vmem>>
      %dma_start3A_922 = tpu.memref_squeeze %dma_start3A_921 : memref<1x128x64xf32, #tpu.memory_space<vmem>> -> memref<128x64xf32, #tpu.memory_space<vmem>>
      %dma_start3A_923 = arith.constant 256 : i32
      %dma_start3A_924 = tpu.memref_slice %arg6[%dma_start3A_917, %dma_start3A_923] : memref<4x400xi32, #tpu.memory_space<vmem>> -> memref<1x128xi32, #tpu.memory_space<vmem>>
      %dma_start3A_925 = tpu.memref_squeeze %dma_start3A_924 : memref<1x128xi32, #tpu.memory_space<vmem>> -> memref<128xi32, #tpu.memory_space<vmem>>
      %dma_start3A_926 = arith.constant 0 : i32
      %dma_start3A_927 = arith.constant 0 : i32
      %dma_start3A_928 = tpu.memref_slice %arg2[%dma_start3A_926, %dma_start3A_927] : memref<1000000x64xf32, #tpu.memory_space<hbm>> -> memref<1000000x64xf32, #tpu.memory_space<hbm>>
      tpu.enqueue_indirect_dma source(%dma_start3A_928 : memref<1000000x64xf32, #tpu.memory_space<hbm>>) target(%dma_start3A_922 : memref<128x64xf32, #tpu.memory_space<vmem>>) offsets(%dma_start3A_925 : memref<128xi32, #tpu.memory_space<vmem>>) semaphore(%arg14 : memref<!tpu.dma_semaphore, #tpu.memory_space<semaphore_mem>>) {add = true}
      %dma_start3A_929 = arith.constant 1 : i32
      %dma_start3A_930 = arith.constant 1 : i32
      %dma_start3A_931 = arith.constant 384 : i32
      %dma_start3A_932 = arith.constant 0 : i32
      %dma_start3A_933 = tpu.memref_slice %arg8[%dma_start3A_930, %dma_start3A_931, %dma_start3A_932] : memref<4x400x64xf32, #tpu.memory_space<vmem>> -> memref<1x16x64xf32, #tpu.memory_space<vmem>>
      %dma_start3A_934 = tpu.memref_squeeze %dma_start3A_933 : memref<1x16x64xf32, #tpu.memory_space<vmem>> -> memref<16x64xf32, #tpu.memory_space<vmem>>
      %dma_start3A_935 = arith.constant 384 : i32
      %dma_start3A_936 = tpu.memref_slice %arg6[%dma_start3A_929, %dma_start3A_935] : memref<4x400xi32, #tpu.memory_space<vmem>> -> memref<1x16xi32, #tpu.memory_space<vmem>>
      %dma_start3A_937 = tpu.memref_squeeze %dma_start3A_936 : memref<1x16xi32, #tpu.memory_space<vmem>> -> memref<16xi32, #tpu.memory_space<vmem>>
      %dma_start3A_938 = arith.constant 0 : i32
      %dma_start3A_939 = arith.constant 0 : i32
      %dma_start3A_940 = tpu.memref_slice %arg2[%dma_start3A_938, %dma_start3A_939] : memref<1000000x64xf32, #tpu.memory_space<hbm>> -> memref<1000000x64xf32, #tpu.memory_space<hbm>>
      tpu.enqueue_indirect_dma source(%dma_start3A_940 : memref<1000000x64xf32, #tpu.memory_space<hbm>>) target(%dma_start3A_934 : memref<16x64xf32, #tpu.memory_space<vmem>>) offsets(%dma_start3A_937 : memref<16xi32, #tpu.memory_space<vmem>>) semaphore(%arg14 : memref<!tpu.dma_semaphore, #tpu.memory_space<semaphore_mem>>) {add = true}
      %mul3A_941 = arith.constant 4 : i32
      %mul3A_942 = arith.muli %scan3A_656, %mul3A_941 : i32
      %add3A_943 = arith.constant 2 : i32
      %add3A_944 = arith.addi %mul3A_942, %add3A_943 : i32
      %mul3A_945 = arith.constant 400 : i32
      %mul3A_946 = arith.muli %add3A_944, %mul3A_945 : i32
      %add3A_947 = arith.addi %mul3A_2, %mul3A_946 : i32
      %dma_wait3A_948 = arith.constant 2 : i32
      %dma_wait3A_949 = arith.constant 0 : i32
      %dma_wait3A_950 = tpu.memref_slice %arg6[%dma_wait3A_948, %dma_wait3A_949] : memref<4x400xi32, #tpu.memory_space<vmem>> -> memref<1x400xi32, #tpu.memory_space<vmem>>
      %dma_wait3A_951 = tpu.memref_squeeze %dma_wait3A_950 : memref<1x400xi32, #tpu.memory_space<vmem>> -> memref<400xi32, #tpu.memory_space<vmem>>
      %dma_wait3A_952 = tpu.memref_slice %arg3[%add3A_947] : memref<819200xi32, #tpu.memory_space<hbm>> -> memref<400xi32, #tpu.memory_space<hbm>>
      %dma_wait3A_953 = arith.constant 0 : i32
      %dma_wait3A_954 = tpu.memref_slice %arg6[%dma_wait3A_948, %dma_wait3A_953] : memref<4x400xi32, #tpu.memory_space<vmem>> -> memref<1x400xi32, #tpu.memory_space<vmem>>
      %dma_wait3A_955 = tpu.memref_squeeze %dma_wait3A_954 : memref<1x400xi32, #tpu.memory_space<vmem>> -> memref<400xi32, #tpu.memory_space<vmem>>
      %dma_wait3A_956 = tpu.memref_slice %arg3[%add3A_947] : memref<819200xi32, #tpu.memory_space<hbm>> -> memref<400xi32, #tpu.memory_space<hbm>>
      tpu.wait_dma2 semaphore(%arg11 : memref<!tpu.dma_semaphore, #tpu.memory_space<semaphore_mem>>) src(%dma_wait3A_956 : memref<400xi32, #tpu.memory_space<hbm>>) dst(%dma_wait3A_955 : memref<400xi32, #tpu.memory_space<vmem>>)
      %dma_start3A_957 = arith.constant 2 : i32
      %dma_start3A_958 = arith.constant 2 : i32
      %dma_start3A_959 = arith.constant 0 : i32
      %dma_start3A_960 = arith.constant 0 : i32
      %dma_start3A_961 = tpu.memref_slice %arg8[%dma_start3A_958, %dma_start3A_959, %dma_start3A_960] : memref<4x400x64xf32, #tpu.memory_space<vmem>> -> memref<1x128x64xf32, #tpu.memory_space<vmem>>
      %dma_start3A_962 = tpu.memref_squeeze %dma_start3A_961 : memref<1x128x64xf32, #tpu.memory_space<vmem>> -> memref<128x64xf32, #tpu.memory_space<vmem>>
      %dma_start3A_963 = arith.constant 0 : i32
      %dma_start3A_964 = tpu.memref_slice %arg6[%dma_start3A_957, %dma_start3A_963] : memref<4x400xi32, #tpu.memory_space<vmem>> -> memref<1x128xi32, #tpu.memory_space<vmem>>
      %dma_start3A_965 = tpu.memref_squeeze %dma_start3A_964 : memref<1x128xi32, #tpu.memory_space<vmem>> -> memref<128xi32, #tpu.memory_space<vmem>>
      %dma_start3A_966 = arith.constant 0 : i32
      %dma_start3A_967 = arith.constant 0 : i32
      %dma_start3A_968 = tpu.memref_slice %arg2[%dma_start3A_966, %dma_start3A_967] : memref<1000000x64xf32, #tpu.memory_space<hbm>> -> memref<1000000x64xf32, #tpu.memory_space<hbm>>
      tpu.enqueue_indirect_dma source(%dma_start3A_968 : memref<1000000x64xf32, #tpu.memory_space<hbm>>) target(%dma_start3A_962 : memref<128x64xf32, #tpu.memory_space<vmem>>) offsets(%dma_start3A_965 : memref<128xi32, #tpu.memory_space<vmem>>) semaphore(%arg15 : memref<!tpu.dma_semaphore, #tpu.memory_space<semaphore_mem>>) {add = true}
      %dma_start3A_969 = arith.constant 2 : i32
      %dma_start3A_970 = arith.constant 2 : i32
      %dma_start3A_971 = arith.constant 128 : i32
      %dma_start3A_972 = arith.constant 0 : i32
      %dma_start3A_973 = tpu.memref_slice %arg8[%dma_start3A_970, %dma_start3A_971, %dma_start3A_972] : memref<4x400x64xf32, #tpu.memory_space<vmem>> -> memref<1x128x64xf32, #tpu.memory_space<vmem>>
      %dma_start3A_974 = tpu.memref_squeeze %dma_start3A_973 : memref<1x128x64xf32, #tpu.memory_space<vmem>> -> memref<128x64xf32, #tpu.memory_space<vmem>>
      %dma_start3A_975 = arith.constant 128 : i32
      %dma_start3A_976 = tpu.memref_slice %arg6[%dma_start3A_969, %dma_start3A_975] : memref<4x400xi32, #tpu.memory_space<vmem>> -> memref<1x128xi32, #tpu.memory_space<vmem>>
      %dma_start3A_977 = tpu.memref_squeeze %dma_start3A_976 : memref<1x128xi32, #tpu.memory_space<vmem>> -> memref<128xi32, #tpu.memory_space<vmem>>
      %dma_start3A_978 = arith.constant 0 : i32
      %dma_start3A_979 = arith.constant 0 : i32
      %dma_start3A_980 = tpu.memref_slice %arg2[%dma_start3A_978, %dma_start3A_979] : memref<1000000x64xf32, #tpu.memory_space<hbm>> -> memref<1000000x64xf32, #tpu.memory_space<hbm>>
      tpu.enqueue_indirect_dma source(%dma_start3A_980 : memref<1000000x64xf32, #tpu.memory_space<hbm>>) target(%dma_start3A_974 : memref<128x64xf32, #tpu.memory_space<vmem>>) offsets(%dma_start3A_977 : memref<128xi32, #tpu.memory_space<vmem>>) semaphore(%arg15 : memref<!tpu.dma_semaphore, #tpu.memory_space<semaphore_mem>>) {add = true}
      %dma_start3A_981 = arith.constant 2 : i32
      %dma_start3A_982 = arith.constant 2 : i32
      %dma_start3A_983 = arith.constant 256 : i32
      %dma_start3A_984 = arith.constant 0 : i32
      %dma_start3A_985 = tpu.memref_slice %arg8[%dma_start3A_982, %dma_start3A_983, %dma_start3A_984] : memref<4x400x64xf32, #tpu.memory_space<vmem>> -> memref<1x128x64xf32, #tpu.memory_space<vmem>>
      %dma_start3A_986 = tpu.memref_squeeze %dma_start3A_985 : memref<1x128x64xf32, #tpu.memory_space<vmem>> -> memref<128x64xf32, #tpu.memory_space<vmem>>
      %dma_start3A_987 = arith.constant 256 : i32
      %dma_start3A_988 = tpu.memref_slice %arg6[%dma_start3A_981, %dma_start3A_987] : memref<4x400xi32, #tpu.memory_space<vmem>> -> memref<1x128xi32, #tpu.memory_space<vmem>>
      %dma_start3A_989 = tpu.memref_squeeze %dma_start3A_988 : memref<1x128xi32, #tpu.memory_space<vmem>> -> memref<128xi32, #tpu.memory_space<vmem>>
      %dma_start3A_990 = arith.constant 0 : i32
      %dma_start3A_991 = arith.constant 0 : i32
      %dma_start3A_992 = tpu.memref_slice %arg2[%dma_start3A_990, %dma_start3A_991] : memref<1000000x64xf32, #tpu.memory_space<hbm>> -> memref<1000000x64xf32, #tpu.memory_space<hbm>>
      tpu.enqueue_indirect_dma source(%dma_start3A_992 : memref<1000000x64xf32, #tpu.memory_space<hbm>>) target(%dma_start3A_986 : memref<128x64xf32, #tpu.memory_space<vmem>>) offsets(%dma_start3A_989 : memref<128xi32, #tpu.memory_space<vmem>>) semaphore(%arg15 : memref<!tpu.dma_semaphore, #tpu.memory_space<semaphore_mem>>) {add = true}
      %dma_start3A_993 = arith.constant 2 : i32
      %dma_start3A_994 = arith.constant 2 : i32
      %dma_start3A_995 = arith.constant 384 : i32
      %dma_start3A_996 = arith.constant 0 : i32
      %dma_start3A_997 = tpu.memref_slice %arg8[%dma_start3A_994, %dma_start3A_995, %dma_start3A_996] : memref<4x400x64xf32, #tpu.memory_space<vmem>> -> memref<1x16x64xf32, #tpu.memory_space<vmem>>
      %dma_start3A_998 = tpu.memref_squeeze %dma_start3A_997 : memref<1x16x64xf32, #tpu.memory_space<vmem>> -> memref<16x64xf32, #tpu.memory_space<vmem>>
      %dma_start3A_999 = arith.constant 384 : i32
      %dma_start3A_1000 = tpu.memref_slice %arg6[%dma_start3A_993, %dma_start3A_999] : memref<4x400xi32, #tpu.memory_space<vmem>> -> memref<1x16xi32, #tpu.memory_space<vmem>>
      %dma_start3A_1001 = tpu.memref_squeeze %dma_start3A_1000 : memref<1x16xi32, #tpu.memory_space<vmem>> -> memref<16xi32, #tpu.memory_space<vmem>>
      %dma_start3A_1002 = arith.constant 0 : i32
      %dma_start3A_1003 = arith.constant 0 : i32
      %dma_start3A_1004 = tpu.memref_slice %arg2[%dma_start3A_1002, %dma_start3A_1003] : memref<1000000x64xf32, #tpu.memory_space<hbm>> -> memref<1000000x64xf32, #tpu.memory_space<hbm>>
      tpu.enqueue_indirect_dma source(%dma_start3A_1004 : memref<1000000x64xf32, #tpu.memory_space<hbm>>) target(%dma_start3A_998 : memref<16x64xf32, #tpu.memory_space<vmem>>) offsets(%dma_start3A_1001 : memref<16xi32, #tpu.memory_space<vmem>>) semaphore(%arg15 : memref<!tpu.dma_semaphore, #tpu.memory_space<semaphore_mem>>) {add = true}
      %mul3A_1005 = arith.constant 4 : i32
      %mul3A_1006 = arith.muli %scan3A_656, %mul3A_1005 : i32
      %add3A_1007 = arith.constant 3 : i32
      %add3A_1008 = arith.addi %mul3A_1006, %add3A_1007 : i32
      %mul3A_1009 = arith.constant 400 : i32
      %mul3A_1010 = arith.muli %add3A_1008, %mul3A_1009 : i32
      %add3A_1011 = arith.addi %mul3A_2, %mul3A_1010 : i32
      %dma_wait3A_1012 = arith.constant 3 : i32
      %dma_wait3A_1013 = arith.constant 0 : i32
      %dma_wait3A_1014 = tpu.memref_slice %arg6[%dma_wait3A_1012, %dma_wait3A_1013] : memref<4x400xi32, #tpu.memory_space<vmem>> -> memref<1x400xi32, #tpu.memory_space<vmem>>
      %dma_wait3A_1015 = tpu.memref_squeeze %dma_wait3A_1014 : memref<1x400xi32, #tpu.memory_space<vmem>> -> memref<400xi32, #tpu.memory_space<vmem>>
      %dma_wait3A_1016 = tpu.memref_slice %arg3[%add3A_1011] : memref<819200xi32, #tpu.memory_space<hbm>> -> memref<400xi32, #tpu.memory_space<hbm>>
      %dma_wait3A_1017 = arith.constant 0 : i32
      %dma_wait3A_1018 = tpu.memref_slice %arg6[%dma_wait3A_1012, %dma_wait3A_1017] : memref<4x400xi32, #tpu.memory_space<vmem>> -> memref<1x400xi32, #tpu.memory_space<vmem>>
      %dma_wait3A_1019 = tpu.memref_squeeze %dma_wait3A_1018 : memref<1x400xi32, #tpu.memory_space<vmem>> -> memref<400xi32, #tpu.memory_space<vmem>>
      %dma_wait3A_1020 = tpu.memref_slice %arg3[%add3A_1011] : memref<819200xi32, #tpu.memory_space<hbm>> -> memref<400xi32, #tpu.memory_space<hbm>>
      tpu.wait_dma2 semaphore(%arg12 : memref<!tpu.dma_semaphore, #tpu.memory_space<semaphore_mem>>) src(%dma_wait3A_1020 : memref<400xi32, #tpu.memory_space<hbm>>) dst(%dma_wait3A_1019 : memref<400xi32, #tpu.memory_space<vmem>>)
      %dma_start3A_1021 = arith.constant 3 : i32
      %dma_start3A_1022 = arith.constant 3 : i32
      %dma_start3A_1023 = arith.constant 0 : i32
      %dma_start3A_1024 = arith.constant 0 : i32
      %dma_start3A_1025 = tpu.memref_slice %arg8[%dma_start3A_1022, %dma_start3A_1023, %dma_start3A_1024] : memref<4x400x64xf32, #tpu.memory_space<vmem>> -> memref<1x128x64xf32, #tpu.memory_space<vmem>>
      %dma_start3A_1026 = tpu.memref_squeeze %dma_start3A_1025 : memref<1x128x64xf32, #tpu.memory_space<vmem>> -> memref<128x64xf32, #tpu.memory_space<vmem>>
      %dma_start3A_1027 = arith.constant 0 : i32
      %dma_start3A_1028 = tpu.memref_slice %arg6[%dma_start3A_1021, %dma_start3A_1027] : memref<4x400xi32, #tpu.memory_space<vmem>> -> memref<1x128xi32, #tpu.memory_space<vmem>>
      %dma_start3A_1029 = tpu.memref_squeeze %dma_start3A_1028 : memref<1x128xi32, #tpu.memory_space<vmem>> -> memref<128xi32, #tpu.memory_space<vmem>>
      %dma_start3A_1030 = arith.constant 0 : i32
      %dma_start3A_1031 = arith.constant 0 : i32
      %dma_start3A_1032 = tpu.memref_slice %arg2[%dma_start3A_1030, %dma_start3A_1031] : memref<1000000x64xf32, #tpu.memory_space<hbm>> -> memref<1000000x64xf32, #tpu.memory_space<hbm>>
      tpu.enqueue_indirect_dma source(%dma_start3A_1032 : memref<1000000x64xf32, #tpu.memory_space<hbm>>) target(%dma_start3A_1026 : memref<128x64xf32, #tpu.memory_space<vmem>>) offsets(%dma_start3A_1029 : memref<128xi32, #tpu.memory_space<vmem>>) semaphore(%arg16 : memref<!tpu.dma_semaphore, #tpu.memory_space<semaphore_mem>>) {add = true}
      %dma_start3A_1033 = arith.constant 3 : i32
      %dma_start3A_1034 = arith.constant 3 : i32
      %dma_start3A_1035 = arith.constant 128 : i32
      %dma_start3A_1036 = arith.constant 0 : i32
      %dma_start3A_1037 = tpu.memref_slice %arg8[%dma_start3A_1034, %dma_start3A_1035, %dma_start3A_1036] : memref<4x400x64xf32, #tpu.memory_space<vmem>> -> memref<1x128x64xf32, #tpu.memory_space<vmem>>
      %dma_start3A_1038 = tpu.memref_squeeze %dma_start3A_1037 : memref<1x128x64xf32, #tpu.memory_space<vmem>> -> memref<128x64xf32, #tpu.memory_space<vmem>>
      %dma_start3A_1039 = arith.constant 128 : i32
      %dma_start3A_1040 = tpu.memref_slice %arg6[%dma_start3A_1033, %dma_start3A_1039] : memref<4x400xi32, #tpu.memory_space<vmem>> -> memref<1x128xi32, #tpu.memory_space<vmem>>
      %dma_start3A_1041 = tpu.memref_squeeze %dma_start3A_1040 : memref<1x128xi32, #tpu.memory_space<vmem>> -> memref<128xi32, #tpu.memory_space<vmem>>
      %dma_start3A_1042 = arith.constant 0 : i32
      %dma_start3A_1043 = arith.constant 0 : i32
      %dma_start3A_1044 = tpu.memref_slice %arg2[%dma_start3A_1042, %dma_start3A_1043] : memref<1000000x64xf32, #tpu.memory_space<hbm>> -> memref<1000000x64xf32, #tpu.memory_space<hbm>>
      tpu.enqueue_indirect_dma source(%dma_start3A_1044 : memref<1000000x64xf32, #tpu.memory_space<hbm>>) target(%dma_start3A_1038 : memref<128x64xf32, #tpu.memory_space<vmem>>) offsets(%dma_start3A_1041 : memref<128xi32, #tpu.memory_space<vmem>>) semaphore(%arg16 : memref<!tpu.dma_semaphore, #tpu.memory_space<semaphore_mem>>) {add = true}
      %dma_start3A_1045 = arith.constant 3 : i32
      %dma_start3A_1046 = arith.constant 3 : i32
      %dma_start3A_1047 = arith.constant 256 : i32
      %dma_start3A_1048 = arith.constant 0 : i32
      %dma_start3A_1049 = tpu.memref_slice %arg8[%dma_start3A_1046, %dma_start3A_1047, %dma_start3A_1048] : memref<4x400x64xf32, #tpu.memory_space<vmem>> -> memref<1x128x64xf32, #tpu.memory_space<vmem>>
      %dma_start3A_1050 = tpu.memref_squeeze %dma_start3A_1049 : memref<1x128x64xf32, #tpu.memory_space<vmem>> -> memref<128x64xf32, #tpu.memory_space<vmem>>
      %dma_start3A_1051 = arith.constant 256 : i32
      %dma_start3A_1052 = tpu.memref_slice %arg6[%dma_start3A_1045, %dma_start3A_1051] : memref<4x400xi32, #tpu.memory_space<vmem>> -> memref<1x128xi32, #tpu.memory_space<vmem>>
      %dma_start3A_1053 = tpu.memref_squeeze %dma_start3A_1052 : memref<1x128xi32, #tpu.memory_space<vmem>> -> memref<128xi32, #tpu.memory_space<vmem>>
      %dma_start3A_1054 = arith.constant 0 : i32
      %dma_start3A_1055 = arith.constant 0 : i32
      %dma_start3A_1056 = tpu.memref_slice %arg2[%dma_start3A_1054, %dma_start3A_1055] : memref<1000000x64xf32, #tpu.memory_space<hbm>> -> memref<1000000x64xf32, #tpu.memory_space<hbm>>
      tpu.enqueue_indirect_dma source(%dma_start3A_1056 : memref<1000000x64xf32, #tpu.memory_space<hbm>>) target(%dma_start3A_1050 : memref<128x64xf32, #tpu.memory_space<vmem>>) offsets(%dma_start3A_1053 : memref<128xi32, #tpu.memory_space<vmem>>) semaphore(%arg16 : memref<!tpu.dma_semaphore, #tpu.memory_space<semaphore_mem>>) {add = true}
      %dma_start3A_1057 = arith.constant 3 : i32
      %dma_start3A_1058 = arith.constant 3 : i32
      %dma_start3A_1059 = arith.constant 384 : i32
      %dma_start3A_1060 = arith.constant 0 : i32
      %dma_start3A_1061 = tpu.memref_slice %arg8[%dma_start3A_1058, %dma_start3A_1059, %dma_start3A_1060] : memref<4x400x64xf32, #tpu.memory_space<vmem>> -> memref<1x16x64xf32, #tpu.memory_space<vmem>>
      %dma_start3A_1062 = tpu.memref_squeeze %dma_start3A_1061 : memref<1x16x64xf32, #tpu.memory_space<vmem>> -> memref<16x64xf32, #tpu.memory_space<vmem>>
      %dma_start3A_1063 = arith.constant 384 : i32
      %dma_start3A_1064 = tpu.memref_slice %arg6[%dma_start3A_1057, %dma_start3A_1063] : memref<4x400xi32, #tpu.memory_space<vmem>> -> memref<1x16xi32, #tpu.memory_space<vmem>>
      %dma_start3A_1065 = tpu.memref_squeeze %dma_start3A_1064 : memref<1x16xi32, #tpu.memory_space<vmem>> -> memref<16xi32, #tpu.memory_space<vmem>>
      %dma_start3A_1066 = arith.constant 0 : i32
      %dma_start3A_1067 = arith.constant 0 : i32
      %dma_start3A_1068 = tpu.memref_slice %arg2[%dma_start3A_1066, %dma_start3A_1067] : memref<1000000x64xf32, #tpu.memory_space<hbm>> -> memref<1000000x64xf32, #tpu.memory_space<hbm>>
      tpu.enqueue_indirect_dma source(%dma_start3A_1068 : memref<1000000x64xf32, #tpu.memory_space<hbm>>) target(%dma_start3A_1062 : memref<16x64xf32, #tpu.memory_space<vmem>>) offsets(%dma_start3A_1065 : memref<16xi32, #tpu.memory_space<vmem>>) semaphore(%arg16 : memref<!tpu.dma_semaphore, #tpu.memory_space<semaphore_mem>>) {add = true}
      %dma_wait3A_1069 = arith.constant 0 : i32
      %dma_wait3A_1070 = arith.constant 0 : i32
      %dma_wait3A_1071 = arith.constant 0 : i32
      %dma_wait3A_1072 = arith.constant 0 : i32
      %dma_wait3A_1073 = tpu.memref_slice %arg8[%dma_wait3A_1070, %dma_wait3A_1071, %dma_wait3A_1072] : memref<4x400x64xf32, #tpu.memory_space<vmem>> -> memref<1x128x64xf32, #tpu.memory_space<vmem>>
      %dma_wait3A_1074 = tpu.memref_squeeze %dma_wait3A_1073 : memref<1x128x64xf32, #tpu.memory_space<vmem>> -> memref<128x64xf32, #tpu.memory_space<vmem>>
      %dma_wait3A_1075 = arith.constant 0 : i32
      %dma_wait3A_1076 = tpu.memref_slice %arg6[%dma_wait3A_1069, %dma_wait3A_1075] : memref<4x400xi32, #tpu.memory_space<vmem>> -> memref<1x128xi32, #tpu.memory_space<vmem>>
      %dma_wait3A_1077 = tpu.memref_squeeze %dma_wait3A_1076 : memref<1x128xi32, #tpu.memory_space<vmem>> -> memref<128xi32, #tpu.memory_space<vmem>>
      %dma_wait3A_1078 = arith.constant 0 : i32
      %dma_wait3A_1079 = arith.constant 0 : i32
      %dma_wait3A_1080 = tpu.memref_slice %arg2[%dma_wait3A_1078, %dma_wait3A_1079] : memref<1000000x64xf32, #tpu.memory_space<hbm>> -> memref<1000000x64xf32, #tpu.memory_space<hbm>>
      tpu.wait_indirect_dma semaphore(%arg13 : memref<!tpu.dma_semaphore, #tpu.memory_space<semaphore_mem>>) src(%dma_wait3A_1080 : memref<1000000x64xf32, #tpu.memory_space<hbm>>) dst(%dma_wait3A_1074 : memref<128x64xf32, #tpu.memory_space<vmem>>)
      %dma_wait3A_1081 = arith.constant 0 : i32
      %dma_wait3A_1082 = arith.constant 0 : i32
      %dma_wait3A_1083 = arith.constant 128 : i32
      %dma_wait3A_1084 = arith.constant 0 : i32
      %dma_wait3A_1085 = tpu.memref_slice %arg8[%dma_wait3A_1082, %dma_wait3A_1083, %dma_wait3A_1084] : memref<4x400x64xf32, #tpu.memory_space<vmem>> -> memref<1x128x64xf32, #tpu.memory_space<vmem>>
      %dma_wait3A_1086 = tpu.memref_squeeze %dma_wait3A_1085 : memref<1x128x64xf32, #tpu.memory_space<vmem>> -> memref<128x64xf32, #tpu.memory_space<vmem>>
      %dma_wait3A_1087 = arith.constant 128 : i32
      %dma_wait3A_1088 = tpu.memref_slice %arg6[%dma_wait3A_1081, %dma_wait3A_1087] : memref<4x400xi32, #tpu.memory_space<vmem>> -> memref<1x128xi32, #tpu.memory_space<vmem>>
      %dma_wait3A_1089 = tpu.memref_squeeze %dma_wait3A_1088 : memref<1x128xi32, #tpu.memory_space<vmem>> -> memref<128xi32, #tpu.memory_space<vmem>>
      %dma_wait3A_1090 = arith.constant 0 : i32
      %dma_wait3A_1091 = arith.constant 0 : i32
      %dma_wait3A_1092 = tpu.memref_slice %arg2[%dma_wait3A_1090, %dma_wait3A_1091] : memref<1000000x64xf32, #tpu.memory_space<hbm>> -> memref<1000000x64xf32, #tpu.memory_space<hbm>>
      tpu.wait_indirect_dma semaphore(%arg13 : memref<!tpu.dma_semaphore, #tpu.memory_space<semaphore_mem>>) src(%dma_wait3A_1092 : memref<1000000x64xf32, #tpu.memory_space<hbm>>) dst(%dma_wait3A_1086 : memref<128x64xf32, #tpu.memory_space<vmem>>)
      %dma_wait3A_1093 = arith.constant 0 : i32
      %dma_wait3A_1094 = arith.constant 0 : i32
      %dma_wait3A_1095 = arith.constant 256 : i32
      %dma_wait3A_1096 = arith.constant 0 : i32
      %dma_wait3A_1097 = tpu.memref_slice %arg8[%dma_wait3A_1094, %dma_wait3A_1095, %dma_wait3A_1096] : memref<4x400x64xf32, #tpu.memory_space<vmem>> -> memref<1x128x64xf32, #tpu.memory_space<vmem>>
      %dma_wait3A_1098 = tpu.memref_squeeze %dma_wait3A_1097 : memref<1x128x64xf32, #tpu.memory_space<vmem>> -> memref<128x64xf32, #tpu.memory_space<vmem>>
      %dma_wait3A_1099 = arith.constant 256 : i32
      %dma_wait3A_1100 = tpu.memref_slice %arg6[%dma_wait3A_1093, %dma_wait3A_1099] : memref<4x400xi32, #tpu.memory_space<vmem>> -> memref<1x128xi32, #tpu.memory_space<vmem>>
      %dma_wait3A_1101 = tpu.memref_squeeze %dma_wait3A_1100 : memref<1x128xi32, #tpu.memory_space<vmem>> -> memref<128xi32, #tpu.memory_space<vmem>>
      %dma_wait3A_1102 = arith.constant 0 : i32
      %dma_wait3A_1103 = arith.constant 0 : i32
      %dma_wait3A_1104 = tpu.memref_slice %arg2[%dma_wait3A_1102, %dma_wait3A_1103] : memref<1000000x64xf32, #tpu.memory_space<hbm>> -> memref<1000000x64xf32, #tpu.memory_space<hbm>>
      tpu.wait_indirect_dma semaphore(%arg13 : memref<!tpu.dma_semaphore, #tpu.memory_space<semaphore_mem>>) src(%dma_wait3A_1104 : memref<1000000x64xf32, #tpu.memory_space<hbm>>) dst(%dma_wait3A_1098 : memref<128x64xf32, #tpu.memory_space<vmem>>)
      %dma_wait3A_1105 = arith.constant 0 : i32
      %dma_wait3A_1106 = arith.constant 0 : i32
      %dma_wait3A_1107 = arith.constant 384 : i32
      %dma_wait3A_1108 = arith.constant 0 : i32
      %dma_wait3A_1109 = tpu.memref_slice %arg8[%dma_wait3A_1106, %dma_wait3A_1107, %dma_wait3A_1108] : memref<4x400x64xf32, #tpu.memory_space<vmem>> -> memref<1x16x64xf32, #tpu.memory_space<vmem>>
      %dma_wait3A_1110 = tpu.memref_squeeze %dma_wait3A_1109 : memref<1x16x64xf32, #tpu.memory_space<vmem>> -> memref<16x64xf32, #tpu.memory_space<vmem>>
      %dma_wait3A_1111 = arith.constant 384 : i32
      %dma_wait3A_1112 = tpu.memref_slice %arg6[%dma_wait3A_1105, %dma_wait3A_1111] : memref<4x400xi32, #tpu.memory_space<vmem>> -> memref<1x16xi32, #tpu.memory_space<vmem>>
      %dma_wait3A_1113 = tpu.memref_squeeze %dma_wait3A_1112 : memref<1x16xi32, #tpu.memory_space<vmem>> -> memref<16xi32, #tpu.memory_space<vmem>>
      %dma_wait3A_1114 = arith.constant 0 : i32
      %dma_wait3A_1115 = arith.constant 0 : i32
      %dma_wait3A_1116 = tpu.memref_slice %arg2[%dma_wait3A_1114, %dma_wait3A_1115] : memref<1000000x64xf32, #tpu.memory_space<hbm>> -> memref<1000000x64xf32, #tpu.memory_space<hbm>>
      tpu.wait_indirect_dma semaphore(%arg13 : memref<!tpu.dma_semaphore, #tpu.memory_space<semaphore_mem>>) src(%dma_wait3A_1116 : memref<1000000x64xf32, #tpu.memory_space<hbm>>) dst(%dma_wait3A_1110 : memref<16x64xf32, #tpu.memory_space<vmem>>)
      %mul3A_1117 = arith.constant 4 : i32
      %mul3A_1118 = arith.muli %scan3A_656, %mul3A_1117 : i32
      %add3A_1119 = arith.addi %mul3A_4, %mul3A_1118 : i32
      %add3A_1120 = arith.constant 0 : i32
      %add3A_1121 = arith.addi %add3A_1119, %add3A_1120 : i32
      %dma_start3A_1122 = arith.constant 0 : i32
      %dma_start3A_1123 = arith.constant 0 : i32
      %dma_start3A_1124 = arith.constant 0 : i32
      %dma_start3A_1125 = tpu.memref_slice %arg8[%dma_start3A_1122, %dma_start3A_1123, %dma_start3A_1124] : memref<4x400x64xf32, #tpu.memory_space<vmem>> -> memref<1x400x64xf32, #tpu.memory_space<vmem>>
      %dma_start3A_1126 = tpu.memref_squeeze %dma_start3A_1125 : memref<1x400x64xf32, #tpu.memory_space<vmem>> -> memref<400x64xf32, #tpu.memory_space<vmem>>
      %dma_start3A_1127 = arith.constant 0 : i32
      %dma_start3A_1128 = arith.constant 0 : i32
      %dma_start3A_1129 = tpu.memref_slice %arg5[%add3A_1121, %dma_start3A_1127, %dma_start3A_1128] : memref<2048x400x64xf32, #tpu.memory_space<hbm>> -> memref<1x400x64xf32, #tpu.memory_space<hbm>>
      %dma_start3A_1130 = tpu.memref_squeeze %dma_start3A_1129 : memref<1x400x64xf32, #tpu.memory_space<hbm>> -> memref<400x64xf32, #tpu.memory_space<hbm>>
      %dma_start3A_1131 = arith.constant 0 : i32
      %dma_start3A_1132 = arith.constant 0 : i32
      %dma_start3A_1133 = tpu.memref_slice %arg5[%add3A_1121, %dma_start3A_1131, %dma_start3A_1132] : memref<2048x400x64xf32, #tpu.memory_space<hbm>> -> memref<1x400x64xf32, #tpu.memory_space<hbm>>
      %dma_start3A_1134 = tpu.memref_squeeze %dma_start3A_1133 : memref<1x400x64xf32, #tpu.memory_space<hbm>> -> memref<400x64xf32, #tpu.memory_space<hbm>>
      %dma_start3A_1135 = arith.constant 0 : i32
      %dma_start3A_1136 = arith.constant 0 : i32
      %dma_start3A_1137 = tpu.memref_slice %arg8[%dma_start3A_1122, %dma_start3A_1135, %dma_start3A_1136] : memref<4x400x64xf32, #tpu.memory_space<vmem>> -> memref<1x400x64xf32, #tpu.memory_space<vmem>>
      %dma_start3A_1138 = tpu.memref_squeeze %dma_start3A_1137 : memref<1x400x64xf32, #tpu.memory_space<vmem>> -> memref<400x64xf32, #tpu.memory_space<vmem>>
      tpu.enqueue_dma source(%dma_start3A_1138 : memref<400x64xf32, #tpu.memory_space<vmem>>) target(%dma_start3A_1134 : memref<400x64xf32, #tpu.memory_space<hbm>>) target_semaphore(%arg17 : memref<!tpu.dma_semaphore, #tpu.memory_space<semaphore_mem>>)
      %dma_wait3A_1139 = arith.constant 1 : i32
      %dma_wait3A_1140 = arith.constant 1 : i32
      %dma_wait3A_1141 = arith.constant 0 : i32
      %dma_wait3A_1142 = arith.constant 0 : i32
      %dma_wait3A_1143 = tpu.memref_slice %arg8[%dma_wait3A_1140, %dma_wait3A_1141, %dma_wait3A_1142] : memref<4x400x64xf32, #tpu.memory_space<vmem>> -> memref<1x128x64xf32, #tpu.memory_space<vmem>>
      %dma_wait3A_1144 = tpu.memref_squeeze %dma_wait3A_1143 : memref<1x128x64xf32, #tpu.memory_space<vmem>> -> memref<128x64xf32, #tpu.memory_space<vmem>>
      %dma_wait3A_1145 = arith.constant 0 : i32
      %dma_wait3A_1146 = tpu.memref_slice %arg6[%dma_wait3A_1139, %dma_wait3A_1145] : memref<4x400xi32, #tpu.memory_space<vmem>> -> memref<1x128xi32, #tpu.memory_space<vmem>>
      %dma_wait3A_1147 = tpu.memref_squeeze %dma_wait3A_1146 : memref<1x128xi32, #tpu.memory_space<vmem>> -> memref<128xi32, #tpu.memory_space<vmem>>
      %dma_wait3A_1148 = arith.constant 0 : i32
      %dma_wait3A_1149 = arith.constant 0 : i32
      %dma_wait3A_1150 = tpu.memref_slice %arg2[%dma_wait3A_1148, %dma_wait3A_1149] : memref<1000000x64xf32, #tpu.memory_space<hbm>> -> memref<1000000x64xf32, #tpu.memory_space<hbm>>
      tpu.wait_indirect_dma semaphore(%arg14 : memref<!tpu.dma_semaphore, #tpu.memory_space<semaphore_mem>>) src(%dma_wait3A_1150 : memref<1000000x64xf32, #tpu.memory_space<hbm>>) dst(%dma_wait3A_1144 : memref<128x64xf32, #tpu.memory_space<vmem>>)
      %dma_wait3A_1151 = arith.constant 1 : i32
      %dma_wait3A_1152 = arith.constant 1 : i32
      %dma_wait3A_1153 = arith.constant 128 : i32
      %dma_wait3A_1154 = arith.constant 0 : i32
      %dma_wait3A_1155 = tpu.memref_slice %arg8[%dma_wait3A_1152, %dma_wait3A_1153, %dma_wait3A_1154] : memref<4x400x64xf32, #tpu.memory_space<vmem>> -> memref<1x128x64xf32, #tpu.memory_space<vmem>>
      %dma_wait3A_1156 = tpu.memref_squeeze %dma_wait3A_1155 : memref<1x128x64xf32, #tpu.memory_space<vmem>> -> memref<128x64xf32, #tpu.memory_space<vmem>>
      %dma_wait3A_1157 = arith.constant 128 : i32
      %dma_wait3A_1158 = tpu.memref_slice %arg6[%dma_wait3A_1151, %dma_wait3A_1157] : memref<4x400xi32, #tpu.memory_space<vmem>> -> memref<1x128xi32, #tpu.memory_space<vmem>>
      %dma_wait3A_1159 = tpu.memref_squeeze %dma_wait3A_1158 : memref<1x128xi32, #tpu.memory_space<vmem>> -> memref<128xi32, #tpu.memory_space<vmem>>
      %dma_wait3A_1160 = arith.constant 0 : i32
      %dma_wait3A_1161 = arith.constant 0 : i32
      %dma_wait3A_1162 = tpu.memref_slice %arg2[%dma_wait3A_1160, %dma_wait3A_1161] : memref<1000000x64xf32, #tpu.memory_space<hbm>> -> memref<1000000x64xf32, #tpu.memory_space<hbm>>
      tpu.wait_indirect_dma semaphore(%arg14 : memref<!tpu.dma_semaphore, #tpu.memory_space<semaphore_mem>>) src(%dma_wait3A_1162 : memref<1000000x64xf32, #tpu.memory_space<hbm>>) dst(%dma_wait3A_1156 : memref<128x64xf32, #tpu.memory_space<vmem>>)
      %dma_wait3A_1163 = arith.constant 1 : i32
      %dma_wait3A_1164 = arith.constant 1 : i32
      %dma_wait3A_1165 = arith.constant 256 : i32
      %dma_wait3A_1166 = arith.constant 0 : i32
      %dma_wait3A_1167 = tpu.memref_slice %arg8[%dma_wait3A_1164, %dma_wait3A_1165, %dma_wait3A_1166] : memref<4x400x64xf32, #tpu.memory_space<vmem>> -> memref<1x128x64xf32, #tpu.memory_space<vmem>>
      %dma_wait3A_1168 = tpu.memref_squeeze %dma_wait3A_1167 : memref<1x128x64xf32, #tpu.memory_space<vmem>> -> memref<128x64xf32, #tpu.memory_space<vmem>>
      %dma_wait3A_1169 = arith.constant 256 : i32
      %dma_wait3A_1170 = tpu.memref_slice %arg6[%dma_wait3A_1163, %dma_wait3A_1169] : memref<4x400xi32, #tpu.memory_space<vmem>> -> memref<1x128xi32, #tpu.memory_space<vmem>>
      %dma_wait3A_1171 = tpu.memref_squeeze %dma_wait3A_1170 : memref<1x128xi32, #tpu.memory_space<vmem>> -> memref<128xi32, #tpu.memory_space<vmem>>
      %dma_wait3A_1172 = arith.constant 0 : i32
      %dma_wait3A_1173 = arith.constant 0 : i32
      %dma_wait3A_1174 = tpu.memref_slice %arg2[%dma_wait3A_1172, %dma_wait3A_1173] : memref<1000000x64xf32, #tpu.memory_space<hbm>> -> memref<1000000x64xf32, #tpu.memory_space<hbm>>
      tpu.wait_indirect_dma semaphore(%arg14 : memref<!tpu.dma_semaphore, #tpu.memory_space<semaphore_mem>>) src(%dma_wait3A_1174 : memref<1000000x64xf32, #tpu.memory_space<hbm>>) dst(%dma_wait3A_1168 : memref<128x64xf32, #tpu.memory_space<vmem>>)
      %dma_wait3A_1175 = arith.constant 1 : i32
      %dma_wait3A_1176 = arith.constant 1 : i32
      %dma_wait3A_1177 = arith.constant 384 : i32
      %dma_wait3A_1178 = arith.constant 0 : i32
      %dma_wait3A_1179 = tpu.memref_slice %arg8[%dma_wait3A_1176, %dma_wait3A_1177, %dma_wait3A_1178] : memref<4x400x64xf32, #tpu.memory_space<vmem>> -> memref<1x16x64xf32, #tpu.memory_space<vmem>>
      %dma_wait3A_1180 = tpu.memref_squeeze %dma_wait3A_1179 : memref<1x16x64xf32, #tpu.memory_space<vmem>> -> memref<16x64xf32, #tpu.memory_space<vmem>>
      %dma_wait3A_1181 = arith.constant 384 : i32
      %dma_wait3A_1182 = tpu.memref_slice %arg6[%dma_wait3A_1175, %dma_wait3A_1181] : memref<4x400xi32, #tpu.memory_space<vmem>> -> memref<1x16xi32, #tpu.memory_space<vmem>>
      %dma_wait3A_1183 = tpu.memref_squeeze %dma_wait3A_1182 : memref<1x16xi32, #tpu.memory_space<vmem>> -> memref<16xi32, #tpu.memory_space<vmem>>
      %dma_wait3A_1184 = arith.constant 0 : i32
      %dma_wait3A_1185 = arith.constant 0 : i32
      %dma_wait3A_1186 = tpu.memref_slice %arg2[%dma_wait3A_1184, %dma_wait3A_1185] : memref<1000000x64xf32, #tpu.memory_space<hbm>> -> memref<1000000x64xf32, #tpu.memory_space<hbm>>
      tpu.wait_indirect_dma semaphore(%arg14 : memref<!tpu.dma_semaphore, #tpu.memory_space<semaphore_mem>>) src(%dma_wait3A_1186 : memref<1000000x64xf32, #tpu.memory_space<hbm>>) dst(%dma_wait3A_1180 : memref<16x64xf32, #tpu.memory_space<vmem>>)
      %mul3A_1187 = arith.constant 4 : i32
      %mul3A_1188 = arith.muli %scan3A_656, %mul3A_1187 : i32
      %add3A_1189 = arith.addi %mul3A_4, %mul3A_1188 : i32
      %add3A_1190 = arith.constant 1 : i32
      %add3A_1191 = arith.addi %add3A_1189, %add3A_1190 : i32
      %dma_start3A_1192 = arith.constant 1 : i32
      %dma_start3A_1193 = arith.constant 0 : i32
      %dma_start3A_1194 = arith.constant 0 : i32
      %dma_start3A_1195 = tpu.memref_slice %arg8[%dma_start3A_1192, %dma_start3A_1193, %dma_start3A_1194] : memref<4x400x64xf32, #tpu.memory_space<vmem>> -> memref<1x400x64xf32, #tpu.memory_space<vmem>>
      %dma_start3A_1196 = tpu.memref_squeeze %dma_start3A_1195 : memref<1x400x64xf32, #tpu.memory_space<vmem>> -> memref<400x64xf32, #tpu.memory_space<vmem>>
      %dma_start3A_1197 = arith.constant 0 : i32
      %dma_start3A_1198 = arith.constant 0 : i32
      %dma_start3A_1199 = tpu.memref_slice %arg5[%add3A_1191, %dma_start3A_1197, %dma_start3A_1198] : memref<2048x400x64xf32, #tpu.memory_space<hbm>> -> memref<1x400x64xf32, #tpu.memory_space<hbm>>
      %dma_start3A_1200 = tpu.memref_squeeze %dma_start3A_1199 : memref<1x400x64xf32, #tpu.memory_space<hbm>> -> memref<400x64xf32, #tpu.memory_space<hbm>>
      %dma_start3A_1201 = arith.constant 0 : i32
      %dma_start3A_1202 = arith.constant 0 : i32
      %dma_start3A_1203 = tpu.memref_slice %arg5[%add3A_1191, %dma_start3A_1201, %dma_start3A_1202] : memref<2048x400x64xf32, #tpu.memory_space<hbm>> -> memref<1x400x64xf32, #tpu.memory_space<hbm>>
      %dma_start3A_1204 = tpu.memref_squeeze %dma_start3A_1203 : memref<1x400x64xf32, #tpu.memory_space<hbm>> -> memref<400x64xf32, #tpu.memory_space<hbm>>
      %dma_start3A_1205 = arith.constant 0 : i32
      %dma_start3A_1206 = arith.constant 0 : i32
      %dma_start3A_1207 = tpu.memref_slice %arg8[%dma_start3A_1192, %dma_start3A_1205, %dma_start3A_1206] : memref<4x400x64xf32, #tpu.memory_space<vmem>> -> memref<1x400x64xf32, #tpu.memory_space<vmem>>
      %dma_start3A_1208 = tpu.memref_squeeze %dma_start3A_1207 : memref<1x400x64xf32, #tpu.memory_space<vmem>> -> memref<400x64xf32, #tpu.memory_space<vmem>>
      tpu.enqueue_dma source(%dma_start3A_1208 : memref<400x64xf32, #tpu.memory_space<vmem>>) target(%dma_start3A_1204 : memref<400x64xf32, #tpu.memory_space<hbm>>) target_semaphore(%arg18 : memref<!tpu.dma_semaphore, #tpu.memory_space<semaphore_mem>>)
      %dma_wait3A_1209 = arith.constant 2 : i32
      %dma_wait3A_1210 = arith.constant 2 : i32
      %dma_wait3A_1211 = arith.constant 0 : i32
      %dma_wait3A_1212 = arith.constant 0 : i32
      %dma_wait3A_1213 = tpu.memref_slice %arg8[%dma_wait3A_1210, %dma_wait3A_1211, %dma_wait3A_1212] : memref<4x400x64xf32, #tpu.memory_space<vmem>> -> memref<1x128x64xf32, #tpu.memory_space<vmem>>
      %dma_wait3A_1214 = tpu.memref_squeeze %dma_wait3A_1213 : memref<1x128x64xf32, #tpu.memory_space<vmem>> -> memref<128x64xf32, #tpu.memory_space<vmem>>
      %dma_wait3A_1215 = arith.constant 0 : i32
      %dma_wait3A_1216 = tpu.memref_slice %arg6[%dma_wait3A_1209, %dma_wait3A_1215] : memref<4x400xi32, #tpu.memory_space<vmem>> -> memref<1x128xi32, #tpu.memory_space<vmem>>
      %dma_wait3A_1217 = tpu.memref_squeeze %dma_wait3A_1216 : memref<1x128xi32, #tpu.memory_space<vmem>> -> memref<128xi32, #tpu.memory_space<vmem>>
      %dma_wait3A_1218 = arith.constant 0 : i32
      %dma_wait3A_1219 = arith.constant 0 : i32
      %dma_wait3A_1220 = tpu.memref_slice %arg2[%dma_wait3A_1218, %dma_wait3A_1219] : memref<1000000x64xf32, #tpu.memory_space<hbm>> -> memref<1000000x64xf32, #tpu.memory_space<hbm>>
      tpu.wait_indirect_dma semaphore(%arg15 : memref<!tpu.dma_semaphore, #tpu.memory_space<semaphore_mem>>) src(%dma_wait3A_1220 : memref<1000000x64xf32, #tpu.memory_space<hbm>>) dst(%dma_wait3A_1214 : memref<128x64xf32, #tpu.memory_space<vmem>>)
      %dma_wait3A_1221 = arith.constant 2 : i32
      %dma_wait3A_1222 = arith.constant 2 : i32
      %dma_wait3A_1223 = arith.constant 128 : i32
      %dma_wait3A_1224 = arith.constant 0 : i32
      %dma_wait3A_1225 = tpu.memref_slice %arg8[%dma_wait3A_1222, %dma_wait3A_1223, %dma_wait3A_1224] : memref<4x400x64xf32, #tpu.memory_space<vmem>> -> memref<1x128x64xf32, #tpu.memory_space<vmem>>
      %dma_wait3A_1226 = tpu.memref_squeeze %dma_wait3A_1225 : memref<1x128x64xf32, #tpu.memory_space<vmem>> -> memref<128x64xf32, #tpu.memory_space<vmem>>
      %dma_wait3A_1227 = arith.constant 128 : i32
      %dma_wait3A_1228 = tpu.memref_slice %arg6[%dma_wait3A_1221, %dma_wait3A_1227] : memref<4x400xi32, #tpu.memory_space<vmem>> -> memref<1x128xi32, #tpu.memory_space<vmem>>
      %dma_wait3A_1229 = tpu.memref_squeeze %dma_wait3A_1228 : memref<1x128xi32, #tpu.memory_space<vmem>> -> memref<128xi32, #tpu.memory_space<vmem>>
      %dma_wait3A_1230 = arith.constant 0 : i32
      %dma_wait3A_1231 = arith.constant 0 : i32
      %dma_wait3A_1232 = tpu.memref_slice %arg2[%dma_wait3A_1230, %dma_wait3A_1231] : memref<1000000x64xf32, #tpu.memory_space<hbm>> -> memref<1000000x64xf32, #tpu.memory_space<hbm>>
      tpu.wait_indirect_dma semaphore(%arg15 : memref<!tpu.dma_semaphore, #tpu.memory_space<semaphore_mem>>) src(%dma_wait3A_1232 : memref<1000000x64xf32, #tpu.memory_space<hbm>>) dst(%dma_wait3A_1226 : memref<128x64xf32, #tpu.memory_space<vmem>>)
      %dma_wait3A_1233 = arith.constant 2 : i32
      %dma_wait3A_1234 = arith.constant 2 : i32
      %dma_wait3A_1235 = arith.constant 256 : i32
      %dma_wait3A_1236 = arith.constant 0 : i32
      %dma_wait3A_1237 = tpu.memref_slice %arg8[%dma_wait3A_1234, %dma_wait3A_1235, %dma_wait3A_1236] : memref<4x400x64xf32, #tpu.memory_space<vmem>> -> memref<1x128x64xf32, #tpu.memory_space<vmem>>
      %dma_wait3A_1238 = tpu.memref_squeeze %dma_wait3A_1237 : memref<1x128x64xf32, #tpu.memory_space<vmem>> -> memref<128x64xf32, #tpu.memory_space<vmem>>
      %dma_wait3A_1239 = arith.constant 256 : i32
      %dma_wait3A_1240 = tpu.memref_slice %arg6[%dma_wait3A_1233, %dma_wait3A_1239] : memref<4x400xi32, #tpu.memory_space<vmem>> -> memref<1x128xi32, #tpu.memory_space<vmem>>
      %dma_wait3A_1241 = tpu.memref_squeeze %dma_wait3A_1240 : memref<1x128xi32, #tpu.memory_space<vmem>> -> memref<128xi32, #tpu.memory_space<vmem>>
      %dma_wait3A_1242 = arith.constant 0 : i32
      %dma_wait3A_1243 = arith.constant 0 : i32
      %dma_wait3A_1244 = tpu.memref_slice %arg2[%dma_wait3A_1242, %dma_wait3A_1243] : memref<1000000x64xf32, #tpu.memory_space<hbm>> -> memref<1000000x64xf32, #tpu.memory_space<hbm>>
      tpu.wait_indirect_dma semaphore(%arg15 : memref<!tpu.dma_semaphore, #tpu.memory_space<semaphore_mem>>) src(%dma_wait3A_1244 : memref<1000000x64xf32, #tpu.memory_space<hbm>>) dst(%dma_wait3A_1238 : memref<128x64xf32, #tpu.memory_space<vmem>>)
      %dma_wait3A_1245 = arith.constant 2 : i32
      %dma_wait3A_1246 = arith.constant 2 : i32
      %dma_wait3A_1247 = arith.constant 384 : i32
      %dma_wait3A_1248 = arith.constant 0 : i32
      %dma_wait3A_1249 = tpu.memref_slice %arg8[%dma_wait3A_1246, %dma_wait3A_1247, %dma_wait3A_1248] : memref<4x400x64xf32, #tpu.memory_space<vmem>> -> memref<1x16x64xf32, #tpu.memory_space<vmem>>
      %dma_wait3A_1250 = tpu.memref_squeeze %dma_wait3A_1249 : memref<1x16x64xf32, #tpu.memory_space<vmem>> -> memref<16x64xf32, #tpu.memory_space<vmem>>
      %dma_wait3A_1251 = arith.constant 384 : i32
      %dma_wait3A_1252 = tpu.memref_slice %arg6[%dma_wait3A_1245, %dma_wait3A_1251] : memref<4x400xi32, #tpu.memory_space<vmem>> -> memref<1x16xi32, #tpu.memory_space<vmem>>
      %dma_wait3A_1253 = tpu.memref_squeeze %dma_wait3A_1252 : memref<1x16xi32, #tpu.memory_space<vmem>> -> memref<16xi32, #tpu.memory_space<vmem>>
      %dma_wait3A_1254 = arith.constant 0 : i32
      %dma_wait3A_1255 = arith.constant 0 : i32
      %dma_wait3A_1256 = tpu.memref_slice %arg2[%dma_wait3A_1254, %dma_wait3A_1255] : memref<1000000x64xf32, #tpu.memory_space<hbm>> -> memref<1000000x64xf32, #tpu.memory_space<hbm>>
      tpu.wait_indirect_dma semaphore(%arg15 : memref<!tpu.dma_semaphore, #tpu.memory_space<semaphore_mem>>) src(%dma_wait3A_1256 : memref<1000000x64xf32, #tpu.memory_space<hbm>>) dst(%dma_wait3A_1250 : memref<16x64xf32, #tpu.memory_space<vmem>>)
      %mul3A_1257 = arith.constant 4 : i32
      %mul3A_1258 = arith.muli %scan3A_656, %mul3A_1257 : i32
      %add3A_1259 = arith.addi %mul3A_4, %mul3A_1258 : i32
      %add3A_1260 = arith.constant 2 : i32
      %add3A_1261 = arith.addi %add3A_1259, %add3A_1260 : i32
      %dma_start3A_1262 = arith.constant 2 : i32
      %dma_start3A_1263 = arith.constant 0 : i32
      %dma_start3A_1264 = arith.constant 0 : i32
      %dma_start3A_1265 = tpu.memref_slice %arg8[%dma_start3A_1262, %dma_start3A_1263, %dma_start3A_1264] : memref<4x400x64xf32, #tpu.memory_space<vmem>> -> memref<1x400x64xf32, #tpu.memory_space<vmem>>
      %dma_start3A_1266 = tpu.memref_squeeze %dma_start3A_1265 : memref<1x400x64xf32, #tpu.memory_space<vmem>> -> memref<400x64xf32, #tpu.memory_space<vmem>>
      %dma_start3A_1267 = arith.constant 0 : i32
      %dma_start3A_1268 = arith.constant 0 : i32
      %dma_start3A_1269 = tpu.memref_slice %arg5[%add3A_1261, %dma_start3A_1267, %dma_start3A_1268] : memref<2048x400x64xf32, #tpu.memory_space<hbm>> -> memref<1x400x64xf32, #tpu.memory_space<hbm>>
      %dma_start3A_1270 = tpu.memref_squeeze %dma_start3A_1269 : memref<1x400x64xf32, #tpu.memory_space<hbm>> -> memref<400x64xf32, #tpu.memory_space<hbm>>
      %dma_start3A_1271 = arith.constant 0 : i32
      %dma_start3A_1272 = arith.constant 0 : i32
      %dma_start3A_1273 = tpu.memref_slice %arg5[%add3A_1261, %dma_start3A_1271, %dma_start3A_1272] : memref<2048x400x64xf32, #tpu.memory_space<hbm>> -> memref<1x400x64xf32, #tpu.memory_space<hbm>>
      %dma_start3A_1274 = tpu.memref_squeeze %dma_start3A_1273 : memref<1x400x64xf32, #tpu.memory_space<hbm>> -> memref<400x64xf32, #tpu.memory_space<hbm>>
      %dma_start3A_1275 = arith.constant 0 : i32
      %dma_start3A_1276 = arith.constant 0 : i32
      %dma_start3A_1277 = tpu.memref_slice %arg8[%dma_start3A_1262, %dma_start3A_1275, %dma_start3A_1276] : memref<4x400x64xf32, #tpu.memory_space<vmem>> -> memref<1x400x64xf32, #tpu.memory_space<vmem>>
      %dma_start3A_1278 = tpu.memref_squeeze %dma_start3A_1277 : memref<1x400x64xf32, #tpu.memory_space<vmem>> -> memref<400x64xf32, #tpu.memory_space<vmem>>
      tpu.enqueue_dma source(%dma_start3A_1278 : memref<400x64xf32, #tpu.memory_space<vmem>>) target(%dma_start3A_1274 : memref<400x64xf32, #tpu.memory_space<hbm>>) target_semaphore(%arg19 : memref<!tpu.dma_semaphore, #tpu.memory_space<semaphore_mem>>)
      %dma_wait3A_1279 = arith.constant 3 : i32
      %dma_wait3A_1280 = arith.constant 3 : i32
      %dma_wait3A_1281 = arith.constant 0 : i32
      %dma_wait3A_1282 = arith.constant 0 : i32
      %dma_wait3A_1283 = tpu.memref_slice %arg8[%dma_wait3A_1280, %dma_wait3A_1281, %dma_wait3A_1282] : memref<4x400x64xf32, #tpu.memory_space<vmem>> -> memref<1x128x64xf32, #tpu.memory_space<vmem>>
      %dma_wait3A_1284 = tpu.memref_squeeze %dma_wait3A_1283 : memref<1x128x64xf32, #tpu.memory_space<vmem>> -> memref<128x64xf32, #tpu.memory_space<vmem>>
      %dma_wait3A_1285 = arith.constant 0 : i32
      %dma_wait3A_1286 = tpu.memref_slice %arg6[%dma_wait3A_1279, %dma_wait3A_1285] : memref<4x400xi32, #tpu.memory_space<vmem>> -> memref<1x128xi32, #tpu.memory_space<vmem>>
      %dma_wait3A_1287 = tpu.memref_squeeze %dma_wait3A_1286 : memref<1x128xi32, #tpu.memory_space<vmem>> -> memref<128xi32, #tpu.memory_space<vmem>>
      %dma_wait3A_1288 = arith.constant 0 : i32
      %dma_wait3A_1289 = arith.constant 0 : i32
      %dma_wait3A_1290 = tpu.memref_slice %arg2[%dma_wait3A_1288, %dma_wait3A_1289] : memref<1000000x64xf32, #tpu.memory_space<hbm>> -> memref<1000000x64xf32, #tpu.memory_space<hbm>>
      tpu.wait_indirect_dma semaphore(%arg16 : memref<!tpu.dma_semaphore, #tpu.memory_space<semaphore_mem>>) src(%dma_wait3A_1290 : memref<1000000x64xf32, #tpu.memory_space<hbm>>) dst(%dma_wait3A_1284 : memref<128x64xf32, #tpu.memory_space<vmem>>)
      %dma_wait3A_1291 = arith.constant 3 : i32
      %dma_wait3A_1292 = arith.constant 3 : i32
      %dma_wait3A_1293 = arith.constant 128 : i32
      %dma_wait3A_1294 = arith.constant 0 : i32
      %dma_wait3A_1295 = tpu.memref_slice %arg8[%dma_wait3A_1292, %dma_wait3A_1293, %dma_wait3A_1294] : memref<4x400x64xf32, #tpu.memory_space<vmem>> -> memref<1x128x64xf32, #tpu.memory_space<vmem>>
      %dma_wait3A_1296 = tpu.memref_squeeze %dma_wait3A_1295 : memref<1x128x64xf32, #tpu.memory_space<vmem>> -> memref<128x64xf32, #tpu.memory_space<vmem>>
      %dma_wait3A_1297 = arith.constant 128 : i32
      %dma_wait3A_1298 = tpu.memref_slice %arg6[%dma_wait3A_1291, %dma_wait3A_1297] : memref<4x400xi32, #tpu.memory_space<vmem>> -> memref<1x128xi32, #tpu.memory_space<vmem>>
      %dma_wait3A_1299 = tpu.memref_squeeze %dma_wait3A_1298 : memref<1x128xi32, #tpu.memory_space<vmem>> -> memref<128xi32, #tpu.memory_space<vmem>>
      %dma_wait3A_1300 = arith.constant 0 : i32
      %dma_wait3A_1301 = arith.constant 0 : i32
      %dma_wait3A_1302 = tpu.memref_slice %arg2[%dma_wait3A_1300, %dma_wait3A_1301] : memref<1000000x64xf32, #tpu.memory_space<hbm>> -> memref<1000000x64xf32, #tpu.memory_space<hbm>>
      tpu.wait_indirect_dma semaphore(%arg16 : memref<!tpu.dma_semaphore, #tpu.memory_space<semaphore_mem>>) src(%dma_wait3A_1302 : memref<1000000x64xf32, #tpu.memory_space<hbm>>) dst(%dma_wait3A_1296 : memref<128x64xf32, #tpu.memory_space<vmem>>)
      %dma_wait3A_1303 = arith.constant 3 : i32
      %dma_wait3A_1304 = arith.constant 3 : i32
      %dma_wait3A_1305 = arith.constant 256 : i32
      %dma_wait3A_1306 = arith.constant 0 : i32
      %dma_wait3A_1307 = tpu.memref_slice %arg8[%dma_wait3A_1304, %dma_wait3A_1305, %dma_wait3A_1306] : memref<4x400x64xf32, #tpu.memory_space<vmem>> -> memref<1x128x64xf32, #tpu.memory_space<vmem>>
      %dma_wait3A_1308 = tpu.memref_squeeze %dma_wait3A_1307 : memref<1x128x64xf32, #tpu.memory_space<vmem>> -> memref<128x64xf32, #tpu.memory_space<vmem>>
      %dma_wait3A_1309 = arith.constant 256 : i32
      %dma_wait3A_1310 = tpu.memref_slice %arg6[%dma_wait3A_1303, %dma_wait3A_1309] : memref<4x400xi32, #tpu.memory_space<vmem>> -> memref<1x128xi32, #tpu.memory_space<vmem>>
      %dma_wait3A_1311 = tpu.memref_squeeze %dma_wait3A_1310 : memref<1x128xi32, #tpu.memory_space<vmem>> -> memref<128xi32, #tpu.memory_space<vmem>>
      %dma_wait3A_1312 = arith.constant 0 : i32
      %dma_wait3A_1313 = arith.constant 0 : i32
      %dma_wait3A_1314 = tpu.memref_slice %arg2[%dma_wait3A_1312, %dma_wait3A_1313] : memref<1000000x64xf32, #tpu.memory_space<hbm>> -> memref<1000000x64xf32, #tpu.memory_space<hbm>>
      tpu.wait_indirect_dma semaphore(%arg16 : memref<!tpu.dma_semaphore, #tpu.memory_space<semaphore_mem>>) src(%dma_wait3A_1314 : memref<1000000x64xf32, #tpu.memory_space<hbm>>) dst(%dma_wait3A_1308 : memref<128x64xf32, #tpu.memory_space<vmem>>)
      %dma_wait3A_1315 = arith.constant 3 : i32
      %dma_wait3A_1316 = arith.constant 3 : i32
      %dma_wait3A_1317 = arith.constant 384 : i32
      %dma_wait3A_1318 = arith.constant 0 : i32
      %dma_wait3A_1319 = tpu.memref_slice %arg8[%dma_wait3A_1316, %dma_wait3A_1317, %dma_wait3A_1318] : memref<4x400x64xf32, #tpu.memory_space<vmem>> -> memref<1x16x64xf32, #tpu.memory_space<vmem>>
      %dma_wait3A_1320 = tpu.memref_squeeze %dma_wait3A_1319 : memref<1x16x64xf32, #tpu.memory_space<vmem>> -> memref<16x64xf32, #tpu.memory_space<vmem>>
      %dma_wait3A_1321 = arith.constant 384 : i32
      %dma_wait3A_1322 = tpu.memref_slice %arg6[%dma_wait3A_1315, %dma_wait3A_1321] : memref<4x400xi32, #tpu.memory_space<vmem>> -> memref<1x16xi32, #tpu.memory_space<vmem>>
      %dma_wait3A_1323 = tpu.memref_squeeze %dma_wait3A_1322 : memref<1x16xi32, #tpu.memory_space<vmem>> -> memref<16xi32, #tpu.memory_space<vmem>>
      %dma_wait3A_1324 = arith.constant 0 : i32
      %dma_wait3A_1325 = arith.constant 0 : i32
      %dma_wait3A_1326 = tpu.memref_slice %arg2[%dma_wait3A_1324, %dma_wait3A_1325] : memref<1000000x64xf32, #tpu.memory_space<hbm>> -> memref<1000000x64xf32, #tpu.memory_space<hbm>>
      tpu.wait_indirect_dma semaphore(%arg16 : memref<!tpu.dma_semaphore, #tpu.memory_space<semaphore_mem>>) src(%dma_wait3A_1326 : memref<1000000x64xf32, #tpu.memory_space<hbm>>) dst(%dma_wait3A_1320 : memref<16x64xf32, #tpu.memory_space<vmem>>)
      %mul3A_1327 = arith.constant 4 : i32
      %mul3A_1328 = arith.muli %scan3A_656, %mul3A_1327 : i32
      %add3A_1329 = arith.addi %mul3A_4, %mul3A_1328 : i32
      %add3A_1330 = arith.constant 3 : i32
      %add3A_1331 = arith.addi %add3A_1329, %add3A_1330 : i32
      %dma_start3A_1332 = arith.constant 3 : i32
      %dma_start3A_1333 = arith.constant 0 : i32
      %dma_start3A_1334 = arith.constant 0 : i32
      %dma_start3A_1335 = tpu.memref_slice %arg8[%dma_start3A_1332, %dma_start3A_1333, %dma_start3A_1334] : memref<4x400x64xf32, #tpu.memory_space<vmem>> -> memref<1x400x64xf32, #tpu.memory_space<vmem>>
      %dma_start3A_1336 = tpu.memref_squeeze %dma_start3A_1335 : memref<1x400x64xf32, #tpu.memory_space<vmem>> -> memref<400x64xf32, #tpu.memory_space<vmem>>
      %dma_start3A_1337 = arith.constant 0 : i32
      %dma_start3A_1338 = arith.constant 0 : i32
      %dma_start3A_1339 = tpu.memref_slice %arg5[%add3A_1331, %dma_start3A_1337, %dma_start3A_1338] : memref<2048x400x64xf32, #tpu.memory_space<hbm>> -> memref<1x400x64xf32, #tpu.memory_space<hbm>>
      %dma_start3A_1340 = tpu.memref_squeeze %dma_start3A_1339 : memref<1x400x64xf32, #tpu.memory_space<hbm>> -> memref<400x64xf32, #tpu.memory_space<hbm>>
      %dma_start3A_1341 = arith.constant 0 : i32
      %dma_start3A_1342 = arith.constant 0 : i32
      %dma_start3A_1343 = tpu.memref_slice %arg5[%add3A_1331, %dma_start3A_1341, %dma_start3A_1342] : memref<2048x400x64xf32, #tpu.memory_space<hbm>> -> memref<1x400x64xf32, #tpu.memory_space<hbm>>
      %dma_start3A_1344 = tpu.memref_squeeze %dma_start3A_1343 : memref<1x400x64xf32, #tpu.memory_space<hbm>> -> memref<400x64xf32, #tpu.memory_space<hbm>>
      %dma_start3A_1345 = arith.constant 0 : i32
      %dma_start3A_1346 = arith.constant 0 : i32
      %dma_start3A_1347 = tpu.memref_slice %arg8[%dma_start3A_1332, %dma_start3A_1345, %dma_start3A_1346] : memref<4x400x64xf32, #tpu.memory_space<vmem>> -> memref<1x400x64xf32, #tpu.memory_space<vmem>>
      %dma_start3A_1348 = tpu.memref_squeeze %dma_start3A_1347 : memref<1x400x64xf32, #tpu.memory_space<vmem>> -> memref<400x64xf32, #tpu.memory_space<vmem>>
      tpu.enqueue_dma source(%dma_start3A_1348 : memref<400x64xf32, #tpu.memory_space<vmem>>) target(%dma_start3A_1344 : memref<400x64xf32, #tpu.memory_space<hbm>>) target_semaphore(%arg20 : memref<!tpu.dma_semaphore, #tpu.memory_space<semaphore_mem>>)
    }
    %scan3A_587 = arith.constant 15 : i32
    %dma_wait3A_588 = arith.constant 0 : i32
    %dma_wait3A_589 = arith.constant 0 : i32
    %dma_wait3A_590 = arith.constant 0 : i32
    %dma_wait3A_591 = tpu.memref_slice %arg8[%dma_wait3A_588, %dma_wait3A_589, %dma_wait3A_590] : memref<4x400x64xf32, #tpu.memory_space<vmem>> -> memref<1x400x64xf32, #tpu.memory_space<vmem>>
    %dma_wait3A_592 = tpu.memref_squeeze %dma_wait3A_591 : memref<1x400x64xf32, #tpu.memory_space<vmem>> -> memref<400x64xf32, #tpu.memory_space<vmem>>
    %dma_wait3A_593 = arith.constant 0 : i32
    %dma_wait3A_594 = arith.constant 0 : i32
    %dma_wait3A_595 = tpu.memref_slice %arg5[%mul3A_4, %dma_wait3A_593, %dma_wait3A_594] : memref<2048x400x64xf32, #tpu.memory_space<hbm>> -> memref<1x400x64xf32, #tpu.memory_space<hbm>>
    %dma_wait3A_596 = tpu.memref_squeeze %dma_wait3A_595 : memref<1x400x64xf32, #tpu.memory_space<hbm>> -> memref<400x64xf32, #tpu.memory_space<hbm>>
    %dma_wait3A_597 = arith.constant 0 : i32
    %dma_wait3A_598 = arith.constant 0 : i32
    %dma_wait3A_599 = tpu.memref_slice %arg5[%mul3A_4, %dma_wait3A_597, %dma_wait3A_598] : memref<2048x400x64xf32, #tpu.memory_space<hbm>> -> memref<1x400x64xf32, #tpu.memory_space<hbm>>
    %dma_wait3A_600 = tpu.memref_squeeze %dma_wait3A_599 : memref<1x400x64xf32, #tpu.memory_space<hbm>> -> memref<400x64xf32, #tpu.memory_space<hbm>>
    %dma_wait3A_601 = arith.constant 0 : i32
    %dma_wait3A_602 = arith.constant 0 : i32
    %dma_wait3A_603 = tpu.memref_slice %arg8[%dma_wait3A_588, %dma_wait3A_601, %dma_wait3A_602] : memref<4x400x64xf32, #tpu.memory_space<vmem>> -> memref<1x400x64xf32, #tpu.memory_space<vmem>>
    %dma_wait3A_604 = tpu.memref_squeeze %dma_wait3A_603 : memref<1x400x64xf32, #tpu.memory_space<vmem>> -> memref<400x64xf32, #tpu.memory_space<vmem>>
    tpu.wait_dma2 semaphore(%arg17 : memref<!tpu.dma_semaphore, #tpu.memory_space<semaphore_mem>>) src(%dma_wait3A_604 : memref<400x64xf32, #tpu.memory_space<vmem>>) dst(%dma_wait3A_600 : memref<400x64xf32, #tpu.memory_space<hbm>>)
    %dma_wait3A_605 = arith.constant 1 : i32
    %dma_wait3A_606 = arith.constant 0 : i32
    %dma_wait3A_607 = arith.constant 0 : i32
    %dma_wait3A_608 = tpu.memref_slice %arg8[%dma_wait3A_605, %dma_wait3A_606, %dma_wait3A_607] : memref<4x400x64xf32, #tpu.memory_space<vmem>> -> memref<1x400x64xf32, #tpu.memory_space<vmem>>
    %dma_wait3A_609 = tpu.memref_squeeze %dma_wait3A_608 : memref<1x400x64xf32, #tpu.memory_space<vmem>> -> memref<400x64xf32, #tpu.memory_space<vmem>>
    %dma_wait3A_610 = arith.constant 0 : i32
    %dma_wait3A_611 = arith.constant 0 : i32
    %dma_wait3A_612 = tpu.memref_slice %arg5[%mul3A_4, %dma_wait3A_610, %dma_wait3A_611] : memref<2048x400x64xf32, #tpu.memory_space<hbm>> -> memref<1x400x64xf32, #tpu.memory_space<hbm>>
    %dma_wait3A_613 = tpu.memref_squeeze %dma_wait3A_612 : memref<1x400x64xf32, #tpu.memory_space<hbm>> -> memref<400x64xf32, #tpu.memory_space<hbm>>
    %dma_wait3A_614 = arith.constant 0 : i32
    %dma_wait3A_615 = arith.constant 0 : i32
    %dma_wait3A_616 = tpu.memref_slice %arg5[%mul3A_4, %dma_wait3A_614, %dma_wait3A_615] : memref<2048x400x64xf32, #tpu.memory_space<hbm>> -> memref<1x400x64xf32, #tpu.memory_space<hbm>>
    %dma_wait3A_617 = tpu.memref_squeeze %dma_wait3A_616 : memref<1x400x64xf32, #tpu.memory_space<hbm>> -> memref<400x64xf32, #tpu.memory_space<hbm>>
    %dma_wait3A_618 = arith.constant 0 : i32
    %dma_wait3A_619 = arith.constant 0 : i32
    %dma_wait3A_620 = tpu.memref_slice %arg8[%dma_wait3A_605, %dma_wait3A_618, %dma_wait3A_619] : memref<4x400x64xf32, #tpu.memory_space<vmem>> -> memref<1x400x64xf32, #tpu.memory_space<vmem>>
    %dma_wait3A_621 = tpu.memref_squeeze %dma_wait3A_620 : memref<1x400x64xf32, #tpu.memory_space<vmem>> -> memref<400x64xf32, #tpu.memory_space<vmem>>
    tpu.wait_dma2 semaphore(%arg18 : memref<!tpu.dma_semaphore, #tpu.memory_space<semaphore_mem>>) src(%dma_wait3A_621 : memref<400x64xf32, #tpu.memory_space<vmem>>) dst(%dma_wait3A_617 : memref<400x64xf32, #tpu.memory_space<hbm>>)
    %dma_wait3A_622 = arith.constant 2 : i32
    %dma_wait3A_623 = arith.constant 0 : i32
    %dma_wait3A_624 = arith.constant 0 : i32
    %dma_wait3A_625 = tpu.memref_slice %arg8[%dma_wait3A_622, %dma_wait3A_623, %dma_wait3A_624] : memref<4x400x64xf32, #tpu.memory_space<vmem>> -> memref<1x400x64xf32, #tpu.memory_space<vmem>>
    %dma_wait3A_626 = tpu.memref_squeeze %dma_wait3A_625 : memref<1x400x64xf32, #tpu.memory_space<vmem>> -> memref<400x64xf32, #tpu.memory_space<vmem>>
    %dma_wait3A_627 = arith.constant 0 : i32
    %dma_wait3A_628 = arith.constant 0 : i32
    %dma_wait3A_629 = tpu.memref_slice %arg5[%mul3A_4, %dma_wait3A_627, %dma_wait3A_628] : memref<2048x400x64xf32, #tpu.memory_space<hbm>> -> memref<1x400x64xf32, #tpu.memory_space<hbm>>
    %dma_wait3A_630 = tpu.memref_squeeze %dma_wait3A_629 : memref<1x400x64xf32, #tpu.memory_space<hbm>> -> memref<400x64xf32, #tpu.memory_space<hbm>>
    %dma_wait3A_631 = arith.constant 0 : i32
    %dma_wait3A_632 = arith.constant 0 : i32
    %dma_wait3A_633 = tpu.memref_slice %arg5[%mul3A_4, %dma_wait3A_631, %dma_wait3A_632] : memref<2048x400x64xf32, #tpu.memory_space<hbm>> -> memref<1x400x64xf32, #tpu.memory_space<hbm>>
    %dma_wait3A_634 = tpu.memref_squeeze %dma_wait3A_633 : memref<1x400x64xf32, #tpu.memory_space<hbm>> -> memref<400x64xf32, #tpu.memory_space<hbm>>
    %dma_wait3A_635 = arith.constant 0 : i32
    %dma_wait3A_636 = arith.constant 0 : i32
    %dma_wait3A_637 = tpu.memref_slice %arg8[%dma_wait3A_622, %dma_wait3A_635, %dma_wait3A_636] : memref<4x400x64xf32, #tpu.memory_space<vmem>> -> memref<1x400x64xf32, #tpu.memory_space<vmem>>
    %dma_wait3A_638 = tpu.memref_squeeze %dma_wait3A_637 : memref<1x400x64xf32, #tpu.memory_space<vmem>> -> memref<400x64xf32, #tpu.memory_space<vmem>>
    tpu.wait_dma2 semaphore(%arg19 : memref<!tpu.dma_semaphore, #tpu.memory_space<semaphore_mem>>) src(%dma_wait3A_638 : memref<400x64xf32, #tpu.memory_space<vmem>>) dst(%dma_wait3A_634 : memref<400x64xf32, #tpu.memory_space<hbm>>)
    %dma_wait3A_639 = arith.constant 3 : i32
    %dma_wait3A_640 = arith.constant 0 : i32
    %dma_wait3A_641 = arith.constant 0 : i32
    %dma_wait3A_642 = tpu.memref_slice %arg8[%dma_wait3A_639, %dma_wait3A_640, %dma_wait3A_641] : memref<4x400x64xf32, #tpu.memory_space<vmem>> -> memref<1x400x64xf32, #tpu.memory_space<vmem>>
    %dma_wait3A_643 = tpu.memref_squeeze %dma_wait3A_642 : memref<1x400x64xf32, #tpu.memory_space<vmem>> -> memref<400x64xf32, #tpu.memory_space<vmem>>
    %dma_wait3A_644 = arith.constant 0 : i32
    %dma_wait3A_645 = arith.constant 0 : i32
    %dma_wait3A_646 = tpu.memref_slice %arg5[%mul3A_4, %dma_wait3A_644, %dma_wait3A_645] : memref<2048x400x64xf32, #tpu.memory_space<hbm>> -> memref<1x400x64xf32, #tpu.memory_space<hbm>>
    %dma_wait3A_647 = tpu.memref_squeeze %dma_wait3A_646 : memref<1x400x64xf32, #tpu.memory_space<hbm>> -> memref<400x64xf32, #tpu.memory_space<hbm>>
    %dma_wait3A_648 = arith.constant 0 : i32
    %dma_wait3A_649 = arith.constant 0 : i32
    %dma_wait3A_650 = tpu.memref_slice %arg5[%mul3A_4, %dma_wait3A_648, %dma_wait3A_649] : memref<2048x400x64xf32, #tpu.memory_space<hbm>> -> memref<1x400x64xf32, #tpu.memory_space<hbm>>
    %dma_wait3A_651 = tpu.memref_squeeze %dma_wait3A_650 : memref<1x400x64xf32, #tpu.memory_space<hbm>> -> memref<400x64xf32, #tpu.memory_space<hbm>>
    %dma_wait3A_652 = arith.constant 0 : i32
    %dma_wait3A_653 = arith.constant 0 : i32
    %dma_wait3A_654 = tpu.memref_slice %arg8[%dma_wait3A_639, %dma_wait3A_652, %dma_wait3A_653] : memref<4x400x64xf32, #tpu.memory_space<vmem>> -> memref<1x400x64xf32, #tpu.memory_space<vmem>>
    %dma_wait3A_655 = tpu.memref_squeeze %dma_wait3A_654 : memref<1x400x64xf32, #tpu.memory_space<vmem>> -> memref<400x64xf32, #tpu.memory_space<vmem>>
    tpu.wait_dma2 semaphore(%arg20 : memref<!tpu.dma_semaphore, #tpu.memory_space<semaphore_mem>>) src(%dma_wait3A_655 : memref<400x64xf32, #tpu.memory_space<vmem>>) dst(%dma_wait3A_651 : memref<400x64xf32, #tpu.memory_space<hbm>>)
    return
  }
}

</mosaic_0001>

<sc_bundles>
// kernel: kernel.3.cloned.1.call-start
scs
__scs_entry_jumppad:
0x0: {  	(pc) =	sbr.rel $0x88, $3  }
0x1: {  	(tag) =	ssettag $0x0;
	lr =	simm.s32 $0x1  }
0x2: {  	[smem:$0x3F9F] =	sst lr;
	_ =	strace $0xD0000000  }
0x3: {  	_ = 	snop  }
0x4: {  	_ = 	snop  }
0x5: {  	_ = 	snop  }
0x6: {  	_ = 	snop  }
0x7: {  	_ = 	snop  }
__scs_overlays_trampoline_lowered:
0x8: {  	[smem:$0x3FAE] =	sst s0  }
0x9: {  	[smem:$0x3FAF] =	sst s1  }
0xa: {  	[smem:$0x3FB0] =	sst s2  }
0xb: {  	[smem:$0x3FB1] =	sst s3  }
0xc: {  	[smem:$0x3FB2] =	sst s4  }
0xd: {  	[smem:$0x3FB3] =	sst s5  }
0xe: {  	[smem:$0x3FB4] =	sst s6  }
0xf: {  	[smem:$0x3FB5] =	sst s7  }
0x10: {  	[smem:$0x3FB6] =	sst s8  }
0x11: {  	[smem:$0x3FB7] =	sst s9;
	s0 =	simm.s32 @!p0 $0x0  }
0x12: {  	s1 =	sld [smem:$0x3F9D];
	s0 =	simm.s32 @p0 $0x1  }
0x13: {  	[smem:$0x3FB8] =	sst s0;
	s0 =	simm.s32 @!p1 $0x0  }
0x14: {  	s2 =	sld [smem:$0x3F9C];
	s0 =	simm.s32 @p1 $0x1  }
0x15: {  	[smem:$0x3FB9] =	sst s0;
	s0 =	simm.s32 @!p2 $0x0  }
0x16: {  	s3 =	sld [smem:$0x3FDB];
	s0 =	simm.s32 @p2 $0x1  }
0x17: {  	s4 =	simm.s32 $0x1BF5;
	[smem:$0x3FBB] =	sst s0  }
0x18: {  	s0 =	sld [smem:$0x3F9E];
	_ =	swait.ge [sflag:s4], $0x0  }
0x19: {  	s7 =	sld [smem:$0x3F9F]  }
0x1a: {  	s8 =	sadd.s32 $0xFFFFE003, lr  }
0x1b: {  	s9 =	sadd.s32 $0xFFFFFEF7, lr;
	s5 =	simm.s32 $0xFFFFFFFF;
	p2 =	slt.u32 s8, $0xFFFFF086  }
0x1c: {  	p1 =	slt.u32 s9, $0xF7A;
	s5 =	simm.s32 @!p2 $0x0  }
0x1d: {  	s5 =	simm.s32 @p1 $0x1;
	p0 =	seq.s32 s7, s2  }
0x1e: {  	s7 =	smul.u32 @!p0 $0xF7A, s2;
	p2 =	seq.s32 @!p0 s5, $0x0  }
0x1f: {  	s9 =	smul.u32 $0xF7A, s1;
	s8 =	simm.s32 @!p0 $0x1BF5;
	p2 =	por !p2, p0  }
0x20: {  	[sflag:s8] =	ssyncset.s32 @!p0 $0xFFFFF086;
	s6 =	sadd.s32 @!p0 s3, s7;
	s7 =	simm.s32 @!p0 $0x108  }
0x21: {  	s3 =	sadd.s32 s3, s9;
	s6 =	sadd.s32 @!p0 $0x88, s6;
	s7 =	simm.s32 @p2 $0x1082  }
0x22: {  	[simem:s7], [sflag:s8] =	dma.local @!p0 [hbm:s6], $0xF7A  }
0x23: {  	s9 =	sor.u32 $0xD0000000, s2;
	s6 =	simm.s32 $0x108;
	_ =	swait.ge @!p0 [sflag:s8], $0x0  }
0x24: {  	s3 =	sadd.s32 $0x88, s3;
	s6 =	simm.s32 @!p1 $0x1082;
	[sflag:s4] =	ssyncset.s32 $0xFFFFF086  }
0x25: {  	[simem:s6], [sflag:s4] =	dma.local [hbm:s3], $0xF7A  }
0x26: {  	[smem:$0x3F9F] =	sst s1;
	(tag) =	ssettag s2;
	_ =	strace s9  }
0x27: {  	s1 =	sld [smem:$0x3FAF]  }
0x28: {  	s2 =	sld [smem:$0x3FB0]  }
0x29: {  	s4 =	sld [smem:$0x3FB2]  }
0x2a: {  	p0 =	seq.s32 s5, $0x0;
	s5 =	sld [smem:$0x3FB3]  }
0x2b: {  	s6 =	sld [smem:$0x3FB4]  }
0x2c: {  	s7 =	sld [smem:$0x3FB5]  }
0x2d: {  	s3 =	simm.s32 $0x108;
	s8 =	sld [smem:$0x3FB6]  }
0x2e: {  	s3 =	simm.s32 @!p0 $0x1082;
	s9 =	sld [smem:$0x3FB7]  }
0x2f: {  	lr =	sadd.s32 s0, s3;
	s0 =	sld [smem:$0x3FAE]  }
0x30: {  	s3 =	sld [smem:$0x3FB1]  }
0x31: {  	[smem:$0x3FBA] =	sst s10  }
0x32: {  	s10 =	sld [smem:$0x3FB8];
	_ =	sdelay $0x3  }
0x33: {  	p0 =	seq.s32 s10, $0x1;
	s10 =	sld [smem:$0x3FBA];
	_ =	sdelay $0x3  }
0x34: {  	[smem:$0x3FBA] =	sst s10  }
0x35: {  	s10 =	sld [smem:$0x3FB9];
	_ =	sdelay $0x3  }
0x36: {  	p1 =	seq.s32 s10, $0x1;
	s10 =	sld [smem:$0x3FBA];
	_ =	sdelay $0x3  }
0x37: {  	[smem:$0x3FBA] =	sst s10  }
0x38: {  	s10 =	sld [smem:$0x3FBB]  }
0x39: {  	_ = 	snop;
	(pc) =	sbr.ind lr, $3  }
0x3a: {  	_ = 	snop  }
0x3b: {  	_ = 	snop  }
0x3c: {  	p2 =	seq.s32 s10, $0x1;
	s10 =	sld [smem:$0x3FBA]  }
0x3d: {  	_ =	shalt  }
0x3e: {  	_ =	shalt  }
0x3f: {  	_ =	shalt  }
0x40: {  	_ =	shalt  }
0x41: {  	_ =	shalt  }
0x42: {  	_ =	shalt  }
0x43: {  	_ =	shalt  }
0x44: {  	_ =	shalt  }
0x45: {  	_ =	shalt  }
0x46: {  	_ =	shalt  }
0x47: {  	_ =	shalt  }
0x48: {  	_ =	shalt  }
0x49: {  	_ =	shalt  }
0x4a: {  	_ =	shalt  }
0x4b: {  	_ =	shalt  }
0x4c: {  	_ =	shalt  }
0x4d: {  	_ =	shalt  }
0x4e: {  	_ =	shalt  }
0x4f: {  	_ =	shalt  }
0x50: {  	_ =	shalt  }
0x51: {  	_ =	shalt  }
0x52: {  	_ =	shalt  }
0x53: {  	_ =	shalt  }
0x54: {  	_ =	shalt  }
0x55: {  	_ =	shalt  }
0x56: {  	_ =	shalt  }
0x57: {  	_ =	shalt  }
0x58: {  	_ =	shalt  }
0x59: {  	_ =	shalt  }
0x5a: {  	_ =	shalt  }
0x5b: {  	_ =	shalt  }
0x5c: {  	_ =	shalt  }
0x5d: {  	_ =	shalt  }
0x5e: {  	_ =	shalt  }
0x5f: {  	_ =	shalt  }
0x60: {  	_ =	shalt  }
0x61: {  	_ =	shalt  }
0x62: {  	_ =	shalt  }
0x63: {  	_ =	shalt  }
0x64: {  	_ =	shalt  }
0x65: {  	_ =	shalt  }
0x66: {  	_ =	shalt  }
0x67: {  	_ =	shalt  }
0x68: {  	_ =	shalt  }
0x69: {  	_ =	shalt  }
0x6a: {  	_ =	shalt  }
0x6b: {  	_ =	shalt  }
0x6c: {  	_ =	shalt  }
0x6d: {  	_ =	shalt  }
0x6e: {  	_ =	shalt  }
0x6f: {  	_ =	shalt  }
0x70: {  	_ =	shalt  }
0x71: {  	_ =	shalt  }
0x72: {  	_ =	shalt  }
0x73: {  	_ =	shalt  }
0x74: {  	_ =	shalt  }
0x75: {  	_ =	shalt  }
0x76: {  	_ =	shalt  }
0x77: {  	_ =	shalt  }
0x78: {  	_ =	shalt  }
0x79: {  	_ =	shalt  }
0x7a: {  	_ =	shalt  }
0x7b: {  	_ =	shalt  }
0x7c: {  	_ =	shalt  }
0x7d: {  	_ =	shalt  }
0x7e: {  	_ =	shalt  }
0x7f: {  	_ =	shalt  }
0x80: {  	_ =	shalt  }
0x81: {  	_ =	shalt  }
0x82: {  	_ =	shalt  }
0x83: {  	_ =	shalt  }
0x84: {  	_ =	shalt  }
0x85: {  	_ =	shalt  }
0x86: {  	_ =	shalt  }
0x87: {  	_ =	shalt  }
.Lfunc_end0:
.L_simem_size_0:
called_computation.1_lowered:
.L_overlay_start_0:
0x88: {  	s2 =	sld [smem:$0x3FD9]  }
0x89: {  	s3 =	sld [smem:$0x3FFE];
	_ =	sdelay $0x1  }
0x8a: {  	s1 =	srdreg.scid  }
0x8b: {  	s0 =	sand.u32 $0x1, s1  }
0x8c: {  	s17 =	sshll.u32 s0, $0xA;
	s2 =	sadd.s32 s3, s2  }
0x8d: {  	s2 =	sadd.s32 s2, s17  }
0x8e: {  	[smem:$0x3FC6] =	sst s2  }
0x8f: {  	_ = 	snop  }
0x90: {  	s2 =	sld [smem:$0x3FD0];
	(tm) =	ssettm $0x1  }
0x91: {  	s18 =	sld [smem:$0x3FFB];
	_ =	sdelay $0x3  }
0x92: {  	_ =	strace s18  }
0x93: {  	s3 =	sld [smem:$0x3FFC];
	_ =	sdelay $0x3  }
0x94: {  	_ =	strace s3  }
0x95: {  	s3 =	sld [smem:$0x3FFD];
	_ =	sdelay $0x3  }
0x96: {  	_ =	strace s3  }
0x97: {  	_ =	strace $0x8FFFFFFF  }
0x98: {  	s19 =	sld [smem:$0x3FDB];
	_ =	sdelay $0x1  }
0x99: {  	s4 =	simm.s32 $_scs_section_size  }
0x9a: {  	s5 =	simm.s32 $_size__tile_overlayer_lowered;
	s6 =	simm.s32 $_tile_overlayer_lowered  }
0x9b: {  	s22 =	simm.s32 $0x1BFF;
	s21 =	sshll.u32 s6, $0x1;
	s3 =	sadd.s32 s4, s19  }
0x9c: {  	s7 =	simm.s32 $0x0;
	s20 =	sshll.u32 s5, $0x1;
	s5 =	sadd.s32 s21, s3  }
0x9d: {  	[timem:s7], [sflag:s22] =	dma.local [hbm:s5], s20  }
0x9e: {  	_ =	swait.ge [sflag:s22], s20  }
0x9f: {  	s4 =	ssub.s32 $0x0, s20;
	[sflag:s22] =	ssyncset.done $0x0  }
0xa0: {  	[sflag:s22] =	ssyncadd.s32 s4;
	_ =	sdelay $0x1  }
0xa1: {  	s23 =	simm.s32 $0x1B8B  }
0xa2: {  	_ =	swait.ge [sflag:s23], $0x1  }
0xa3: {  	[sflag:s23] =	ssyncset.done $0x0  }
0xa4: {  	s25 =	simm.s32 $0x1B8E;
	s24 =	sld [smem:$0x3FFE];
	[sflag:s23] =	ssyncadd.s32 $0xFFFFFFFF  }
0xa5: {  	s26 =	simm.s32 $execute0_lowered;
	[smem:$0x3FD2] =	sst s25  }
0xa6: {  	s5 =	sshll.u32 s26, $0x1;
	_ =	strace $0x80000046;
	[dreg:$0x1] =	wrdreg $0xFFFFFFFF  }
0xa7: {  	s28 =	simm.s32 $_size_execute0_lowered;
	s3 =	sadd.s32 s3, s5;
	[dreg:$0x0] =	wrdreg $0x0  }
0xa8: {  	s5 =	sshll.u32 s28, $0x1;
	[dreg:$0x2] =	wrdreg s3  }
0xa9: {  	[dreg:$0x3] =	wrdreg s5  }
0xaa: {  	[dreg:$0x4] =	wrdreg $0xC0  }
0xab: {  	_ =	task [dreg:s7], $0x5FFFF  }
0xac: {  	[dreg:$0x1] =	wrdreg $0xFFFFFFFF  }
0xad: {  	[dreg:$0x0] =	wrdreg $0x60  }
0xae: {  	[dreg:$0x2] =	wrdreg s24  }
0xaf: {  	[dreg:$0x3] =	wrdreg s2  }
0xb0: {  	[dreg:$0x4] =	wrdreg $0x9  }
0xb1: {  	_ =	task.clear_ibuf [dreg:s7], $0x5FFFF;
	_ =	strace $0x90000046  }
0xb2: {  	s29 =	simm.s32 $0x9;
	_ =	strace $0x80000048  }
0xb3: {  	_ =	swait.ge [sflag:s29], $0x1  }
0xb4: {  	[sflag:s29] =	ssyncadd.s32 $0xFFFFFFFF  }
0xb5: {  	_ =	strace $0x90000048  }
0xb6: {  	_ =	sfence  }
0xb7: {  	s30 =	sld [smem:$0x0];
	_ =	sdelay $0x2  }
0xb8: {  	s31 =	sshll.u32 s1, $0xD;
	s1 =	sshrl.u32 s1, $0x2  }
0xb9: {  	s3 =	sand.u32 $0x4000, s31;
	s1 =	sadd.s32 s1, s30  }
0xba: {  	s0 =	sor.u32 s3, s0;
	s1 =	sshll.u32 s1, $0x11  }
0xbb: {  	s0 =	sor.u32 s1, s0  }
0xbc: {  	s0 =	sadd.s32 $0x8F2B, s0  }
0xbd: {  	[sflag:s0] =	ssyncadd.remote.s32 $0x1  }
0xbe: {  	_ =	sfence.sel $0xFFFF  }
0xbf: {  	[dreg:$0x0] =	wrdreg $0xFFFFFFFF;
	(pc) =	sbr.abs _section_cstart, $3  }
0xc0: {  	[dreg:$0x1] =	wrdreg $0xFFFFFFFF  }
0xc1: {  	_ =	task.clear_ibuf [dreg:s7], $0x2FFFF;
	_ =	strace $0x9FFFFFFF  }
0xc2: {  	(tm) =	ssettm $0x7FFFFFFF  }
0xc3: {  	_ =	shalt  }
tec
execute0_lowered:
.L_overlay_start_1:
0x0: {  	(tag) =	ssettag $0x1  }
0x1: {  	s0 =	rddreg [dreg:$0x0]  }
0x2: {  	s7 =	rddreg [dreg:$0x1];
	s3 =	simm.s32 $0x0  }
0x3: {  	s1 =	srdreg.scid;
	s2 =	stileid.u32;
	s28 =	simm.s32 $0x6A40  }
0x4: {  	s11 =	simm.s32 $0xCE40;
	s14 =	simm.s32 $0x13240;
	s12 =	simm.s32 $0x4  }
0x5: {  	s13 =	simm.s32 $0x19640;
	s30 =	simm.s32 $0x5;
	s31 =	simm.s32 $0x6  }
0x6: {  	s15 =	simm.s32 $0x9;
	s16 =	simm.s32 $0xA;
	s17 =	simm.s32 $0xB  }
0x7: {  	[smem:$0x7FF] =	sst s3;
	s1 =	sand.u32 $0x1, s1;
	s2 =	sshll.u32 s2, $0x1  }
0x8: {  	s4 =	sadd.s32 $0xF43000, s0;
	s5 =	ssub.s32 $0x2, s1;
	s1 =	sor.u32 s1, s2  }
0x9: {  	s6 =	sadd.s32 $0xC00, s0;
	s0 =	sadd.s32 $0x19C00, s0;
	s8 =	smul.u32 $0x6400, s1  }
0xa: {  	_ =	strace $0x80000047;
	[dreg:$0x3] =	wrdreg s0;
	s24 =	smul.u32 $0x32000, s1  }
0xb: {  	s20 =	sshrl.u32 s5, $0x1;
	s22 =	sshll.u32 s1, $0x6;
	s1 =	smul.u32 $0x190000, s1  }
0xc: {  	s21 =	ssub.s32 s5, s20;
	[dreg:$0x4] =	wrdreg s22;
	s20 =	simm.s32 $0xC  }
0xd: {  	s22 =	simm.s32 $0x1;
	s23 =	sshrl.u32 s8, $0x3;
	s9 =	sadd.s32 $0x4B0, s8  }
0xe: {  	s26 =	sadd.s32 s7, s24;
	s1 =	sshrl.u32 s1, $0x3;
	s29 =	sor.u32 $0x190, s8  }
0xf: {  	s18 =	smov.u32 s8;
	s19 =	sor.u32 $0x320, s8;
	[dreg:$0x6] =	wrdreg s9  }
0x10: {  	s0 =	smax.u32 s21, $0x1;
	s24 =	simm.s32 $0x320;
	[dreg:$0xa] =	wrdreg s26  }
0x11: {  	s21 =	simm.s32 $0x8;
	s2 =	sadd.s32 s6, s23;
	[dreg:$0xe] =	wrdreg s29  }
0x12: {  	s25 =	sshrl.u32 s9, $0x3;
	s5 =	sadd.s32 $0xC80, s26;
	[dreg:$0xf] =	wrdreg s0  }
0x13: {  	s1 =	sadd.s32 s7, s1;
	s23 =	simm.s32 $0x190;
	[dreg:$0x5] =	wrdreg s2  }
0x14: {  	s0 =	simm.s32 $0x10;
	s10 =	sadd.s32 $0x32, s2;
	[dreg:$0xb] =	wrdreg s5  }
0x15: {  	s7 =	simm.s32 $0x2;
	s2 =	sadd.s32 $0x64, s2;
	[dreg:$0x7] =	wrdreg s10  }
0x16: {  	s9 =	simm.s32 $0x3;
	s1 =	sadd.s32 $0x2580, s1;
	[dreg:$0x8] =	wrdreg s2  }
0x17: {  	s5 =	simm.s32 $0x0;
	s2 =	sadd.s32 s6, s25;
	[dreg:$0xd] =	wrdreg s1  }
0x18: {  	s25 =	simm.s32 $0x4B0;
	[dreg:$0x9] =	wrdreg s2;
	s2 =	sadd.s32 $0x1900, s26  }
0x19: {  	s1 =	simm.s32 $0x7;
	s26 =	simm.s32 $0x80;
	[dreg:$0xc] =	wrdreg s2  }
.LBB2_1:
0x1a: {  	[dreg:$0x10] =	wrdreg s5  }
0x1b: {  	s2 =	rddreg [dreg:$0x3];
	s8 =	simm.s32 $0x640;
	s10 =	simm.s32 $0xD  }
0x1c: {  	[tilespmem:s8], [sflag:$0xD] =	stream.linear.gather [hbm4b:s2+s3], $0x6400, $0x38;
	[tilespmem:$0x1FA40] =	vst v63  }
0x1d: {  	_ =	swait.ge [sflag:s10], $0x6400  }
0x1e: {  	[sflag:s10] =	ssyncset.done $0x0  }
0x1f: {  	s2 =	simm.s32 $0x0;
	s29 =	rddreg [dreg:$0x5];
	[sflag:s10] =	ssyncadd.s32 $0xFFFF9C00  }
0x20: {  	[tilespmem:s3], [sflag:$0x1] =	stream.linear.gather [hbm4b:s29+s3], $0x190, $0x38;
	[tilespmem:$0x1FA40] =	vst v63  }
0x21: {  	v0 =	vld [tilespmem:s2+$0x670]  }
0x22: {  	v1 =	vld [tilespmem:s2+$0x640]  }
0x23: {  	v2 =	vld [tilespmem:s2+$0x650]  }
0x24: {  	s5 =	simm.s32 $0x100;
	v3 =	vld [tilespmem:s2+$0x660]  }
.LBB2_2:
0x25: {  	p0 =	sne.s32 s5, $0x18F00  }
.Ltmp0:
0x26: {  	s8 =	sshra.s32 s5, $0x2;
	s5 =	sadd.s32 $0x100, s5;
	[tilespmem:s2+$0x6A70] =	vst v0;
	(pc) =	sbr.rel @p0 .LBB2_2-.Ltmp0, $4  }
0x27: {  	v0 =	vld [tilespmem:s8+$0x670];
	[tilespmem:s2+$0x6A40] =	vst v1  }
0x28: {  	v1 =	vld [tilespmem:s8+$0x640];
	[tilespmem:s2+$0x6A50] =	vst v2  }
0x29: {  	v2 =	vld [tilespmem:s8+$0x650];
	[tilespmem:s2+$0x6A60] =	vst v3;
	s2 =	smov.u32 s8  }
0x2a: {  	v3 =	vld [tilespmem:s2+$0x660]  }
0x2b: {  	_ = 	snop  }
0x2c: {  	[tilespmem:s2+$0x6A70] =	vst v0  }
0x2d: {  	[tilespmem:s2+$0x6A40] =	vst v1  }
0x2e: {  	[tilespmem:s2+$0x6A50] =	vst v2  }
0x2f: {  	s29 =	simm.s32 $0x0;
	s5 =	rddreg [dreg:$0x7];
	[tilespmem:s2+$0x6A60] =	vst v3;
	s2 =	simm.s32 $0x0  }
0x30: {  	[tilespmem:s23], [sflag:$0x2] =	stream.linear.gather [hbm4b:s5+s29], $0x190, $0x38;
	[tilespmem:$0x1FA40] =	vst v63  }
0x31: {  	v0 =	vld [tilespmem:s2+$0x670]  }
0x32: {  	v1 =	vld [tilespmem:s2+$0x640]  }
0x33: {  	v2 =	vld [tilespmem:s2+$0x650]  }
0x34: {  	s5 =	simm.s32 $0x100;
	v3 =	vld [tilespmem:s2+$0x660]  }
.LBB2_4:
0x35: {  	p0 =	sne.s32 s5, $0x18F00  }
.Ltmp1:
0x36: {  	s8 =	sshra.s32 s5, $0x2;
	s5 =	sadd.s32 $0x100, s5;
	[tilespmem:s2+$0xCE70] =	vst v0;
	(pc) =	sbr.rel @p0 .LBB2_4-.Ltmp1, $4  }
0x37: {  	v0 =	vld [tilespmem:s8+$0x670];
	[tilespmem:s2+$0xCE40] =	vst v1  }
0x38: {  	v1 =	vld [tilespmem:s8+$0x640];
	[tilespmem:s2+$0xCE50] =	vst v2  }
0x39: {  	v2 =	vld [tilespmem:s8+$0x650];
	[tilespmem:s2+$0xCE60] =	vst v3;
	s2 =	smov.u32 s8  }
0x3a: {  	v3 =	vld [tilespmem:s2+$0x660]  }
0x3b: {  	_ = 	snop  }
0x3c: {  	[tilespmem:s2+$0xCE70] =	vst v0  }
0x3d: {  	[tilespmem:s2+$0xCE40] =	vst v1  }
0x3e: {  	[tilespmem:s2+$0xCE50] =	vst v2  }
0x3f: {  	s29 =	simm.s32 $0x0;
	s5 =	rddreg [dreg:$0x8];
	[tilespmem:s2+$0xCE60] =	vst v3;
	s2 =	simm.s32 $0x0  }
0x40: {  	[tilespmem:s24], [sflag:$0x3] =	stream.linear.gather [hbm4b:s5+s29], $0x190, $0x38;
	[tilespmem:$0x1FA40] =	vst v63  }
0x41: {  	v0 =	vld [tilespmem:s2+$0x670]  }
0x42: {  	v1 =	vld [tilespmem:s2+$0x640]  }
0x43: {  	v2 =	vld [tilespmem:s2+$0x650]  }
0x44: {  	s5 =	simm.s32 $0x100;
	v3 =	vld [tilespmem:s2+$0x660]  }
.LBB2_6:
0x45: {  	p0 =	sne.s32 s5, $0x18F00  }
.Ltmp2:
0x46: {  	s8 =	sshra.s32 s5, $0x2;
	s5 =	sadd.s32 $0x100, s5;
	[tilespmem:s2+$0x13270] =	vst v0;
	(pc) =	sbr.rel @p0 .LBB2_6-.Ltmp2, $4  }
0x47: {  	v0 =	vld [tilespmem:s8+$0x670];
	[tilespmem:s2+$0x13240] =	vst v1  }
0x48: {  	v1 =	vld [tilespmem:s8+$0x640];
	[tilespmem:s2+$0x13250] =	vst v2  }
0x49: {  	v2 =	vld [tilespmem:s8+$0x650];
	[tilespmem:s2+$0x13260] =	vst v3;
	s2 =	smov.u32 s8  }
0x4a: {  	v3 =	vld [tilespmem:s2+$0x660]  }
0x4b: {  	_ = 	snop  }
0x4c: {  	[tilespmem:s2+$0x13270] =	vst v0  }
0x4d: {  	[tilespmem:s2+$0x13240] =	vst v1  }
0x4e: {  	[tilespmem:s2+$0x13250] =	vst v2  }
0x4f: {  	s29 =	simm.s32 $0x0;
	s5 =	rddreg [dreg:$0x9];
	[tilespmem:s2+$0x13260] =	vst v3;
	s2 =	simm.s32 $0x0  }
0x50: {  	[tilespmem:s25], [sflag:$0x4] =	stream.linear.gather [hbm4b:s5+s29], $0x190, $0x38;
	[tilespmem:$0x1FA40] =	vst v63  }
0x51: {  	v0 =	vld [tilespmem:s2+$0x670]  }
0x52: {  	v1 =	vld [tilespmem:s2+$0x640]  }
0x53: {  	v2 =	vld [tilespmem:s2+$0x650]  }
0x54: {  	s5 =	simm.s32 $0x100;
	v3 =	vld [tilespmem:s2+$0x660]  }
.LBB2_8:
0x55: {  	p0 =	sne.s32 s5, $0x18F00  }
.Ltmp3:
0x56: {  	s8 =	sshra.s32 s5, $0x2;
	s5 =	sadd.s32 $0x100, s5;
	[tilespmem:s2+$0x19670] =	vst v0;
	(pc) =	sbr.rel @p0 .LBB2_8-.Ltmp3, $4  }
0x57: {  	v0 =	vld [tilespmem:s8+$0x670];
	[tilespmem:s2+$0x19640] =	vst v1  }
0x58: {  	v1 =	vld [tilespmem:s8+$0x640];
	[tilespmem:s2+$0x19650] =	vst v2  }
0x59: {  	v2 =	vld [tilespmem:s8+$0x650];
	[tilespmem:s2+$0x19660] =	vst v3;
	s2 =	smov.u32 s8  }
0x5a: {  	v3 =	vld [tilespmem:s2+$0x660]  }
0x5b: {  	_ = 	snop  }
0x5c: {  	[tilespmem:s2+$0x19670] =	vst v0  }
0x5d: {  	[tilespmem:s2+$0x19640] =	vst v1  }
0x5e: {  	[tilespmem:s2+$0x19650] =	vst v2  }
0x5f: {  	s29 =	simm.s32 $0x1;
	[tilespmem:s2+$0x19660] =	vst v3  }
0x60: {  	_ =	swait.ge [sflag:s29], $0x190  }
0x61: {  	[sflag:s29] =	ssyncset.done $0x0  }
0x62: {  	[sflag:s29] =	ssyncadd.s32 $0xFFFFFE70  }
0x63: {  	[tilespmem:s28], [sflag:$0x5] =	stream.indirect.gather.add.f32 [hbm:s4], $0x40, s3, s26, $0xb8;
	[tilespmem:$0x1FA40] =	vst v63  }
0x64: {  	s8 =	simm.s32 $0x8A40  }
0x65: {  	[tilespmem:s8], [sflag:$0x5] =	stream.indirect.gather.add.f32 [hbm:s4], $0x40, s26, s26, $0xb8;
	[tilespmem:$0x1FA40] =	vst v63  }
0x66: {  	s10 =	simm.s32 $0x100;
	s5 =	simm.s32 $0xAA40  }
0x67: {  	[tilespmem:s5], [sflag:$0x5] =	stream.indirect.gather.add.f32 [hbm:s4], $0x40, s10, s26, $0xb8;
	[tilespmem:$0x1FA40] =	vst v63  }
0x68: {  	s8 =	simm.s32 $0x180;
	s10 =	simm.s32 $0xCA40  }
0x69: {  	[tilespmem:s10], [sflag:$0x5] =	stream.indirect.gather.add.f32 [hbm:s4], $0x40, s8, s0, $0xb8;
	[tilespmem:$0x1FA40] =	vst v63  }
0x6a: {  	_ =	swait.ge [sflag:s7], $0x190  }
0x6b: {  	[sflag:s7] =	ssyncset.done $0x0  }
0x6c: {  	[sflag:s7] =	ssyncadd.s32 $0xFFFFFE70  }
0x6d: {  	[tilespmem:s11], [sflag:$0x6] =	stream.indirect.gather.add.f32 [hbm:s4], $0x40, s23, s26, $0xb8;
	[tilespmem:$0x1FA40] =	vst v63  }
0x6e: {  	s8 =	simm.s32 $0x210;
	s10 =	simm.s32 $0xEE40  }
0x6f: {  	[tilespmem:s10], [sflag:$0x6] =	stream.indirect.gather.add.f32 [hbm:s4], $0x40, s8, s26, $0xb8;
	[tilespmem:$0x1FA40] =	vst v63  }
0x70: {  	s8 =	simm.s32 $0x290;
	s10 =	simm.s32 $0x10E40  }
0x71: {  	[tilespmem:s10], [sflag:$0x6] =	stream.indirect.gather.add.f32 [hbm:s4], $0x40, s8, s26, $0xb8;
	[tilespmem:$0x1FA40] =	vst v63  }
0x72: {  	s8 =	simm.s32 $0x310;
	s10 =	simm.s32 $0x12E40  }
0x73: {  	[tilespmem:s10], [sflag:$0x6] =	stream.indirect.gather.add.f32 [hbm:s4], $0x40, s8, s0, $0xb8;
	[tilespmem:$0x1FA40] =	vst v63  }
0x74: {  	_ =	swait.ge [sflag:s9], $0x190  }
0x75: {  	[sflag:s9] =	ssyncset.done $0x0  }
0x76: {  	[sflag:s9] =	ssyncadd.s32 $0xFFFFFE70  }
0x77: {  	[tilespmem:s14], [sflag:$0x7] =	stream.indirect.gather.add.f32 [hbm:s4], $0x40, s24, s26, $0xb8;
	[tilespmem:$0x1FA40] =	vst v63  }
0x78: {  	s8 =	simm.s32 $0x3A0;
	s10 =	simm.s32 $0x15240  }
0x79: {  	[tilespmem:s10], [sflag:$0x7] =	stream.indirect.gather.add.f32 [hbm:s4], $0x40, s8, s26, $0xb8;
	[tilespmem:$0x1FA40] =	vst v63  }
0x7a: {  	s8 =	simm.s32 $0x420;
	s10 =	simm.s32 $0x17240  }
0x7b: {  	[tilespmem:s10], [sflag:$0x7] =	stream.indirect.gather.add.f32 [hbm:s4], $0x40, s8, s26, $0xb8;
	[tilespmem:$0x1FA40] =	vst v63  }
0x7c: {  	s8 =	simm.s32 $0x4A0;
	s10 =	simm.s32 $0x19240  }
0x7d: {  	[tilespmem:s10], [sflag:$0x7] =	stream.indirect.gather.add.f32 [hbm:s4], $0x40, s8, s0, $0xb8;
	[tilespmem:$0x1FA40] =	vst v63  }
0x7e: {  	_ =	swait.ge [sflag:s12], $0x190  }
0x7f: {  	[sflag:s12] =	ssyncset.done $0x0  }
0x80: {  	[sflag:s12] =	ssyncadd.s32 $0xFFFFFE70  }
0x81: {  	[tilespmem:s13], [sflag:$0x8] =	stream.indirect.gather.add.f32 [hbm:s4], $0x40, s25, s26, $0xb8;
	[tilespmem:$0x1FA40] =	vst v63  }
0x82: {  	s8 =	simm.s32 $0x530;
	s10 =	simm.s32 $0x1B640  }
0x83: {  	[tilespmem:s10], [sflag:$0x8] =	stream.indirect.gather.add.f32 [hbm:s4], $0x40, s8, s26, $0xb8;
	[tilespmem:$0x1FA40] =	vst v63  }
0x84: {  	s8 =	simm.s32 $0x5B0;
	s10 =	simm.s32 $0x1D640  }
0x85: {  	[tilespmem:s10], [sflag:$0x8] =	stream.indirect.gather.add.f32 [hbm:s4], $0x40, s8, s26, $0xb8;
	[tilespmem:$0x1FA40] =	vst v63  }
0x86: {  	s5 =	simm.s32 $0x630;
	s8 =	simm.s32 $0x1F640  }
0x87: {  	[tilespmem:s8], [sflag:$0x8] =	stream.indirect.gather.add.f32 [hbm:s4], $0x40, s5, s0, $0xb8;
	[tilespmem:$0x1FA40] =	vst v63  }
0x88: {  	_ =	swait.ge [sflag:s30], $0x2000  }
0x89: {  	[sflag:s30] =	ssyncset.done $0x0  }
0x8a: {  	[sflag:s30] =	ssyncadd.s32 $0xFFFFE000  }
0x8b: {  	_ =	swait.ge [sflag:s30], $0x2000  }
0x8c: {  	[sflag:s30] =	ssyncset.done $0x0  }
0x8d: {  	[sflag:s30] =	ssyncadd.s32 $0xFFFFE000  }
0x8e: {  	_ =	swait.ge [sflag:s30], $0x2000  }
0x8f: {  	[sflag:s30] =	ssyncset.done $0x0  }
0x90: {  	[sflag:s30] =	ssyncadd.s32 $0xFFFFE000  }
0x91: {  	_ =	swait.ge [sflag:s30], $0x400  }
0x92: {  	[sflag:s30] =	ssyncset.done $0x0  }
0x93: {  	s10 =	rddreg [dreg:$0xa];
	[sflag:s30] =	ssyncadd.s32 $0xFFFFFC00  }
0x94: {  	[hbm4b:s10+s3] =	stream.linear.scatter [tilespmem:s28], [sflag:$0x9], $0x6400, $0x38;
	[tilespmem:$0x1FA40] =	vst v63  }
0x95: {  	_ =	swait.ge [sflag:s31], $0x2000  }
0x96: {  	[sflag:s31] =	ssyncset.done $0x0  }
0x97: {  	[sflag:s31] =	ssyncadd.s32 $0xFFFFE000  }
0x98: {  	_ =	swait.ge [sflag:s31], $0x2000  }
0x99: {  	[sflag:s31] =	ssyncset.done $0x0  }
0x9a: {  	[sflag:s31] =	ssyncadd.s32 $0xFFFFE000  }
0x9b: {  	_ =	swait.ge [sflag:s31], $0x2000  }
0x9c: {  	[sflag:s31] =	ssyncset.done $0x0  }
0x9d: {  	[sflag:s31] =	ssyncadd.s32 $0xFFFFE000  }
0x9e: {  	_ =	swait.ge [sflag:s31], $0x400  }
0x9f: {  	[sflag:s31] =	ssyncset.done $0x0  }
0xa0: {  	s5 =	rddreg [dreg:$0xb];
	[sflag:s31] =	ssyncadd.s32 $0xFFFFFC00  }
0xa1: {  	[hbm4b:s5+s3] =	stream.linear.scatter [tilespmem:s11], [sflag:$0xA], $0x6400, $0x38;
	[tilespmem:$0x1FA40] =	vst v63  }
0xa2: {  	_ =	swait.ge [sflag:s1], $0x2000  }
0xa3: {  	[sflag:s1] =	ssyncset.done $0x0  }
0xa4: {  	[sflag:s1] =	ssyncadd.s32 $0xFFFFE000  }
0xa5: {  	_ =	swait.ge [sflag:s1], $0x2000  }
0xa6: {  	[sflag:s1] =	ssyncset.done $0x0  }
0xa7: {  	[sflag:s1] =	ssyncadd.s32 $0xFFFFE000  }
0xa8: {  	_ =	swait.ge [sflag:s1], $0x2000  }
0xa9: {  	[sflag:s1] =	ssyncset.done $0x0  }
0xaa: {  	[sflag:s1] =	ssyncadd.s32 $0xFFFFE000  }
0xab: {  	_ =	swait.ge [sflag:s1], $0x400  }
0xac: {  	[sflag:s1] =	ssyncset.done $0x0  }
0xad: {  	s8 =	rddreg [dreg:$0xc];
	[sflag:s1] =	ssyncadd.s32 $0xFFFFFC00  }
0xae: {  	[hbm4b:s8+s3] =	stream.linear.scatter [tilespmem:s14], [sflag:$0xB], $0x6400, $0x38;
	[tilespmem:$0x1FA40] =	vst v63  }
0xaf: {  	_ =	swait.ge [sflag:s21], $0x2000  }
0xb0: {  	[sflag:s21] =	ssyncset.done $0x0  }
0xb1: {  	[sflag:s21] =	ssyncadd.s32 $0xFFFFE000  }
0xb2: {  	_ =	swait.ge [sflag:s21], $0x2000  }
0xb3: {  	[sflag:s21] =	ssyncset.done $0x0  }
0xb4: {  	[sflag:s21] =	ssyncadd.s32 $0xFFFFE000  }
0xb5: {  	_ =	swait.ge [sflag:s21], $0x2000  }
0xb6: {  	[sflag:s21] =	ssyncset.done $0x0  }
0xb7: {  	[sflag:s21] =	ssyncadd.s32 $0xFFFFE000  }
0xb8: {  	_ =	swait.ge [sflag:s21], $0x400  }
0xb9: {  	[sflag:s21] =	ssyncset.done $0x0  }
0xba: {  	s10 =	rddreg [dreg:$0xd];
	[sflag:s21] =	ssyncadd.s32 $0xFFFFFC00  }
0xbb: {  	[hbm4b:s10+s3] =	stream.linear.scatter [tilespmem:s13], [sflag:$0xC], $0x6400, $0x38;
	[tilespmem:$0x1FA40] =	vst v63  }
.LBB2_10:
0xbc: {  	s2 =	smul.u32 $0x640, s29;
	_ =	sdelay $0x1  }
0xbd: {  	s5 =	sadd.s32 s18, s2  }
0xbe: {  	s5 =	sshrl.u32 s5, $0x3  }
0xbf: {  	s8 =	simm.s32 $0x0;
	s5 =	sadd.s32 s6, s5  }
0xc0: {  	[tilespmem:s8], [sflag:$0x1] =	stream.linear.gather [hbm4b:s5+s8], $0x190, $0x38;
	[tilespmem:$0x1FA40] =	vst v63  }
0xc1: {  	_ =	swait.ge [sflag:s15], $0x6400  }
0xc2: {  	[sflag:s15] =	ssyncset.done $0x0  }
0xc3: {  	s5 =	simm.s32 $0x0;
	[sflag:s15] =	ssyncadd.s32 $0xFFFF9C00  }
0xc4: {  	v1 =	vld [tilespmem:s5+$0x670]  }
0xc5: {  	v2 =	vld [tilespmem:s5+$0x640]  }
0xc6: {  	v0 =	vld [tilespmem:s5+$0x650]  }
0xc7: {  	s8 =	simm.s32 $0x100;
	v3 =	vld [tilespmem:s5+$0x660]  }
.LBB2_11:
0xc8: {  	p0 =	sne.s32 s8, $0x18F00  }
.Ltmp4:
0xc9: {  	s10 =	sshra.s32 s8, $0x2;
	s8 =	sadd.s32 $0x100, s8;
	[tilespmem:s5+$0x6A70] =	vst v1;
	(pc) =	sbr.rel @p0 .LBB2_11-.Ltmp4, $4  }
0xca: {  	v1 =	vld [tilespmem:s10+$0x670];
	[tilespmem:s5+$0x6A40] =	vst v2  }
0xcb: {  	v2 =	vld [tilespmem:s10+$0x640];
	[tilespmem:s5+$0x6A50] =	vst v0  }
0xcc: {  	v0 =	vld [tilespmem:s10+$0x650];
	[tilespmem:s5+$0x6A60] =	vst v3;
	s5 =	smov.u32 s10  }
0xcd: {  	v3 =	vld [tilespmem:s5+$0x660]  }
0xce: {  	_ = 	snop  }
0xcf: {  	s8 =	rddreg [dreg:$0xe];
	[tilespmem:s5+$0x6A70] =	vst v1  }
0xd0: {  	s8 =	sadd.s32 s2, s8;
	[tilespmem:s5+$0x6A40] =	vst v2  }
0xd1: {  	s8 =	sshrl.u32 s8, $0x3;
	[tilespmem:s5+$0x6A50] =	vst v0  }
0xd2: {  	s10 =	simm.s32 $0x0;
	s8 =	sadd.s32 s6, s8;
	[tilespmem:s5+$0x6A60] =	vst v3  }
0xd3: {  	[tilespmem:s23], [sflag:$0x2] =	stream.linear.gather [hbm4b:s8+s10], $0x190, $0x38;
	[tilespmem:$0x1FA40] =	vst v63  }
0xd4: {  	_ =	swait.ge [sflag:s16], $0x6400  }
0xd5: {  	[sflag:s16] =	ssyncset.done $0x0  }
0xd6: {  	s5 =	simm.s32 $0x0;
	[sflag:s16] =	ssyncadd.s32 $0xFFFF9C00  }
0xd7: {  	v1 =	vld [tilespmem:s5+$0x670]  }
0xd8: {  	v2 =	vld [tilespmem:s5+$0x640]  }
0xd9: {  	v0 =	vld [tilespmem:s5+$0x650]  }
0xda: {  	s8 =	simm.s32 $0x100;
	v3 =	vld [tilespmem:s5+$0x660]  }
.LBB2_13:
0xdb: {  	p0 =	sne.s32 s8, $0x18F00  }
.Ltmp5:
0xdc: {  	s10 =	sshra.s32 s8, $0x2;
	s8 =	sadd.s32 $0x100, s8;
	[tilespmem:s5+$0xCE70] =	vst v1;
	(pc) =	sbr.rel @p0 .LBB2_13-.Ltmp5, $4  }
0xdd: {  	v1 =	vld [tilespmem:s10+$0x670];
	[tilespmem:s5+$0xCE40] =	vst v2  }
0xde: {  	v2 =	vld [tilespmem:s10+$0x640];
	[tilespmem:s5+$0xCE50] =	vst v0  }
0xdf: {  	v0 =	vld [tilespmem:s10+$0x650];
	[tilespmem:s5+$0xCE60] =	vst v3;
	s5 =	smov.u32 s10  }
0xe0: {  	v3 =	vld [tilespmem:s5+$0x660]  }
0xe1: {  	_ = 	snop  }
0xe2: {  	[tilespmem:s5+$0xCE70] =	vst v1  }
0xe3: {  	s8 =	sadd.s32 s2, s19;
	[tilespmem:s5+$0xCE40] =	vst v2  }
0xe4: {  	s8 =	sshrl.u32 s8, $0x3;
	[tilespmem:s5+$0xCE50] =	vst v0  }
0xe5: {  	s10 =	simm.s32 $0x0;
	s8 =	sadd.s32 s6, s8;
	[tilespmem:s5+$0xCE60] =	vst v3  }
0xe6: {  	[tilespmem:s24], [sflag:$0x3] =	stream.linear.gather [hbm4b:s8+s10], $0x190, $0x38;
	[tilespmem:$0x1FA40] =	vst v63  }
0xe7: {  	_ =	swait.ge [sflag:s17], $0x6400  }
0xe8: {  	[sflag:s17] =	ssyncset.done $0x0  }
0xe9: {  	s5 =	simm.s32 $0x0;
	[sflag:s17] =	ssyncadd.s32 $0xFFFF9C00  }
0xea: {  	v1 =	vld [tilespmem:s5+$0x670]  }
0xeb: {  	v2 =	vld [tilespmem:s5+$0x640]  }
0xec: {  	v0 =	vld [tilespmem:s5+$0x650]  }
0xed: {  	s8 =	simm.s32 $0x100;
	v3 =	vld [tilespmem:s5+$0x660]  }
.LBB2_15:
0xee: {  	p0 =	sne.s32 s8, $0x18F00  }
.Ltmp6:
0xef: {  	s10 =	sshra.s32 s8, $0x2;
	s8 =	sadd.s32 $0x100, s8;
	[tilespmem:s5+$0x13270] =	vst v1;
	(pc) =	sbr.rel @p0 .LBB2_15-.Ltmp6, $4  }
0xf0: {  	v1 =	vld [tilespmem:s10+$0x670];
	[tilespmem:s5+$0x13240] =	vst v2  }
0xf1: {  	v2 =	vld [tilespmem:s10+$0x640];
	[tilespmem:s5+$0x13250] =	vst v0  }
0xf2: {  	v0 =	vld [tilespmem:s10+$0x650];
	[tilespmem:s5+$0x13260] =	vst v3;
	s5 =	smov.u32 s10  }
0xf3: {  	v3 =	vld [tilespmem:s5+$0x660]  }
0xf4: {  	_ = 	snop  }
0xf5: {  	s8 =	rddreg [dreg:$0x6];
	[tilespmem:s5+$0x13270] =	vst v1  }
0xf6: {  	s2 =	sadd.s32 s2, s8;
	[tilespmem:s5+$0x13240] =	vst v2  }
0xf7: {  	s2 =	sshrl.u32 s2, $0x3;
	[tilespmem:s5+$0x13250] =	vst v0  }
0xf8: {  	s10 =	simm.s32 $0x0;
	s2 =	sadd.s32 s6, s2;
	[tilespmem:s5+$0x13260] =	vst v3  }
0xf9: {  	[tilespmem:s25], [sflag:$0x4] =	stream.linear.gather [hbm4b:s2+s10], $0x190, $0x38;
	[tilespmem:$0x1FA40] =	vst v63  }
0xfa: {  	_ =	swait.ge [sflag:s20], $0x6400  }
0xfb: {  	[sflag:s20] =	ssyncset.done $0x0  }
0xfc: {  	s2 =	simm.s32 $0x0;
	[sflag:s20] =	ssyncadd.s32 $0xFFFF9C00  }
0xfd: {  	v0 =	vld [tilespmem:s2+$0x670]  }
0xfe: {  	v1 =	vld [tilespmem:s2+$0x640]  }
0xff: {  	v2 =	vld [tilespmem:s2+$0x650]  }
0x100: {  	s5 =	simm.s32 $0x100;
	v3 =	vld [tilespmem:s2+$0x660]  }
.LBB2_17:
0x101: {  	p0 =	sne.s32 s5, $0x18F00  }
.Ltmp7:
0x102: {  	s8 =	sshra.s32 s5, $0x2;
	s5 =	sadd.s32 $0x100, s5;
	[tilespmem:s2+$0x19670] =	vst v0;
	(pc) =	sbr.rel @p0 .LBB2_17-.Ltmp7, $4  }
0x103: {  	v0 =	vld [tilespmem:s8+$0x670];
	[tilespmem:s2+$0x19640] =	vst v1  }
0x104: {  	v1 =	vld [tilespmem:s8+$0x640];
	[tilespmem:s2+$0x19650] =	vst v2  }
0x105: {  	v2 =	vld [tilespmem:s8+$0x650];
	[tilespmem:s2+$0x19660] =	vst v3;
	s2 =	smov.u32 s8  }
0x106: {  	v3 =	vld [tilespmem:s2+$0x660]  }
0x107: {  	_ = 	snop  }
0x108: {  	[tilespmem:s2+$0x19670] =	vst v0  }
0x109: {  	[tilespmem:s2+$0x19640] =	vst v1  }
0x10a: {  	[tilespmem:s2+$0x19650] =	vst v2  }
0x10b: {  	[tilespmem:s2+$0x19660] =	vst v3  }
0x10c: {  	_ =	swait.ge [sflag:s22], $0x190  }
0x10d: {  	[sflag:s22] =	ssyncset.done $0x0  }
0x10e: {  	[sflag:s22] =	ssyncadd.s32 $0xFFFFFE70  }
0x10f: {  	[tilespmem:s28], [sflag:$0x5] =	stream.indirect.gather.add.f32 [hbm:s4], $0x40, s3, s26, $0xb8;
	[tilespmem:$0x1FA40] =	vst v63  }
0x110: {  	s8 =	simm.s32 $0x8A40  }
0x111: {  	[tilespmem:s8], [sflag:$0x5] =	stream.indirect.gather.add.f32 [hbm:s4], $0x40, s26, s26, $0xb8;
	[tilespmem:$0x1FA40] =	vst v63  }
0x112: {  	s10 =	simm.s32 $0x100;
	s5 =	simm.s32 $0xAA40  }
0x113: {  	[tilespmem:s5], [sflag:$0x5] =	stream.indirect.gather.add.f32 [hbm:s4], $0x40, s10, s26, $0xb8;
	[tilespmem:$0x1FA40] =	vst v63  }
0x114: {  	s8 =	simm.s32 $0x180;
	s10 =	simm.s32 $0xCA40  }
0x115: {  	[tilespmem:s10], [sflag:$0x5] =	stream.indirect.gather.add.f32 [hbm:s4], $0x40, s8, s0, $0xb8;
	[tilespmem:$0x1FA40] =	vst v63  }
0x116: {  	_ =	swait.ge [sflag:s7], $0x190  }
0x117: {  	[sflag:s7] =	ssyncset.done $0x0  }
0x118: {  	[sflag:s7] =	ssyncadd.s32 $0xFFFFFE70  }
0x119: {  	[tilespmem:s11], [sflag:$0x6] =	stream.indirect.gather.add.f32 [hbm:s4], $0x40, s23, s26, $0xb8;
	[tilespmem:$0x1FA40] =	vst v63  }
0x11a: {  	s8 =	simm.s32 $0x210;
	s10 =	simm.s32 $0xEE40  }
0x11b: {  	[tilespmem:s10], [sflag:$0x6] =	stream.indirect.gather.add.f32 [hbm:s4], $0x40, s8, s26, $0xb8;
	[tilespmem:$0x1FA40] =	vst v63  }
0x11c: {  	s8 =	simm.s32 $0x290;
	s10 =	simm.s32 $0x10E40  }
0x11d: {  	[tilespmem:s10], [sflag:$0x6] =	stream.indirect.gather.add.f32 [hbm:s4], $0x40, s8, s26, $0xb8;
	[tilespmem:$0x1FA40] =	vst v63  }
0x11e: {  	s8 =	simm.s32 $0x310;
	s10 =	simm.s32 $0x12E40  }
0x11f: {  	[tilespmem:s10], [sflag:$0x6] =	stream.indirect.gather.add.f32 [hbm:s4], $0x40, s8, s0, $0xb8;
	[tilespmem:$0x1FA40] =	vst v63  }
0x120: {  	_ =	swait.ge [sflag:s9], $0x190  }
0x121: {  	[sflag:s9] =	ssyncset.done $0x0  }
0x122: {  	[sflag:s9] =	ssyncadd.s32 $0xFFFFFE70  }
0x123: {  	[tilespmem:s14], [sflag:$0x7] =	stream.indirect.gather.add.f32 [hbm:s4], $0x40, s24, s26, $0xb8;
	[tilespmem:$0x1FA40] =	vst v63  }
0x124: {  	s8 =	simm.s32 $0x3A0;
	s10 =	simm.s32 $0x15240  }
0x125: {  	[tilespmem:s10], [sflag:$0x7] =	stream.indirect.gather.add.f32 [hbm:s4], $0x40, s8, s26, $0xb8;
	[tilespmem:$0x1FA40] =	vst v63  }
0x126: {  	s8 =	simm.s32 $0x420;
	s10 =	simm.s32 $0x17240  }
0x127: {  	[tilespmem:s10], [sflag:$0x7] =	stream.indirect.gather.add.f32 [hbm:s4], $0x40, s8, s26, $0xb8;
	[tilespmem:$0x1FA40] =	vst v63  }
0x128: {  	s8 =	simm.s32 $0x4A0;
	s10 =	simm.s32 $0x19240  }
0x129: {  	[tilespmem:s10], [sflag:$0x7] =	stream.indirect.gather.add.f32 [hbm:s4], $0x40, s8, s0, $0xb8;
	[tilespmem:$0x1FA40] =	vst v63  }
0x12a: {  	_ =	swait.ge [sflag:s12], $0x190  }
0x12b: {  	[sflag:s12] =	ssyncset.done $0x0  }
0x12c: {  	[sflag:s12] =	ssyncadd.s32 $0xFFFFFE70  }
0x12d: {  	[tilespmem:s13], [sflag:$0x8] =	stream.indirect.gather.add.f32 [hbm:s4], $0x40, s25, s26, $0xb8;
	[tilespmem:$0x1FA40] =	vst v63  }
0x12e: {  	s8 =	simm.s32 $0x530;
	s10 =	simm.s32 $0x1B640  }
0x12f: {  	[tilespmem:s10], [sflag:$0x8] =	stream.indirect.gather.add.f32 [hbm:s4], $0x40, s8, s26, $0xb8;
	[tilespmem:$0x1FA40] =	vst v63  }
0x130: {  	s8 =	simm.s32 $0x5B0;
	s10 =	simm.s32 $0x1D640  }
0x131: {  	[tilespmem:s10], [sflag:$0x8] =	stream.indirect.gather.add.f32 [hbm:s4], $0x40, s8, s26, $0xb8;
	[tilespmem:$0x1FA40] =	vst v63  }
0x132: {  	s8 =	simm.s32 $0x630;
	s10 =	simm.s32 $0x1F640  }
0x133: {  	[tilespmem:s10], [sflag:$0x8] =	stream.indirect.gather.add.f32 [hbm:s4], $0x40, s8, s0, $0xb8;
	[tilespmem:$0x1FA40] =	vst v63  }
0x134: {  	_ =	swait.ge [sflag:s30], $0x2000  }
0x135: {  	[sflag:s30] =	ssyncset.done $0x0  }
0x136: {  	[sflag:s30] =	ssyncadd.s32 $0xFFFFE000  }
0x137: {  	_ =	swait.ge [sflag:s30], $0x2000  }
0x138: {  	[sflag:s30] =	ssyncset.done $0x0  }
0x139: {  	[sflag:s30] =	ssyncadd.s32 $0xFFFFE000  }
0x13a: {  	_ =	swait.ge [sflag:s30], $0x2000  }
0x13b: {  	[sflag:s30] =	ssyncset.done $0x0  }
0x13c: {  	[sflag:s30] =	ssyncadd.s32 $0xFFFFE000  }
0x13d: {  	s8 =	sshll.u32 s29, $0x2;
	s10 =	rddreg [dreg:$0x4];
	_ =	swait.ge [sflag:s30], $0x400  }
0x13e: {  	s2 =	sadd.s32 s10, s8;
	[sflag:s30] =	ssyncset.done $0x0  }
0x13f: {  	s5 =	smul.u32 $0xC80, s2;
	[sflag:s30] =	ssyncadd.s32 $0xFFFFFC00  }
0x140: {  	s8 =	rddreg [dreg:$0x1]  }
0x141: {  	s5 =	sadd.s32 s8, s5  }
0x142: {  	[hbm4b:s5+s3] =	stream.linear.scatter [tilespmem:s28], [sflag:$0x9], $0x6400, $0x38;
	[tilespmem:$0x1FA40] =	vst v63  }
0x143: {  	_ =	swait.ge [sflag:s31], $0x2000  }
0x144: {  	[sflag:s31] =	ssyncset.done $0x0  }
0x145: {  	[sflag:s31] =	ssyncadd.s32 $0xFFFFE000  }
0x146: {  	_ =	swait.ge [sflag:s31], $0x2000  }
0x147: {  	[sflag:s31] =	ssyncset.done $0x0  }
0x148: {  	[sflag:s31] =	ssyncadd.s32 $0xFFFFE000  }
0x149: {  	_ =	swait.ge [sflag:s31], $0x2000  }
0x14a: {  	s2 =	smul.u32 $0x6400, s2;
	[sflag:s31] =	ssyncset.done $0x0  }
0x14b: {  	[sflag:s31] =	ssyncadd.s32 $0xFFFFE000  }
0x14c: {  	s2 =	sshrl.u32 s2, $0x3;
	_ =	swait.ge [sflag:s31], $0x400  }
0x14d: {  	s2 =	sadd.s32 s8, s2;
	[sflag:s31] =	ssyncset.done $0x0  }
0x14e: {  	s8 =	sadd.s32 $0xC80, s2;
	[sflag:s31] =	ssyncadd.s32 $0xFFFFFC00  }
0x14f: {  	[hbm4b:s8+s3] =	stream.linear.scatter [tilespmem:s11], [sflag:$0xA], $0x6400, $0x38;
	[tilespmem:$0x1FA40] =	vst v63  }
0x150: {  	_ =	swait.ge [sflag:s1], $0x2000  }
0x151: {  	[sflag:s1] =	ssyncset.done $0x0  }
0x152: {  	[sflag:s1] =	ssyncadd.s32 $0xFFFFE000  }
0x153: {  	_ =	swait.ge [sflag:s1], $0x2000  }
0x154: {  	[sflag:s1] =	ssyncset.done $0x0  }
0x155: {  	[sflag:s1] =	ssyncadd.s32 $0xFFFFE000  }
0x156: {  	_ =	swait.ge [sflag:s1], $0x2000  }
0x157: {  	[sflag:s1] =	ssyncset.done $0x0  }
0x158: {  	[sflag:s1] =	ssyncadd.s32 $0xFFFFE000  }
0x159: {  	_ =	swait.ge [sflag:s1], $0x400  }
0x15a: {  	[sflag:s1] =	ssyncset.done $0x0  }
0x15b: {  	s10 =	sadd.s32 $0x1900, s2;
	[sflag:s1] =	ssyncadd.s32 $0xFFFFFC00  }
0x15c: {  	[hbm4b:s10+s3] =	stream.linear.scatter [tilespmem:s14], [sflag:$0xB], $0x6400, $0x38;
	[tilespmem:$0x1FA40] =	vst v63  }
0x15d: {  	_ =	swait.ge [sflag:s21], $0x2000  }
0x15e: {  	[sflag:s21] =	ssyncset.done $0x0  }
0x15f: {  	[sflag:s21] =	ssyncadd.s32 $0xFFFFE000  }
0x160: {  	_ =	swait.ge [sflag:s21], $0x2000  }
0x161: {  	[sflag:s21] =	ssyncset.done $0x0  }
0x162: {  	[sflag:s21] =	ssyncadd.s32 $0xFFFFE000  }
0x163: {  	s29 =	sadd.s32 $0x1, s29;
	_ =	swait.ge [sflag:s21], $0x2000  }
0x164: {  	p0 =	sne.s32 s29, $0x10;
	[sflag:s21] =	ssyncset.done $0x0  }
.Ltmp8:
0x165: {  	[sflag:s21] =	ssyncadd.s32 $0xFFFFE000;
	(pc) =	sbr.rel @p0 .LBB2_10-.Ltmp8, $4  }
0x166: {  	_ =	swait.ge [sflag:s21], $0x400  }
0x167: {  	[sflag:s21] =	ssyncset.done $0x0  }
0x168: {  	s2 =	sadd.s32 $0x2580, s2;
	[sflag:s21] =	ssyncadd.s32 $0xFFFFFC00  }
0x169: {  	[hbm4b:s2+s3] =	stream.linear.scatter [tilespmem:s13], [sflag:$0xC], $0x6400, $0x38;
	[tilespmem:$0x1FA40] =	vst v63  }
0x16a: {  	_ =	swait.ge [sflag:s15], $0x6400  }
0x16b: {  	[sflag:s15] =	ssyncset.done $0x0  }
0x16c: {  	[sflag:s15] =	ssyncadd.s32 $0xFFFF9C00  }
0x16d: {  	_ =	swait.ge [sflag:s16], $0x6400  }
0x16e: {  	[sflag:s16] =	ssyncset.done $0x0  }
0x16f: {  	[sflag:s16] =	ssyncadd.s32 $0xFFFF9C00  }
0x170: {  	_ =	swait.ge [sflag:s17], $0x6400  }
0x171: {  	[sflag:s17] =	ssyncset.done $0x0  }
0x172: {  	[sflag:s17] =	ssyncadd.s32 $0xFFFF9C00  }
0x173: {  	_ =	swait.ge [sflag:s20], $0x6400  }
0x174: {  	s5 =	rddreg [dreg:$0x10]  }
0x175: {  	s2 =	rddreg [dreg:$0xf];
	s5 =	sadd.s32 $0x1, s5  }
0x176: {  	p0 =	sne.s32 s5, s2  }
.Ltmp9:
0x177: {  	_ = 	snop;
	(pc) =	sbr.rel @p0 .LBB2_1-.Ltmp9, $3  }
0x178: {  	_ =	sdelay $0x1  }
0x179: {  	[sflag:s20] =	ssyncset.done $0x0  }
0x17a: {  	[sflag:s20] =	ssyncadd.s32 $0xFFFF9C00  }
0x17b: {  	_ =	sfence.sel $0x180000  }
0x17c: {  	[bflag:$0x0] =	sbarrier.arrive $0xFFFF  }
0x17d: {  	_ =	strace $0x90000047  }
0x17e: {  	s0 =	stileid.u32;
	[bflag:$0x2] =	sbarrier.arrive $0xFFFF  }
0x17f: {  	p0 =	sne.s32 s0, $0x0;
	s0 =	rddreg [dreg:$0x2]  }
0x180: {  	s0 =	sadd.s32 @!p0 $0x100000, s0  }
0x181: {  	[sflag:s0] =	ssyncadd.tile.s32 @!p0 $0x1;
	_ =	shalt  }
.Lfunc_end2:
_tile_overlayer_lowered:
.L_overlay_start_2:
0x182: {  	(tag) =	ssettag $0x2  }
0x183: {  	s0 =	rddreg [dreg:$0x0];
	s2 =	stileid.u32  }
0x184: {  	s1 =	rddreg [dreg:$0x1];
	p0 =	sne.s32 s2, $0x0  }
0x185: {  	s3 =	rddreg [dreg:$0x2];
	[bflag:$0x3] =	sbarrier.arrive $0xFFFF;
	s2 =	simm.s32 @!p0 $0x1C0D  }
0x186: {  	[timem:s3], [sflag:s2] =	dma.local @!p0 [hbm:s0], s1  }
0x187: {  	s0 =	simm.s32 @!p0 $0xD  }
0x188: {  	_ =	swait.ge @!p0 [sflag:s0], s1  }
0x189: {  	s1 =	ssub.s32 @!p0 $0x0, s1;
	[sflag:s0] =	ssyncset.done @!p0 $0x0  }
0x18a: {  	[sflag:s0] =	ssyncadd.s32 @!p0 s1  }
0x18b: {  	[bflag:$0x3] =	sbarrier.arrive $0xFFFF  }
0x18c: {  	_ =	shalt  }

// kernel: sparse-core-data-format-call.cloned.1.call-start
scs
called_computation_lowered:
.L_overlay_start_0:
0x0: {  	s2 =	sld [smem:$0x3FD9]  }
0x1: {  	s3 =	sld [smem:$0x3FFE];
	_ =	sdelay $0x1  }
0x2: {  	s1 =	srdreg.scid  }
0x3: {  	s0 =	sand.u32 $0x1, s1  }
0x4: {  	s18 =	sshll.u32 s0, $0xA;
	s2 =	sadd.s32 s3, s2  }
0x5: {  	s2 =	sadd.s32 s2, s18  }
0x6: {  	[smem:$0x3FC6] =	sst s2  }
0x7: {  	_ = 	snop  }
0x8: {  	s2 =	sld [smem:$0x3FD0];
	(tm) =	ssettm $0x1  }
0x9: {  	s19 =	sld [smem:$0x3FFB];
	_ =	sdelay $0x3  }
0xa: {  	_ =	strace s19  }
0xb: {  	s3 =	sld [smem:$0x3FFC];
	_ =	sdelay $0x3  }
0xc: {  	_ =	strace s3  }
0xd: {  	s3 =	sld [smem:$0x3FFD];
	_ =	sdelay $0x3  }
0xe: {  	_ =	strace s3  }
0xf: {  	_ =	strace $0x8FFFFFFF  }
0x10: {  	s20 =	sld [smem:$0x3FDB];
	_ =	sdelay $0x1  }
0x11: {  	s4 =	simm.s32 $_scs_section_size  }
0x12: {  	s5 =	simm.s32 $_size__tile_overlayer_lowered;
	s6 =	simm.s32 $_tile_overlayer_lowered  }
0x13: {  	s23 =	simm.s32 $0x1BFF;
	s22 =	sshll.u32 s6, $0x1;
	s3 =	sadd.s32 s4, s20  }
0x14: {  	s7 =	simm.s32 $0x0;
	s21 =	sshll.u32 s5, $0x1;
	s5 =	sadd.s32 s22, s3  }
0x15: {  	[timem:s7], [sflag:s23] =	dma.local [hbm:s5], s21  }
0x16: {  	_ =	swait.ge [sflag:s23], s21  }
0x17: {  	s4 =	ssub.s32 $0x0, s21;
	[sflag:s23] =	ssyncset.done $0x0  }
0x18: {  	[sflag:s23] =	ssyncadd.s32 s4;
	_ =	sdelay $0x1  }
0x19: {  	s24 =	simm.s32 $0x1B8B  }
0x1a: {  	_ =	swait.ge [sflag:s24], $0x1  }
0x1b: {  	[sflag:s24] =	ssyncset.done $0x0  }
0x1c: {  	s26 =	simm.s32 $0x1B8E;
	s25 =	sld [smem:$0x3FFE];
	[sflag:s24] =	ssyncadd.s32 $0xFFFFFFFF  }
0x1d: {  	s27 =	simm.s32 $execute0_lowered;
	[smem:$0x3FD2] =	sst s26  }
0x1e: {  	s5 =	sshll.u32 s27, $0x1;
	_ =	strace $0x80000049;
	[dreg:$0x1] =	wrdreg $0xFFFFFFFF  }
0x1f: {  	s28 =	simm.s32 $_size_execute0_lowered;
	s3 =	sadd.s32 s3, s5;
	[dreg:$0x0] =	wrdreg $0x0  }
0x20: {  	s5 =	sshll.u32 s28, $0x1;
	[dreg:$0x2] =	wrdreg s3  }
0x21: {  	[dreg:$0x3] =	wrdreg s5  }
0x22: {  	[dreg:$0x4] =	wrdreg $0xC0  }
0x23: {  	_ =	task [dreg:s7], $0x5FFFF  }
0x24: {  	[dreg:$0x1] =	wrdreg $0xFFFFFFFF  }
0x25: {  	[dreg:$0x0] =	wrdreg $0x60  }
0x26: {  	[dreg:$0x2] =	wrdreg s25  }
0x27: {  	[dreg:$0x3] =	wrdreg s2  }
0x28: {  	[dreg:$0x4] =	wrdreg $0x9  }
0x29: {  	_ =	task.clear_ibuf [dreg:s7], $0x5FFFF;
	_ =	strace $0x90000049  }
0x2a: {  	s29 =	simm.s32 $0x9;
	_ =	strace $0x8000004B  }
0x2b: {  	_ =	swait.ge [sflag:s29], $0x1  }
0x2c: {  	[sflag:s29] =	ssyncadd.s32 $0xFFFFFFFF  }
0x2d: {  	_ =	strace $0x9000004B  }
0x2e: {  	_ =	sfence  }
0x2f: {  	s30 =	sld [smem:$0x0];
	_ =	sdelay $0x2  }
0x30: {  	s31 =	sshll.u32 s1, $0xD;
	s1 =	sshrl.u32 s1, $0x2  }
0x31: {  	s3 =	sand.u32 $0x4000, s31;
	s1 =	sadd.s32 s1, s30  }
0x32: {  	s0 =	sor.u32 s3, s0;
	s1 =	sshll.u32 s1, $0x11  }
0x33: {  	s0 =	sor.u32 s1, s0  }
0x34: {  	s0 =	sadd.s32 $0x8F2B, s0  }
0x35: {  	[sflag:s0] =	ssyncadd.remote.s32 $0x1  }
0x36: {  	_ =	sfence.sel $0xFFFF  }
0x37: {  	[dreg:$0x0] =	wrdreg $0xFFFFFFFF;
	(pc) =	sbr.abs _section_cstart, $3  }
0x38: {  	[dreg:$0x1] =	wrdreg $0xFFFFFFFF  }
0x39: {  	_ =	task.clear_ibuf [dreg:s7], $0x2FFFF;
	_ =	strace $0x9FFFFFFF  }
0x3a: {  	(tm) =	ssettm $0x7FFFFFFF  }
0x3b: {  	_ =	shalt  }
tec
execute0_lowered:
.L_overlay_start_1:
0x0: {  	(tag) =	ssettag $0x1  }
0x1: {  	s0 =	srdreg.scid  }
0x2: {  	s1 =	sshll.u32 s0, $0x4  }
0x3: {  	s0 =	stileid.u32;
	s1 =	sand.u32 $0x10, s1  }
0x4: {  	s1 =	sor.u32 s0, s1  }
0x5: {  	s6 =	rddreg [dreg:$0x0];
	s4 =	simm.s32 $0x1;
	s2 =	sshll.u32 s1, $0x7  }
0x6: {  	s7 =	simm.s32 $0x2;
	s12 =	simm.s32 $0x0;
	s1 =	ssub.s32 $0x1000, s2  }
0x7: {  	s8 =	simm.s32 $0x8000;
	s13 =	simm.s32 $0x0;
	s3 =	sand.u32 $0xF80, s1  }
0x8: {  	s9 =	simm.s32 $0x0;
	s5 =	sshrl.u32 s1, $0xC;
	p0 =	sne.s32 s3, $0x0  }
.Ltmp0:
0x9: {  	s1 =	rddreg [dreg:$0x2];
	s4 =	simm.s32 @!p0 $0x0;
	(pc) =	sbr.rel .LBB1_1-.Ltmp0, $4  }
0xa: {  	s11 =	simm.s32 $0x0;
	s3 =	rddreg [dreg:$0x1];
	s5 =	sadd.s32 s4, s5  }
0xb: {  	_ =	strace $0x8000004A;
	s4 =	simm.s32 $0x1;
	s5 =	smul.u32 $0xC8, s5  }
0xc: {  	s6 =	sadd.s32 $0xC00, s6;
	s10 =	smov.u32 s2;
	[sflag:s4] =	ssyncpa.u1 $0x0  }
0xd: {  	p0 =	por $0x0, $0x0;
	[sflag:s7] =	ssyncpa.u1 $0x0;
	s7 =	sor.u32 $0x1, s5  }
.LBB1_4:
0xe: {  	s16 =	sshll.u32 s13, $0x3;
	s17 =	sand.u32 $0x78, s13  }
0xf: {  	s30 =	sand.u32 $0x7E00, s13;
	s12 =	sshll.u32 s12, $0xF;
	s16 =	sand.u32 $0xC00, s16  }
0x10: {  	[tilespmem:s15+$0x810 ss:$0x81] =	vst.msk $0xffff, v2;
	s31 =	sand.u32 $0x7, s13;
	s16 =	sor.u32 s17, s16;
	s17 =	sadd.s32 s3, s30  }
0x11: {  	[tilespmem:s15+$0x1020 ss:$0x81] =	vst.msk $0xffff, v0;
	s13 =	sshll.u32 s31, $0x12;
	s12 =	sadd.s32 s12, s17;
	s16 =	sshrl.u32 s16, $0x3  }
0x12: {  	[tilespmem:s15+$0x0 ss:$0x81] =	vst.msk $0xffff, v1;
	s13 =	sor.u32 $0x400, s13;
	s12 =	sadd.s32 s16, s12  }
0x13: {  	[hbm4b:s12+s13] =	stream.strided.scatter [tilespmem:s14], [sflag:$0x2], $0x2000, s8, s13, $0x20;
	[tilespmem:$0x8080] =	vst v63  }
.LBB1_5:
0x14: {  	s14 =	sadd.s32 $0x1, s9  }
0x15: {  	s12 =	sadd.s32 $0x1000, s10;
	s16 =	smov.u32 s10;
	p2 =	sgt.s32 s14, $0xC7  }
0x16: {  	s16 =	smov.u32 @p2 s12  }
0x17: {  	s14 =	simm.s32 @p2 $0x0;
	p2 =	sgt.s32 s16, $0xFFF  }
0x18: {  	s16 =	smov.u32 @p2 s2;
	p2 =	sne.s32 s11, s7  }
.Ltmp1:
0x19: {  	p1 =	slt.u32 s11, $0x2;
	(pc) =	sbr.rel @!p2 .LBB1_6-.Ltmp1, $4  }
0x1a: {  	s15 =	simm.s32 @!p1 $0x2  }
0x1b: {  	s13 =	smov.u32 s10;
	p0 =	por !p0, !p0;
	_ =	swait.ge @!p1 [sflag:s15], $0x2000  }
0x1c: {  	s12 =	smov.u32 s9;
	[sflag:s15] =	ssyncset.done @!p1 $0x0;
	s9 =	smov.u32 s14  }
0x1d: {  	s11 =	sadd.s32 $0x1, s11;
	[sflag:s15] =	ssyncadd.s32 @!p1 $0xFFFFE000;
	s10 =	smov.u32 s16  }
.LBB1_1:
0x1e: {  	p1 =	sge.u32 s11, s5  }
0x1f: {  	s14 =	sand.u32 @!p1 $0x1FFFFFF, s9  }
0x20: {  	s15 =	smulhi.u32 @!p1 $0x147AE15, s14;
	_ =	sdelay $0x1  }
0x21: {  	s15 =	smul.u32 @!p1 $0xC8, s15  }
0x22: {  	s16 =	sxor.u32 @!p1 $0xFFFFFFFF, s11;
	s17 =	smul.u32 @!p1 $0xC80, s10  }
0x23: {  	s31 =	sadd.s32 $0xFFFFFFFF, s11;
	s16 =	sshll.u32 @!p1 s16, $0xD;
	s14 =	ssub.s32 @!p1 s14, s15  }
0x24: {  	s15 =	sand.u32 @!p1 $0x2000, s16;
	s16 =	sadd.s32 @!p1 s6, s17;
	s14 =	sshll.u32 @!p1 s14, $0x4  }
0x25: {  	s17 =	simm.s32 @!p1 $0x6400;
	s14 =	sadd.s32 @!p1 s14, s16;
	s16 =	simm.s32 @!p1 $0x40  }
0x26: {  	[tilespmem:s15], [sflag:$0x1] =	stream.strided.gather @!p1 [hbm4b:s14+s16], $0x2000, s17, s16, $0x38;
	[tilespmem:$0x8080] =	vst v63  }
0x27: {  	p1 =	sge.u32 s31, s5  }
.Ltmp2:
0x28: {  	_ = 	snop;
	(pc) =	sbr.rel @p1 .LBB1_5-.Ltmp2, $1  }
0x29: {  	_ =	sdelay $0x3  }
0x2a: {  	s14 =	simm.s32 $0x1  }
0x2b: {  	_ =	swait.ge [sflag:s4], $0x2000;
	s14 =	simm.s32 @!p0 $0x0  }
0x2c: {  	[sflag:s4] =	ssyncset.done $0x0;
	s15 =	sshll.u32 s14, $0xD  }
0x2d: {  	[sflag:s4] =	ssyncadd.s32 $0xFFFFE000;
	s18 =	sor.u32 $0x20, s15  }
0x2e: {  	s14 =	smul.u32 $0x8100, s14;
	v3 =	vld [tilespmem:s18+$0x10]  }
0x2f: {  	s30 =	sand.u32 $0x1, s11;
	v2 =	vld [tilespmem:s18+$0xFFFFFFF0]  }
0x30: {  	s15 =	smul.u32 $0x8100, s30;
	s14 =	sshrl.u32 s14, $0x2;
	v0 =	vld [tilespmem:s18+$0x0]  }
0x31: {  	v1 =	vld [tilespmem:s18+$0xFFFFFFE0];
	s16 =	sor.u32 $0x4000, s14  }
0x32: {  	s31 =	sshrl.u32 s15, $0x2;
	s15 =	sadd.s32 $0x0, s16  }
0x33: {  	s17 =	simm.s32 $0x4;
	s18 =	sadd.s32 $0x40, s18;
	s14 =	sor.u32 $0x4000, s31;
	[tilespmem:s15+$0x1830 ss:$0x81] =	vst.msk $0xffff, v3  }
.LBB1_3:
0x34: {  	v3 =	vld [tilespmem:s18+$0x10];
	p1 =	sne.s32 s17, $0x1FC;
	[tilespmem:s15+$0x810 ss:$0x81] =	vst.msk $0xffff, v2;
	s19 =	smov.u32 s17;
	s17 =	sadd.s32 $0x4, s17  }
.Ltmp3:
0x35: {  	v2 =	vld [tilespmem:s18+$0xFFFFFFF0];
	[tilespmem:s15+$0x1020 ss:$0x81] =	vst.msk $0xffff, v0;
	(pc) =	sbr.rel @p1 .LBB1_3-.Ltmp3, $4  }
0x36: {  	v0 =	vld [tilespmem:s18+$0x0];
	[tilespmem:s15+$0x0 ss:$0x81] =	vst.msk $0xffff, v1  }
0x37: {  	s15 =	sshra.s32 s19, $0x2;
	v1 =	vld [tilespmem:s18+$0xFFFFFFE0]  }
0x38: {  	s15 =	sadd.s32 s15, s16  }
0x39: {  	s18 =	sadd.s32 $0x40, s18;
	[tilespmem:s15+$0x1830 ss:$0x81] =	vst.msk $0xffff, v3  }
.Ltmp4:
0x3a: {  	_ = 	snop;
	(pc) =	sbr.rel .LBB1_4-.Ltmp4, $1  }
0x3b: {  	_ =	sdelay $0x3  }
.LBB1_6:
0x3c: {  	_ =	sfence.sel $0x180000  }
0x3d: {  	s2 =	simm.s32 $0x1;
	[bflag:$0x0] =	sbarrier.arrive $0xFFFF  }
0x3e: {  	s31 =	simm.s32 $0x2;
	[sflag:s2] =	ssyncpa.u1 $0x1  }
0x3f: {  	[sflag:s31] =	ssyncpa.u1 $0x1  }
0x40: {  	p0 =	sne.s32 s0, $0x0;
	_ =	strace $0x9000004A  }
0x41: {  	s0 =	sadd.s32 @!p0 $0x100000, s1;
	[bflag:$0x2] =	sbarrier.arrive $0xFFFF  }
0x42: {  	[sflag:s0] =	ssyncadd.tile.s32 @!p0 $0x1;
	_ =	shalt  }
.Lfunc_end1:
_tile_overlayer_lowered:
.L_overlay_start_2:
0x43: {  	(tag) =	ssettag $0x2  }
0x44: {  	s0 =	rddreg [dreg:$0x0];
	s2 =	stileid.u32  }
0x45: {  	s1 =	rddreg [dreg:$0x1];
	p0 =	sne.s32 s2, $0x0  }
0x46: {  	s3 =	rddreg [dreg:$0x2];
	[bflag:$0x3] =	sbarrier.arrive $0xFFFF;
	s2 =	simm.s32 @!p0 $0x1C01  }
0x47: {  	[timem:s3], [sflag:s2] =	dma.local @!p0 [hbm:s0], s1  }
0x48: {  	s0 =	simm.s32 @!p0 $0x1  }
0x49: {  	_ =	swait.ge @!p0 [sflag:s0], s1  }
0x4a: {  	s1 =	ssub.s32 @!p0 $0x0, s1;
	[sflag:s0] =	ssyncset.done @!p0 $0x0  }
0x4b: {  	[sflag:s0] =	ssyncadd.s32 @!p0 s1  }
0x4c: {  	[bflag:$0x3] =	sbarrier.arrive $0xFFFF  }
0x4d: {  	_ =	shalt  }

</sc_bundles>
